<compile_context>
chip_gen: v7x
topology: tpu7x:2x2x1
jax: 0.10.2.dev20260603
libtpu: 0.0.44.dev20260713+nightly
codegen_flags: <defaults>
</compile_context>

<pallas_src>
import functools

import jax
import jax.numpy as jnp
import numpy as np
from jax import lax
from jax.experimental import pallas as pl
from jax.experimental.pallas import tpu as pltpu
from jax.experimental.pallas import tpu_sc as plsc

B = 64
Q = 8192
K = 300
KPAD = 304
PBINS = 36
NLM = 10
NVEC_Q = Q // 16
NVEC_K = KPAD // 16

OCC_BASE = 1

_SC_PARAMS = pltpu.CompilerParams(
    needs_layout_passes=False, use_tc_tiling_on_sc=False
)

_IOTA16 = lambda: lax.iota(jnp.int32, 16)


def _gather_elems(table_hbm, idx_ref, dst_ref, n, sem):
  nfull, rem = divmod(n, 128)
  if nfull:
    @pl.loop(0, nfull)
    def _fire(i):
      pltpu.async_copy(
          table_hbm.at[idx_ref.at[pl.ds(i * 128, 128)]],
          dst_ref.at[pl.ds(i * 128, 128)], sem)
  if rem:
    pltpu.async_copy(
        table_hbm.at[idx_ref.at[pl.ds(nfull * 128, rem)]],
        dst_ref.at[pl.ds(nfull * 128, rem)], sem)
  if nfull:
    @pl.loop(0, nfull)
    def _drain(i):
      pltpu.make_async_copy(
          table_hbm.at[idx_ref.at[pl.ds(i * 128, 128)]],
          dst_ref.at[pl.ds(i * 128, 128)], sem).wait()
  if rem:
    pltpu.make_async_copy(
        table_hbm.at[idx_ref.at[pl.ds(nfull * 128, rem)]],
        dst_ref.at[pl.ds(nfull * 128, rem)], sem).wait()


def _sc_topk_gather(scores, boxes_f, lms_f, polar_f, reg_f, mag_f):
  mesh = plsc.VectorSubcoreMesh(core_axis_name="c", subcore_axis_name="s")

  out_type = (
      jax.ShapeDtypeStruct((B, KPAD), jnp.float32),
      jax.ShapeDtypeStruct((B, KPAD), jnp.int32),
      jax.ShapeDtypeStruct((B, 4 * KPAD), jnp.float32),
      jax.ShapeDtypeStruct((B, NLM * KPAD), jnp.float32),
      jax.ShapeDtypeStruct((B, PBINS * KPAD), jnp.float32),
      jax.ShapeDtypeStruct((B, KPAD), jnp.float32),
      jax.ShapeDtypeStruct((B, KPAD), jnp.float32),
  )

  scratch = [
      pltpu.VMEM((Q,), jnp.float32),
      pltpu.VMEM((2048,), jnp.int32),
      pltpu.VMEM((256,), jnp.int32),
      pltpu.VMEM((Q,), jnp.int32),
      pltpu.VMEM((Q,), jnp.int32),
      pltpu.VMEM((Q,), jnp.int32),
      pltpu.VMEM((Q,), jnp.int32),
      pltpu.VMEM((KPAD,), jnp.float32),
      pltpu.VMEM((KPAD,), jnp.int32),
      pltpu.VMEM((KPAD,), jnp.int32),
      pltpu.VMEM((4 * KPAD,), jnp.int32),
      pltpu.VMEM((NLM * KPAD,), jnp.int32),
      pltpu.VMEM((PBINS * KPAD,), jnp.int32),
      pltpu.VMEM((4 * KPAD,), jnp.float32),
      pltpu.VMEM((NLM * KPAD,), jnp.float32),
      pltpu.VMEM((PBINS * KPAD,), jnp.float32),
      pltpu.VMEM((KPAD,), jnp.float32),
      pltpu.VMEM((KPAD,), jnp.float32),
      pltpu.SemaphoreType.DMA,
  ]

  @functools.partial(
      pl.kernel, mesh=mesh, out_type=out_type, scratch_types=scratch,
      compiler_params=_SC_PARAMS,
  )
  def kern(scores_hbm, boxes_hbm, lms_hbm, polar_hbm, reg_hbm, mag_hbm,
           oscore_hbm, oidx_hbm, obox_hbm, olm_hbm, opol_hbm, oreg_hbm,
           omag_hbm, sc_v, hist_v, offs_v, keya_v, idxa_v, keyb_v, idxb_v,
           oscore_v, oidx_v, fidx_v, bxi_v, lmi_v, pli_v, bxg_v, lmg_v,
           plg_v, rgg_v, mgg_v, sem):
    wid = lax.axis_index("s") * 2 + lax.axis_index("c")

    @pl.loop(0, B // 32)
    def _batch(r):
      b = r * 32 + wid

      pltpu.sync_copy(scores_hbm.at[b], sc_v)

      @pl.loop(0, 128)
      def _hz(i):
        hist_v[pl.ds(i * 16, 16)] = jnp.zeros((16,), jnp.int32)

      @pl.loop(0, NVEC_Q)
      def _hist(i):
        key = plsc.bitcast(sc_v[pl.ds(i * 16, 16)], jnp.int32)
        d = lax.shift_right_logical(key, 21)
        occ, last = plsc.scan_count(d)
        cnt = occ + (1 - OCC_BASE)
        plsc.addupdate_scatter(hist_v, [d], cnt, mask=last)

      def _scan_body(i, carry):
        cnt_ge, above, ncand = carry
        base = (127 - i) * 16
        h = hist_v[pl.ds(base, 16)]
        incl = plsc.cumsum(h)
        tot = jnp.max(incl)
        ge = above + tot - incl + h
        is_ge = ge >= K
        cnt_ge = cnt_ge + jnp.sum(jnp.where(is_ge, 1, 0))
        ncand = jnp.minimum(
            ncand, jnp.min(jnp.where(is_ge, ge, jnp.int32(1 << 30))))
        return cnt_ge, above + tot, ncand
      cnt_ge, _, ncand = lax.fori_loop(
          0, 128, _scan_body,
          (jnp.int32(0), jnp.int32(0), jnp.int32(1 << 30)))
      dstar = cnt_ge - 1

      @pl.loop(0, NVEC_K)
      def _zc(i):
        z = jnp.zeros((16,), jnp.int32)
        s = pl.ds(i * 16, 16)
        keya_v[s] = z
        idxa_v[s] = z
        keyb_v[s] = z
        idxb_v[s] = z

      def _compact_body(i, off):
        key = plsc.bitcast(sc_v[pl.ds(i * 16, 16)], jnp.int32)
        d = lax.shift_right_logical(key, 21)
        m = d >= dstar
        mi = jnp.where(m, 1, 0)
        pos = off + plsc.cumsum(mi) - 1
        plsc.store_scatter(keya_v, [pos], key, mask=m)
        plsc.store_scatter(idxa_v, [pos], i * 16 + _IOTA16(), mask=m)
        return off + jnp.sum(mi)
      _ = lax.fori_loop(0, NVEC_Q, _compact_body, jnp.int32(0))

      nvec_c = lax.shift_right_logical(ncand + 15, 4)

      def _radix_pass(shift, src_key, src_idx, dst_key, dst_idx):
        @pl.loop(0, 16)
        def _oz(i):
          offs_v[pl.ds(i * 16, 16)] = jnp.zeros((16,), jnp.int32)

        def _h_body(i, c):
          valid = (i * 16 + _IOTA16()) < ncand
          nk = ~src_key[pl.ds(i * 16, 16)]
          d = lax.shift_right_logical(nk, shift) & 255
          occ, last = plsc.scan_count(d, mask=valid)
          cnt = occ + (1 - OCC_BASE)
          plsc.addupdate_scatter(offs_v, [d], cnt, mask=last & valid)
          return c
        _ = lax.fori_loop(0, nvec_c, _h_body, jnp.int32(0))

        def _p_body(i, c):
          h = offs_v[pl.ds(i * 16, 16)]
          incl = plsc.cumsum(h)
          offs_v[pl.ds(i * 16, 16)] = incl - h + c
          return c + jnp.max(incl)
        _ = lax.fori_loop(0, 16, _p_body, jnp.int32(0))

        def _s_body(i, c):
          valid = (i * 16 + _IOTA16()) < ncand
          k16 = src_key[pl.ds(i * 16, 16)]
          v16 = src_idx[pl.ds(i * 16, 16)]
          d = lax.shift_right_logical(~k16, shift) & 255
          occ, last = plsc.scan_count(d, mask=valid)
          base = plsc.load_gather(offs_v, [d])
          pos = base + occ - OCC_BASE
          plsc.store_scatter(dst_key, [pos], k16, mask=valid)
          plsc.store_scatter(dst_idx, [pos], v16, mask=valid)
          cnt = occ + (1 - OCC_BASE)
          plsc.addupdate_scatter(offs_v, [d], cnt, mask=last & valid)
          return c
        _ = lax.fori_loop(0, nvec_c, _s_body, jnp.int32(0))

      _radix_pass(0, keya_v, idxa_v, keyb_v, idxb_v)
      _radix_pass(8, keyb_v, idxb_v, keya_v, idxa_v)
      _radix_pass(16, keya_v, idxa_v, keyb_v, idxb_v)
      _radix_pass(24, keyb_v, idxb_v, keya_v, idxa_v)

      @pl.loop(0, NVEC_K)
      def _emit(i):
        s = pl.ds(i * 16, 16)
        oscore_v[s] = plsc.bitcast(keya_v[s], jnp.float32)
        oidx_v[s] = idxa_v[s]
        fidx_v[s] = b * Q + idxa_v[s]

      @pl.loop(0, 4 * NVEC_K)
      def _bxidx(i):
        j = i * 16 + _IOTA16()
        src = plsc.load_gather(idxa_v, [lax.shift_right_logical(j, 2)])
        bxi_v[pl.ds(i * 16, 16)] = (b * Q + src) * 4 + (j & 3)

      @pl.loop(0, NLM * NVEC_K)
      def _lmidx(i):
        j = i * 16 + _IOTA16()
        q10 = j // NLM
        src = plsc.load_gather(idxa_v, [q10])
        lmi_v[pl.ds(i * 16, 16)] = (b * Q + src) * NLM + (j - q10 * NLM)

      @pl.loop(0, PBINS * NVEC_K)
      def _plidx(i):
        j = i * 16 + _IOTA16()
        q36 = j // PBINS
        src = plsc.load_gather(idxa_v, [q36])
        pli_v[pl.ds(i * 16, 16)] = (b * Q + src) * PBINS + (j - q36 * PBINS)

      _gather_elems(boxes_hbm, bxi_v, bxg_v, 4 * KPAD, sem)
      _gather_elems(lms_hbm, lmi_v, lmg_v, NLM * KPAD, sem)
      _gather_elems(polar_hbm, pli_v, plg_v, PBINS * KPAD, sem)
      _gather_elems(reg_hbm, fidx_v, rgg_v, KPAD, sem)
      _gather_elems(mag_hbm, fidx_v, mgg_v, KPAD, sem)

      pltpu.sync_copy(oscore_v, oscore_hbm.at[b])
      pltpu.sync_copy(oidx_v, oidx_hbm.at[b])
      pltpu.sync_copy(bxg_v, obox_hbm.at[b])
      pltpu.sync_copy(lmg_v, olm_hbm.at[b])
      pltpu.sync_copy(plg_v, opol_hbm.at[b])
      pltpu.sync_copy(rgg_v, oreg_hbm.at[b])
      pltpu.sync_copy(mgg_v, omag_hbm.at[b])

  return kern(scores, boxes_f, lms_f, polar_f, reg_f, mag_f)


def _tc_post(boxes_g, lms_g, polar_g, reg_g, scale4, scale10):
  bin_size = 2.0 * np.pi / PBINS

  def body(bx_ref, lm_ref, pol_ref, rg_ref, s4_ref, s10_ref,
           obox_ref, olm_ref, obin_ref, oconf_ref, orad_ref, odeg_ref):
    bx = bx_ref[0]
    cx = bx[:, 0:1]
    cy = bx[:, 1:2]
    w = bx[:, 2:3]
    h = bx[:, 3:4]
    xyxy = jnp.concatenate(
        [cx - 0.5 * w, cy - 0.5 * h, cx + 0.5 * w, cy + 0.5 * h], axis=-1)
    obox_ref[0] = xyxy * s4_ref[0]

    olm_ref[0] = lm_ref[0] * s10_ref[0]

    pal = pol_ref[0]
    m = jnp.max(pal, axis=-1, keepdims=True)
    e = jnp.exp(pal - m)
    probs = e / jnp.sum(e, axis=-1, keepdims=True)
    pmax = jnp.max(probs, axis=-1, keepdims=True)
    iota = lax.broadcasted_iota(jnp.int32, probs.shape, 1)
    first = jnp.min(jnp.where(probs == pmax, iota, PBINS), axis=-1)
    obin_ref[0, 0] = first
    oconf_ref[0, 0] = pmax[:, 0]

    centers = (first.astype(jnp.float32) + 0.5) * bin_size
    rad = centers + rg_ref[0, 0] * bin_size
    orad_ref[0, 0] = rad
    odeg_ref[0, 0] = rad * 180.0 / np.pi

  bs = lambda *shape: pl.BlockSpec(
      (1,) + shape, lambda i: (i,) + (0,) * len(shape))
  out_shape = (
      jax.ShapeDtypeStruct((B, KPAD, 4), jnp.float32),
      jax.ShapeDtypeStruct((B, KPAD, NLM), jnp.float32),
      jax.ShapeDtypeStruct((B, 1, KPAD), jnp.int32),
      jax.ShapeDtypeStruct((B, 1, KPAD), jnp.float32),
      jax.ShapeDtypeStruct((B, 1, KPAD), jnp.float32),
      jax.ShapeDtypeStruct((B, 1, KPAD), jnp.float32),
  )
  return pl.pallas_call(
      body,
      grid=(B,),
      in_specs=[bs(KPAD, 4), bs(KPAD, NLM), bs(KPAD, PBINS), bs(1, KPAD),
                bs(1, 4), bs(1, NLM)],
      out_specs=(bs(KPAD, 4), bs(KPAD, NLM), bs(1, KPAD), bs(1, KPAD),
                 bs(1, KPAD), bs(1, KPAD)),
      out_shape=out_shape,
  )(boxes_g, lms_g, polar_g, reg_g.reshape(B, 1, KPAD),
    scale4.reshape(B, 1, 4), scale10.reshape(B, 1, NLM))


def kernel(pred_logits, pred_boxes, pred_landmarks, polar_angle_logits,
           polar_angle_reg, polar_magnitude, orig_target_sizes):
  sizes = orig_target_sizes.astype(jnp.float32)

  scores = jax.nn.sigmoid(pred_logits[..., 0])

  one = (orig_target_sizes[0, 0] * 0 + 1).astype(jnp.float32)
  boxes_f = (pred_boxes * one).reshape(-1)
  lms_f = (pred_landmarks * one).reshape(-1)
  polar_f = (polar_angle_logits * one).reshape(-1)
  reg_f = (polar_angle_reg * one).reshape(-1)
  mag_f = (polar_magnitude * one).reshape(-1)

  (tscore, tidx, boxes_g, lms_g, polar_g, reg_g, mag_g) = _sc_topk_gather(
      scores, boxes_f, lms_f, polar_f, reg_f, mag_f)
  del tidx

  boxes_g = boxes_g.reshape(B, KPAD, 4)
  lms_g = lms_g.reshape(B, KPAD, NLM)
  polar_g = polar_g.reshape(B, KPAD, PBINS)

  scale4 = jnp.tile(sizes, (1, 2))
  scale10 = jnp.tile(sizes, (1, NLM // 2))

  boxes_o, lms_o, bin_o, conf_o, rad_o, deg_o = _tc_post(
      boxes_g, lms_g, polar_g, reg_g, scale4, scale10)

  labels = jnp.zeros((B, K), jnp.int32)
  return (labels, boxes_o[:, :K, :], tscore[:, :K], lms_o[:, :K, :],
          bin_o[:, 0, :K], conf_o[:, 0, :K], reg_g[:, :K], mag_g[:, :K],
          rad_o[:, 0, :K], deg_o[:, 0, :K])

# --- scband reference (transcript-rebuilt; emitter-appended) ---
"""Pipeline reference for scband-polar-face-post-processor-26182120636940 (READ-ONLY COPY).

The authoritative reference and input builder live on the scoring server;
editing this copy changes nothing except your own understanding.
"""

import jax, jax.numpy as jnp
import numpy as np

NUM_CLASSES = 1
NUM_TOP = 300
POLAR_BINS = 36
NUM_LANDMARKS = 5


def setup_inputs(seed: int = 0) -> dict:
    key = jax.random.key(seed)
    ks = jax.random.split(key, 7)
    B, Q = 64, 8192
    return {
        "pred_logits": jax.random.normal(ks[0], (B, Q, NUM_CLASSES), dtype=jnp.float32),
        "pred_boxes": jax.random.uniform(ks[1], (B, Q, 4), dtype=jnp.float32),
        "pred_landmarks": jax.random.uniform(ks[2], (B, Q, NUM_LANDMARKS * 2), dtype=jnp.float32),
        "polar_angle_logits": jax.random.normal(ks[3], (B, Q, POLAR_BINS), dtype=jnp.float32),
        "polar_angle_reg": jax.random.normal(ks[4], (B, Q, 1), dtype=jnp.float32),
        "polar_magnitude": jax.random.uniform(ks[5], (B, Q, 1), dtype=jnp.float32),
        "orig_target_sizes": jax.random.randint(ks[6], (B, 2), 256, 1280, dtype=jnp.int32),
    }


def reference(pred_logits, pred_boxes, pred_landmarks, polar_angle_logits,
              polar_angle_reg, polar_magnitude, orig_target_sizes):
    sizes = orig_target_sizes.astype(jnp.float32)  # [B, 2] (w, h)
    B = pred_logits.shape[0]

    # cxcywh -> xyxy (torchvision.ops.box_convert)
    cx, cy, w, h = jnp.split(pred_boxes, 4, axis=-1)
    bbox_pred = jnp.concatenate([cx - 0.5 * w, cy - 0.5 * h,
                                 cx + 0.5 * w, cy + 0.5 * h], axis=-1)
    bbox_pred = bbox_pred * jnp.tile(sizes, (1, 2))[:, None, :]

    # focal-loss path: sigmoid scores + flattened top-k
    scores_all = jax.nn.sigmoid(pred_logits)
    flat = scores_all.reshape(B, -1)
    scores, index = jax.lax.top_k(flat, NUM_TOP)
    labels = index % NUM_CLASSES  # mod(a, b) = a - a//b*b for positive ints
    index = index // NUM_CLASSES

    boxes = jnp.take_along_axis(bbox_pred, index[:, :, None], axis=1)

    # landmarks: gather + scale to original image size
    lms = jnp.take_along_axis(pred_landmarks, index[:, :, None], axis=1)
    lms = lms.reshape(B, NUM_TOP, NUM_LANDMARKS, 2) * sizes[:, None, None, :]
    landmarks = lms.reshape(B, NUM_TOP, NUM_LANDMARKS * 2)

    # polar angle classification head
    pal = jnp.take_along_axis(polar_angle_logits, index[:, :, None], axis=1)
    probs = jax.nn.softmax(pal, axis=-1)
    angle_bin = jnp.argmax(probs, axis=-1)
    angle_confidence = jnp.max(probs, axis=-1)

    # polar angle regression head
    par = jnp.take_along_axis(polar_angle_reg, index[:, :, None], axis=1)
    angle_offset = par[..., 0]

    # polar magnitude head
    pm = jnp.take_along_axis(polar_magnitude, index[:, :, None], axis=1)
    magnitude = pm[..., 0]

    # combine bin + offset into continuous angle
    bin_size = 2.0 * np.pi / POLAR_BINS
    bin_centers = (angle_bin.astype(jnp.float32) + 0.5) * bin_size
    angle_radians = bin_centers + angle_offset * bin_size
    angle_degrees = angle_radians * 180.0 / np.pi

    return (labels, boxes, scores, landmarks, angle_bin, angle_confidence,
            angle_offset, magnitude, angle_radians, angle_degrees)

if __name__ == "__main__":
    import jax
    _d = setup_inputs()
    print(jax.jit(kernel)(*tuple(_d.values())))

</pallas_src>

<mosaic_0001>
#map = affine_map<(d0, d1) -> (0, 0)>
#map1 = affine_map<(d0, d1) -> (0)>
module attributes {stable_mosaic.version = 14 : i64} {
  func.func @kern(%arg0: i32, %arg1: i32, %arg2: memref<64x8192xf32, #tpu.memory_space<hbm>>, %arg3: memref<2097152xf32, #tpu.memory_space<hbm>>, %arg4: memref<5242880xf32, #tpu.memory_space<hbm>>, %arg5: memref<18874368xf32, #tpu.memory_space<hbm>>, %arg6: memref<524288xf32, #tpu.memory_space<hbm>>, %arg7: memref<524288xf32, #tpu.memory_space<hbm>>, %arg8: memref<64x304xf32, #tpu.memory_space<hbm>>, %arg9: memref<64x304xi32, #tpu.memory_space<hbm>>, %arg10: memref<64x1216xf32, #tpu.memory_space<hbm>>, %arg11: memref<64x3040xf32, #tpu.memory_space<hbm>>, %arg12: memref<64x10944xf32, #tpu.memory_space<hbm>>, %arg13: memref<64x304xf32, #tpu.memory_space<hbm>>, %arg14: memref<64x304xf32, #tpu.memory_space<hbm>>, %arg15: memref<8192xf32, #tpu.memory_space<vmem>>, %arg16: memref<2048xi32, #tpu.memory_space<vmem>>, %arg17: memref<256xi32, #tpu.memory_space<vmem>>, %arg18: memref<8192xi32, #tpu.memory_space<vmem>>, %arg19: memref<8192xi32, #tpu.memory_space<vmem>>, %arg20: memref<8192xi32, #tpu.memory_space<vmem>>, %arg21: memref<8192xi32, #tpu.memory_space<vmem>>, %arg22: memref<304xf32, #tpu.memory_space<vmem>>, %arg23: memref<304xi32, #tpu.memory_space<vmem>>, %arg24: memref<304xi32, #tpu.memory_space<vmem>>, %arg25: memref<1216xi32, #tpu.memory_space<vmem>>, %arg26: memref<3040xi32, #tpu.memory_space<vmem>>, %arg27: memref<10944xi32, #tpu.memory_space<vmem>>, %arg28: memref<1216xf32, #tpu.memory_space<vmem>>, %arg29: memref<3040xf32, #tpu.memory_space<vmem>>, %arg30: memref<10944xf32, #tpu.memory_space<vmem>>, %arg31: memref<304xf32, #tpu.memory_space<vmem>>, %arg32: memref<304xf32, #tpu.memory_space<vmem>>, %arg33: memref<!tpu.dma_semaphore, #tpu.memory_space<semaphore_mem>>) attributes {dimension_semantics = [#tpu.dimension_semantics<core_parallel>, #tpu.dimension_semantics<subcore_parallel>], iteration_bounds = array<i64: 2, 16>, scalar_prefetch = 0 : i64, scratch_operands = 19 : i64, tpu.core_type = #tpu.core_type<sc_vector_subcore>, window_params = [{transform_indices = #map}, {transform_indices = #map1}, {transform_indices = #map1}, {transform_indices = #map1}, {transform_indices = #map1}, {transform_indices = #map1}, {transform_indices = #map}, {transform_indices = #map}, {transform_indices = #map}, {transform_indices = #map}, {transform_indices = #map}, {transform_indices = #map}, {transform_indices = #map}]} {
    %mul3A = arith.constant 2 : i32
    %mul3A_0 = arith.muli %arg1, %mul3A : i32
    %add3A = arith.addi %mul3A_0, %arg0 : i32
    %scan3A = arith.constant 0 : i32
    %scan3A_1 = arith.constant 2 : i32
    %scan3A_2 = arith.addi %scan3A, %scan3A_1 : i32
    %scan3A_3 = arith.constant 1 : i32
    scf.for %scan3A_5 = %scan3A to %scan3A_2 step %scan3A_3  : i32 {
      %mul3A_6 = arith.constant 1 : i32
      %mul3A_7 = arith.muli %scan3A_5, %mul3A_6 : i32
      %add3A_8 = arith.constant 0 : i32
      %add3A_9 = arith.addi %add3A_8, %mul3A_7 : i32
      %mul3A_10 = arith.constant 32 : i32
      %mul3A_11 = arith.muli %add3A_9, %mul3A_10 : i32
      %add3A_12 = arith.addi %mul3A_11, %add3A : i32
      "tpu.region"() ({
        %run_scoped3A = tpu.sem_alloc : memref<!tpu.dma_semaphore, #tpu.memory_space<semaphore_mem>>
        %dma_start3A_303 = arith.constant 0 : i32
        %dma_start3A_304 = tpu.memref_slice %arg2[%add3A_12, %dma_start3A_303] : memref<64x8192xf32, #tpu.memory_space<hbm>> -> memref<1x8192xf32, #tpu.memory_space<hbm>>
        %dma_start3A_305 = tpu.memref_squeeze %dma_start3A_304 : memref<1x8192xf32, #tpu.memory_space<hbm>> -> memref<8192xf32, #tpu.memory_space<hbm>>
        %dma_start3A_306 = arith.constant 0 : i32
        %dma_start3A_307 = tpu.memref_slice %arg2[%add3A_12, %dma_start3A_306] : memref<64x8192xf32, #tpu.memory_space<hbm>> -> memref<1x8192xf32, #tpu.memory_space<hbm>>
        %dma_start3A_308 = tpu.memref_squeeze %dma_start3A_307 : memref<1x8192xf32, #tpu.memory_space<hbm>> -> memref<8192xf32, #tpu.memory_space<hbm>>
        tpu.enqueue_dma source(%dma_start3A_308 : memref<8192xf32, #tpu.memory_space<hbm>>) target(%arg15 : memref<8192xf32, #tpu.memory_space<vmem>>) target_semaphore(%run_scoped3A : memref<!tpu.dma_semaphore, #tpu.memory_space<semaphore_mem>>)
        %dma_wait3A_309 = arith.constant 0 : i32
        %dma_wait3A_310 = tpu.memref_slice %arg2[%add3A_12, %dma_wait3A_309] : memref<64x8192xf32, #tpu.memory_space<hbm>> -> memref<1x8192xf32, #tpu.memory_space<hbm>>
        %dma_wait3A_311 = tpu.memref_squeeze %dma_wait3A_310 : memref<1x8192xf32, #tpu.memory_space<hbm>> -> memref<8192xf32, #tpu.memory_space<hbm>>
        %dma_wait3A_312 = arith.constant 0 : i32
        %dma_wait3A_313 = tpu.memref_slice %arg2[%add3A_12, %dma_wait3A_312] : memref<64x8192xf32, #tpu.memory_space<hbm>> -> memref<1x8192xf32, #tpu.memory_space<hbm>>
        %dma_wait3A_314 = tpu.memref_squeeze %dma_wait3A_313 : memref<1x8192xf32, #tpu.memory_space<hbm>> -> memref<8192xf32, #tpu.memory_space<hbm>>
        tpu.wait_dma2 semaphore(%run_scoped3A : memref<!tpu.dma_semaphore, #tpu.memory_space<semaphore_mem>>) src(%dma_wait3A_314 : memref<8192xf32, #tpu.memory_space<hbm>>) dst(%arg15 : memref<8192xf32, #tpu.memory_space<vmem>>)
        tpu.yield
      }) : () -> ()
      %scan3A_13 = arith.constant 0 : i32
      %scan3A_14 = arith.constant 128 : i32
      %scan3A_15 = arith.addi %scan3A_13, %scan3A_14 : i32
      %scan3A_16 = arith.constant 1 : i32
      scf.for %scan3A_303 = %scan3A_13 to %scan3A_15 step %scan3A_16  : i32 {
        %mul3A_304 = arith.constant 1 : i32
        %mul3A_305 = arith.muli %scan3A_303, %mul3A_304 : i32
        %add3A_306 = arith.constant 0 : i32
        %add3A_307 = arith.addi %add3A_306, %mul3A_305 : i32
        %broadcast_in_dim3A = arith.constant 0 : i32
        %broadcast_in_dim3A_308 = vector.broadcast %broadcast_in_dim3A : i32 to vector<16xi32>
        %mul3A_309 = arith.constant 16 : i32
        %mul3A_310 = arith.muli %add3A_307, %mul3A_309 : i32
        %swap3A = arith.index_cast %mul3A_310 : i32 to index
        %swap3A_311 = tpu.vector_load %arg16[%swap3A] {strides = array<i32>} : memref<2048xi32, #tpu.memory_space<vmem>>, vector<16xi32>,
        tpu.vector_store %arg16[%swap3A], %broadcast_in_dim3A_308 {strides = array<i32>} : memref<2048xi32, #tpu.memory_space<vmem>>, vector<16xi32>,
      }
      %scan3A_17 = arith.constant 128 : i32
      %scan3A_18 = arith.constant 0 : i32
      %scan3A_19 = arith.constant 512 : i32
      %scan3A_20 = arith.addi %scan3A_18, %scan3A_19 : i32
      %scan3A_21 = arith.constant 1 : i32
      scf.for %scan3A_303 = %scan3A_18 to %scan3A_20 step %scan3A_21  : i32 {
        %mul3A_304 = arith.constant 1 : i32
        %mul3A_305 = arith.muli %scan3A_303, %mul3A_304 : i32
        %add3A_306 = arith.constant 0 : i32
        %add3A_307 = arith.addi %add3A_306, %mul3A_305 : i32
        %mul3A_308 = arith.constant 16 : i32
        %mul3A_309 = arith.muli %add3A_307, %mul3A_308 : i32
        %get3A = arith.index_cast %mul3A_309 : i32 to index
        %get3A_310 = tpu.vector_load %arg15[%get3A] {strides = array<i32>} : memref<8192xf32, #tpu.memory_space<vmem>>, vector<16xf32>,
        %bitcast3A = vector.bitcast %get3A_310 : vector<16xf32> to vector<16xi32>
        %shift_right_logical3A_311 = arith.constant 21 : i32
        %shift_right_logical3A_312 = vector.broadcast %shift_right_logical3A_311 : i32 to vector<16xi32>
        %shift_right_logical3A_313 = arith.shrui %bitcast3A, %shift_right_logical3A_312 : vector<16xi32>
        %broadcast_in_dim3A = arith.constant true
        %broadcast_in_dim3A_314 = vector.broadcast %broadcast_in_dim3A : i1 to vector<16xi1>
        %unique3A, %unique3A_315 = tpu.scan_count mask(%broadcast_in_dim3A_314 : vector<16xi1>) value(%shift_right_logical3A_313 : vector<16xi32>) : vector<16xi1>, vector<16xi32>
        %add3A_316 = arith.constant 0 : i32
        %add3A_317 = vector.broadcast %add3A_316 : i32 to vector<16xi32>
        %add3A_318 = arith.addi %unique3A_315, %add3A_317 : vector<16xi32>
        tpu.vector_store_idx %arg16[%shift_right_logical3A_313], %add3A_318 masked %unique3A {add = true} : memref<2048xi32, #tpu.memory_space<vmem>>[vector<16xi32>], vector<16xi32>, vector<16xi1>
      }
      %scan3A_22 = arith.constant 512 : i32
      %scan3A_23 = arith.constant 0 : i32
      %scan3A_24 = arith.constant 0 : i32
      %scan3A_25 = arith.constant 1073741824 : i32
      %scan3A_26 = arith.constant 0 : i32
      %scan3A_27 = arith.constant 128 : i32
      %scan3A_28 = arith.addi %scan3A_26, %scan3A_27 : i32
      %scan3A_29 = arith.constant 1 : i32
      %scan3A_30:3 = scf.for %scan3A_303 = %scan3A_26 to %scan3A_28 step %scan3A_29 iter_args(%scan3A_304 = %scan3A_23, %scan3A_305 = %scan3A_24, %scan3A_306 = %scan3A_25) -> (i32, i32, i32)  : i32 {
        %sub3A_307 = arith.constant 127 : i32
        %sub3A_308 = arith.subi %sub3A_307, %scan3A_303 : i32
        %mul3A_309 = arith.constant 16 : i32
        %mul3A_310 = arith.muli %sub3A_308, %mul3A_309 : i32
        %get3A = arith.index_cast %mul3A_310 : i32 to index
        %get3A_311 = tpu.vector_load %arg16[%get3A] {strides = array<i32>} : memref<2048xi32, #tpu.memory_space<vmem>>, vector<16xi32>,
        %broadcast_in_dim3A = arith.constant true
        %broadcast_in_dim3A_312 = vector.broadcast %broadcast_in_dim3A : i1 to vector<16xi1>
        %masked_cumsum3A = tpu.scan <sum>, %get3A_311 masked %broadcast_in_dim3A_312 : vector<16xi32>, vector<16xi1> -> vector<16xi32>
        %reduce_max3A = arith.constant true
        %reduce_max3A_313 = vector.broadcast %reduce_max3A : i1 to vector<16xi1>
        %reduce_max3A_314 = arith.constant -2147483648 : i32
        %reduce_max3A_315 = vector.broadcast %reduce_max3A_314 : i32 to vector<16xi32>
        %reduce_max3A_316 = arith.xori %masked_cumsum3A, %reduce_max3A_315 : vector<16xi32>
        %reduce_max3A_317 = tpu.scan <max>, %reduce_max3A_316 masked %reduce_max3A_313 : vector<16xi32>, vector<16xi1> -> vector<16xi32>
        %reduce_max3A_318 = arith.xori %reduce_max3A_317, %reduce_max3A_315 : vector<16xi32>
        %reduce_max3A_319 = vector.extract %reduce_max3A_318[15] : i32 from vector<16xi32>
        %add3A_320 = arith.addi %scan3A_305, %reduce_max3A_319 : i32
        %sub3A_321 = vector.broadcast %add3A_320 : i32 to vector<16xi32>
        %sub3A_322 = arith.subi %sub3A_321, %masked_cumsum3A : vector<16xi32>
        %add3A_323 = arith.addi %sub3A_322, %get3A_311 : vector<16xi32>
        %ge3A = arith.constant 300 : i32
        %ge3A_324 = vector.broadcast %ge3A : i32 to vector<16xi32>
        %ge3A_325 = arith.cmpi sge, %add3A_323, %ge3A_324 : vector<16xi32>
        %jit3A = arith.constant 1 : i32
        %jit3A_326 = arith.constant 0 : i32
        %broadcast_in_dim3A_327 = vector.broadcast %jit3A : i32 to vector<16xi32>
        %broadcast_in_dim3A_328 = vector.broadcast %jit3A_326 : i32 to vector<16xi32>
        %select_n3A = arith.select %ge3A_325, %broadcast_in_dim3A_327, %broadcast_in_dim3A_328 : vector<16xi1>, vector<16xi32>
        %reduce_sum3A = arith.constant true
        %reduce_sum3A_329 = vector.broadcast %reduce_sum3A : i1 to vector<16xi1>
        %reduce_sum3A_330 = tpu.scan <sum>, %select_n3A masked %reduce_sum3A_329 : vector<16xi32>, vector<16xi1> -> vector<16xi32>
        %reduce_sum3A_331 = vector.extract %reduce_sum3A_330[15] : i32 from vector<16xi32>
        %add3A_332 = arith.addi %scan3A_304, %reduce_sum3A_331 : i32
        %jit3A_333 = arith.constant 1073741824 : i32
        %broadcast_in_dim3A_334 = vector.broadcast %jit3A_333 : i32 to vector<16xi32>
        %select_n3A_335 = arith.select %ge3A_325, %add3A_323, %broadcast_in_dim3A_334 : vector<16xi1>, vector<16xi32>
        %reduce_min3A = arith.constant true
        %reduce_min3A_336 = vector.broadcast %reduce_min3A : i1 to vector<16xi1>
        %reduce_min3A_337 = arith.constant -2147483648 : i32
        %reduce_min3A_338 = vector.broadcast %reduce_min3A_337 : i32 to vector<16xi32>
        %reduce_min3A_339 = arith.xori %select_n3A_335, %reduce_min3A_338 : vector<16xi32>
        %reduce_min3A_340 = tpu.scan <min>, %reduce_min3A_339 masked %reduce_min3A_336 : vector<16xi32>, vector<16xi1> -> vector<16xi32>
        %reduce_min3A_341 = arith.xori %reduce_min3A_340, %reduce_min3A_338 : vector<16xi32>
        %reduce_min3A_342 = vector.extract %reduce_min3A_341[15] : i32 from vector<16xi32>
        %min3A = arith.minsi %scan3A_306, %reduce_min3A_342 : i32
        %add3A_343 = arith.addi %scan3A_305, %reduce_max3A_319 : i32
        scf.yield %add3A_332, %add3A_343, %min3A : i32, i32, i32
      }
      %scan3A_31 = arith.constant 128 : i32
      %sub3A = arith.constant 1 : i32
      %sub3A_32 = arith.subi %scan3A_30#0, %sub3A : i32
      %scan3A_33 = arith.constant 0 : i32
      %scan3A_34 = arith.constant 19 : i32
      %scan3A_35 = arith.addi %scan3A_33, %scan3A_34 : i32
      %scan3A_36 = arith.constant 1 : i32
      scf.for %scan3A_303 = %scan3A_33 to %scan3A_35 step %scan3A_36  : i32 {
        %mul3A_304 = arith.constant 1 : i32
        %mul3A_305 = arith.muli %scan3A_303, %mul3A_304 : i32
        %add3A_306 = arith.constant 0 : i32
        %add3A_307 = arith.addi %add3A_306, %mul3A_305 : i32
        %broadcast_in_dim3A = arith.constant 0 : i32
        %broadcast_in_dim3A_308 = vector.broadcast %broadcast_in_dim3A : i32 to vector<16xi32>
        %mul3A_309 = arith.constant 16 : i32
        %mul3A_310 = arith.muli %add3A_307, %mul3A_309 : i32
        %swap3A = arith.index_cast %mul3A_310 : i32 to index
        %swap3A_311 = tpu.vector_load %arg18[%swap3A] {strides = array<i32>} : memref<8192xi32, #tpu.memory_space<vmem>>, vector<16xi32>,
        tpu.vector_store %arg18[%swap3A], %broadcast_in_dim3A_308 {strides = array<i32>} : memref<8192xi32, #tpu.memory_space<vmem>>, vector<16xi32>,
        %swap3A_312 = arith.index_cast %mul3A_310 : i32 to index
        %swap3A_313 = tpu.vector_load %arg19[%swap3A_312] {strides = array<i32>} : memref<8192xi32, #tpu.memory_space<vmem>>, vector<16xi32>,
        tpu.vector_store %arg19[%swap3A_312], %broadcast_in_dim3A_308 {strides = array<i32>} : memref<8192xi32, #tpu.memory_space<vmem>>, vector<16xi32>,
        %swap3A_314 = arith.index_cast %mul3A_310 : i32 to index
        %swap3A_315 = tpu.vector_load %arg20[%swap3A_314] {strides = array<i32>} : memref<8192xi32, #tpu.memory_space<vmem>>, vector<16xi32>,
        tpu.vector_store %arg20[%swap3A_314], %broadcast_in_dim3A_308 {strides = array<i32>} : memref<8192xi32, #tpu.memory_space<vmem>>, vector<16xi32>,
        %swap3A_316 = arith.index_cast %mul3A_310 : i32 to index
        %swap3A_317 = tpu.vector_load %arg21[%swap3A_316] {strides = array<i32>} : memref<8192xi32, #tpu.memory_space<vmem>>, vector<16xi32>,
        tpu.vector_store %arg21[%swap3A_316], %broadcast_in_dim3A_308 {strides = array<i32>} : memref<8192xi32, #tpu.memory_space<vmem>>, vector<16xi32>,
      }
      %scan3A_37 = arith.constant 19 : i32
      %scan3A_38 = arith.constant 0 : i32
      %scan3A_39 = arith.constant 0 : i32
      %scan3A_40 = arith.constant 512 : i32
      %scan3A_41 = arith.addi %scan3A_39, %scan3A_40 : i32
      %scan3A_42 = arith.constant 1 : i32
      %scan3A_43 = scf.for %scan3A_303 = %scan3A_39 to %scan3A_41 step %scan3A_42 iter_args(%scan3A_304 = %scan3A_38) -> (i32)  : i32 {
        %mul3A_305 = arith.constant 16 : i32
        %mul3A_306 = arith.muli %scan3A_303, %mul3A_305 : i32
        %get3A = arith.index_cast %mul3A_306 : i32 to index
        %get3A_307 = tpu.vector_load %arg15[%get3A] {strides = array<i32>} : memref<8192xf32, #tpu.memory_space<vmem>>, vector<16xf32>,
        %bitcast3A = vector.bitcast %get3A_307 : vector<16xf32> to vector<16xi32>
        %shift_right_logical3A_308 = arith.constant 21 : i32
        %shift_right_logical3A_309 = vector.broadcast %shift_right_logical3A_308 : i32 to vector<16xi32>
        %shift_right_logical3A_310 = arith.shrui %bitcast3A, %shift_right_logical3A_309 : vector<16xi32>
        %ge3A = vector.broadcast %sub3A_32 : i32 to vector<16xi32>
        %ge3A_311 = arith.cmpi sge, %shift_right_logical3A_310, %ge3A : vector<16xi32>
        %jit3A = arith.constant 1 : i32
        %jit3A_312 = arith.constant 0 : i32
        %broadcast_in_dim3A = vector.broadcast %jit3A : i32 to vector<16xi32>
        %broadcast_in_dim3A_313 = vector.broadcast %jit3A_312 : i32 to vector<16xi32>
        %select_n3A = arith.select %ge3A_311, %broadcast_in_dim3A, %broadcast_in_dim3A_313 : vector<16xi1>, vector<16xi32>
        %broadcast_in_dim3A_314 = arith.constant true
        %broadcast_in_dim3A_315 = vector.broadcast %broadcast_in_dim3A_314 : i1 to vector<16xi1>
        %masked_cumsum3A = tpu.scan <sum>, %select_n3A masked %broadcast_in_dim3A_315 : vector<16xi32>, vector<16xi1> -> vector<16xi32>
        %add3A_316 = vector.broadcast %scan3A_304 : i32 to vector<16xi32>
        %add3A_317 = arith.addi %add3A_316, %masked_cumsum3A : vector<16xi32>
        %sub3A_318 = arith.constant 1 : i32
        %sub3A_319 = vector.broadcast %sub3A_318 : i32 to vector<16xi32>
        %sub3A_320 = arith.subi %add3A_317, %sub3A_319 : vector<16xi32>
        tpu.vector_store_idx %arg18[%sub3A_320], %bitcast3A masked %ge3A_311 : memref<8192xi32, #tpu.memory_space<vmem>>[vector<16xi32>], vector<16xi32>, vector<16xi1>
        %mul3A_321 = arith.constant 16 : i32
        %mul3A_322 = arith.muli %scan3A_303, %mul3A_321 : i32
        %iota3A = tpu.iota {dimensions = array<i32: 0>} : vector<16xi32>
        %add3A_323 = vector.broadcast %mul3A_322 : i32 to vector<16xi32>
        %add3A_324 = arith.addi %add3A_323, %iota3A : vector<16xi32>
        tpu.vector_store_idx %arg19[%sub3A_320], %add3A_324 masked %ge3A_311 : memref<8192xi32, #tpu.memory_space<vmem>>[vector<16xi32>], vector<16xi32>, vector<16xi1>
        %reduce_sum3A = arith.constant true
        %reduce_sum3A_325 = vector.broadcast %reduce_sum3A : i1 to vector<16xi1>
        %reduce_sum3A_326 = tpu.scan <sum>, %select_n3A masked %reduce_sum3A_325 : vector<16xi32>, vector<16xi1> -> vector<16xi32>
        %reduce_sum3A_327 = vector.extract %reduce_sum3A_326[15] : i32 from vector<16xi32>
        %add3A_328 = arith.addi %scan3A_304, %reduce_sum3A_327 : i32
        scf.yield %add3A_328 : i32
      }
      %scan3A_44 = arith.constant 512 : i32
      %add3A_45 = arith.constant 15 : i32
      %add3A_46 = arith.addi %scan3A_30#2, %add3A_45 : i32
      %shift_right_logical3A = arith.constant 4 : i32
      %shift_right_logical3A_47 = arith.shrui %add3A_46, %shift_right_logical3A : i32
      %scan3A_48 = arith.constant 0 : i32
      %scan3A_49 = arith.constant 16 : i32
      %scan3A_50 = arith.addi %scan3A_48, %scan3A_49 : i32
      %scan3A_51 = arith.constant 1 : i32
      scf.for %scan3A_303 = %scan3A_48 to %scan3A_50 step %scan3A_51  : i32 {
        %mul3A_304 = arith.constant 1 : i32
        %mul3A_305 = arith.muli %scan3A_303, %mul3A_304 : i32
        %add3A_306 = arith.constant 0 : i32
        %add3A_307 = arith.addi %add3A_306, %mul3A_305 : i32
        %broadcast_in_dim3A = arith.constant 0 : i32
        %broadcast_in_dim3A_308 = vector.broadcast %broadcast_in_dim3A : i32 to vector<16xi32>
        %mul3A_309 = arith.constant 16 : i32
        %mul3A_310 = arith.muli %add3A_307, %mul3A_309 : i32
        %swap3A = arith.index_cast %mul3A_310 : i32 to index
        %swap3A_311 = tpu.vector_load %arg17[%swap3A] {strides = array<i32>} : memref<256xi32, #tpu.memory_space<vmem>>, vector<16xi32>,
        tpu.vector_store %arg17[%swap3A], %broadcast_in_dim3A_308 {strides = array<i32>} : memref<256xi32, #tpu.memory_space<vmem>>, vector<16xi32>,
      }
      %scan3A_52 = arith.constant 16 : i32
      %while3A = arith.constant 0 : i32
      %while3A_53 = arith.constant 0 : i32
      %while3A_54 = arith.subi %shift_right_logical3A_47, %while3A_53 : i32
      %while3A_55 = arith.addi %while3A_53, %while3A_54 : i32
      %while3A_56 = arith.constant 1 : i32
      %while3A_57 = arith.divsi %while3A_54, %while3A_56 : i32
      %while3A_58 = arith.muli %while3A_57, %while3A_56 : i32
      %while3A_59 = arith.addi %while3A_53, %while3A_58 : i32
      %while3A_60 = arith.constant 1 : i32
      scf.for %while3A_303 = %while3A_53 to %while3A_59 step %while3A_60  : i32 {
        %mul3A_304 = arith.constant 16 : i32
        %mul3A_305 = arith.muli %while3A_303, %mul3A_304 : i32
        %iota3A = tpu.iota {dimensions = array<i32: 0>} : vector<16xi32>
        %add3A_306 = vector.broadcast %mul3A_305 : i32 to vector<16xi32>
        %add3A_307 = arith.addi %add3A_306, %iota3A : vector<16xi32>
        %lt3A = vector.broadcast %scan3A_30#2 : i32 to vector<16xi32>
        %lt3A_308 = arith.cmpi slt, %add3A_307, %lt3A : vector<16xi32>
        %mul3A_309 = arith.constant 16 : i32
        %mul3A_310 = arith.muli %while3A_303, %mul3A_309 : i32
        %get3A = arith.index_cast %mul3A_310 : i32 to index
        %get3A_311 = tpu.vector_load %arg18[%get3A] {strides = array<i32>} : memref<8192xi32, #tpu.memory_space<vmem>>, vector<16xi32>,
        %not3A = arith.constant dense<-1> : vector<16xi32>
        %not3A_312 = arith.xori %get3A_311, %not3A : vector<16xi32>
        %shift_right_logical3A_313 = arith.constant 0 : i32
        %shift_right_logical3A_314 = vector.broadcast %shift_right_logical3A_313 : i32 to vector<16xi32>
        %shift_right_logical3A_315 = arith.shrui %not3A_312, %shift_right_logical3A_314 : vector<16xi32>
        %and3A = arith.constant 255 : i32
        %and3A_316 = vector.broadcast %and3A : i32 to vector<16xi32>
        %and3A_317 = arith.andi %shift_right_logical3A_315, %and3A_316 : vector<16xi32>
        %unique3A, %unique3A_318 = tpu.scan_count mask(%lt3A_308 : vector<16xi1>) value(%and3A_317 : vector<16xi32>) : vector<16xi1>, vector<16xi32>
        %add3A_319 = arith.constant 0 : i32
        %add3A_320 = vector.broadcast %add3A_319 : i32 to vector<16xi32>
        %add3A_321 = arith.addi %unique3A_318, %add3A_320 : vector<16xi32>
        %and3A_322 = arith.andi %unique3A, %lt3A_308 : vector<16xi1>
        tpu.vector_store_idx %arg17[%and3A_317], %add3A_321 masked %and3A_322 {add = true} : memref<256xi32, #tpu.memory_space<vmem>>[vector<16xi32>], vector<16xi32>, vector<16xi1>
      }
      %while3A_61 = arith.constant 1 : i32
      scf.for %while3A_303 = %while3A_59 to %while3A_55 step %while3A_61  : i32 {
        %mul3A_304 = arith.constant 16 : i32
        %mul3A_305 = arith.muli %while3A_303, %mul3A_304 : i32
        %iota3A = tpu.iota {dimensions = array<i32: 0>} : vector<16xi32>
        %add3A_306 = vector.broadcast %mul3A_305 : i32 to vector<16xi32>
        %add3A_307 = arith.addi %add3A_306, %iota3A : vector<16xi32>
        %lt3A = vector.broadcast %scan3A_30#2 : i32 to vector<16xi32>
        %lt3A_308 = arith.cmpi slt, %add3A_307, %lt3A : vector<16xi32>
        %mul3A_309 = arith.constant 16 : i32
        %mul3A_310 = arith.muli %while3A_303, %mul3A_309 : i32
        %get3A = arith.index_cast %mul3A_310 : i32 to index
        %get3A_311 = tpu.vector_load %arg18[%get3A] {strides = array<i32>} : memref<8192xi32, #tpu.memory_space<vmem>>, vector<16xi32>,
        %not3A = arith.constant dense<-1> : vector<16xi32>
        %not3A_312 = arith.xori %get3A_311, %not3A : vector<16xi32>
        %shift_right_logical3A_313 = arith.constant 0 : i32
        %shift_right_logical3A_314 = vector.broadcast %shift_right_logical3A_313 : i32 to vector<16xi32>
        %shift_right_logical3A_315 = arith.shrui %not3A_312, %shift_right_logical3A_314 : vector<16xi32>
        %and3A = arith.constant 255 : i32
        %and3A_316 = vector.broadcast %and3A : i32 to vector<16xi32>
        %and3A_317 = arith.andi %shift_right_logical3A_315, %and3A_316 : vector<16xi32>
        %unique3A, %unique3A_318 = tpu.scan_count mask(%lt3A_308 : vector<16xi1>) value(%and3A_317 : vector<16xi32>) : vector<16xi1>, vector<16xi32>
        %add3A_319 = arith.constant 0 : i32
        %add3A_320 = vector.broadcast %add3A_319 : i32 to vector<16xi32>
        %add3A_321 = arith.addi %unique3A_318, %add3A_320 : vector<16xi32>
        %and3A_322 = arith.andi %unique3A, %lt3A_308 : vector<16xi1>
        tpu.vector_store_idx %arg17[%and3A_317], %add3A_321 masked %and3A_322 {add = true} : memref<256xi32, #tpu.memory_space<vmem>>[vector<16xi32>], vector<16xi32>, vector<16xi1>
      }
      %scan3A_62 = arith.constant 0 : i32
      %scan3A_63 = arith.constant 0 : i32
      %scan3A_64 = arith.constant 16 : i32
      %scan3A_65 = arith.addi %scan3A_63, %scan3A_64 : i32
      %scan3A_66 = arith.constant 1 : i32
      %scan3A_67 = scf.for %scan3A_303 = %scan3A_63 to %scan3A_65 step %scan3A_66 iter_args(%scan3A_304 = %scan3A_62) -> (i32)  : i32 {
        %mul3A_305 = arith.constant 16 : i32
        %mul3A_306 = arith.muli %scan3A_303, %mul3A_305 : i32
        %get3A = arith.index_cast %mul3A_306 : i32 to index
        %get3A_307 = tpu.vector_load %arg17[%get3A] {strides = array<i32>} : memref<256xi32, #tpu.memory_space<vmem>>, vector<16xi32>,
        %broadcast_in_dim3A = arith.constant true
        %broadcast_in_dim3A_308 = vector.broadcast %broadcast_in_dim3A : i1 to vector<16xi1>
        %masked_cumsum3A = tpu.scan <sum>, %get3A_307 masked %broadcast_in_dim3A_308 : vector<16xi32>, vector<16xi1> -> vector<16xi32>
        %sub3A_309 = arith.subi %masked_cumsum3A, %get3A_307 : vector<16xi32>
        %add3A_310 = vector.broadcast %scan3A_304 : i32 to vector<16xi32>
        %add3A_311 = arith.addi %sub3A_309, %add3A_310 : vector<16xi32>
        %mul3A_312 = arith.constant 16 : i32
        %mul3A_313 = arith.muli %scan3A_303, %mul3A_312 : i32
        %swap3A = arith.index_cast %mul3A_313 : i32 to index
        %swap3A_314 = tpu.vector_load %arg17[%swap3A] {strides = array<i32>} : memref<256xi32, #tpu.memory_space<vmem>>, vector<16xi32>,
        tpu.vector_store %arg17[%swap3A], %add3A_311 {strides = array<i32>} : memref<256xi32, #tpu.memory_space<vmem>>, vector<16xi32>,
        %reduce_max3A = arith.constant true
        %reduce_max3A_315 = vector.broadcast %reduce_max3A : i1 to vector<16xi1>
        %reduce_max3A_316 = arith.constant -2147483648 : i32
        %reduce_max3A_317 = vector.broadcast %reduce_max3A_316 : i32 to vector<16xi32>
        %reduce_max3A_318 = arith.xori %masked_cumsum3A, %reduce_max3A_317 : vector<16xi32>
        %reduce_max3A_319 = tpu.scan <max>, %reduce_max3A_318 masked %reduce_max3A_315 : vector<16xi32>, vector<16xi1> -> vector<16xi32>
        %reduce_max3A_320 = arith.xori %reduce_max3A_319, %reduce_max3A_317 : vector<16xi32>
        %reduce_max3A_321 = vector.extract %reduce_max3A_320[15] : i32 from vector<16xi32>
        %add3A_322 = arith.addi %scan3A_304, %reduce_max3A_321 : i32
        scf.yield %add3A_322 : i32
      }
      %scan3A_68 = arith.constant 16 : i32
      %while3A_69 = arith.constant 0 : i32
      %while3A_70 = arith.constant 0 : i32
      %while3A_71 = arith.subi %shift_right_logical3A_47, %while3A_70 : i32
      %while3A_72 = arith.addi %while3A_70, %while3A_71 : i32
      %while3A_73 = arith.constant 1 : i32
      %while3A_74 = arith.divsi %while3A_71, %while3A_73 : i32
      %while3A_75 = arith.muli %while3A_74, %while3A_73 : i32
      %while3A_76 = arith.addi %while3A_70, %while3A_75 : i32
      %while3A_77 = arith.constant 1 : i32
      scf.for %while3A_303 = %while3A_70 to %while3A_76 step %while3A_77  : i32 {
        %mul3A_304 = arith.constant 16 : i32
        %mul3A_305 = arith.muli %while3A_303, %mul3A_304 : i32
        %iota3A = tpu.iota {dimensions = array<i32: 0>} : vector<16xi32>
        %add3A_306 = vector.broadcast %mul3A_305 : i32 to vector<16xi32>
        %add3A_307 = arith.addi %add3A_306, %iota3A : vector<16xi32>
        %lt3A = vector.broadcast %scan3A_30#2 : i32 to vector<16xi32>
        %lt3A_308 = arith.cmpi slt, %add3A_307, %lt3A : vector<16xi32>
        %mul3A_309 = arith.constant 16 : i32
        %mul3A_310 = arith.muli %while3A_303, %mul3A_309 : i32
        %get3A = arith.index_cast %mul3A_310 : i32 to index
        %get3A_311 = tpu.vector_load %arg18[%get3A] {strides = array<i32>} : memref<8192xi32, #tpu.memory_space<vmem>>, vector<16xi32>,
        %mul3A_312 = arith.constant 16 : i32
        %mul3A_313 = arith.muli %while3A_303, %mul3A_312 : i32
        %get3A_314 = arith.index_cast %mul3A_313 : i32 to index
        %get3A_315 = tpu.vector_load %arg19[%get3A_314] {strides = array<i32>} : memref<8192xi32, #tpu.memory_space<vmem>>, vector<16xi32>,
        %not3A = arith.constant dense<-1> : vector<16xi32>
        %not3A_316 = arith.xori %get3A_311, %not3A : vector<16xi32>
        %shift_right_logical3A_317 = arith.constant 0 : i32
        %shift_right_logical3A_318 = vector.broadcast %shift_right_logical3A_317 : i32 to vector<16xi32>
        %shift_right_logical3A_319 = arith.shrui %not3A_316, %shift_right_logical3A_318 : vector<16xi32>
        %and3A = arith.constant 255 : i32
        %and3A_320 = vector.broadcast %and3A : i32 to vector<16xi32>
        %and3A_321 = arith.andi %shift_right_logical3A_319, %and3A_320 : vector<16xi32>
        %unique3A, %unique3A_322 = tpu.scan_count mask(%lt3A_308 : vector<16xi1>) value(%and3A_321 : vector<16xi32>) : vector<16xi1>, vector<16xi32>
        %gather3A = tpu.vector_load_idx %arg17[%and3A_321] : memref<256xi32, #tpu.memory_space<vmem>>[vector<16xi32>], vector<16xi32>,
        %add3A_323 = arith.addi %gather3A, %unique3A_322 : vector<16xi32>
        %sub3A_324 = arith.constant 1 : i32
        %sub3A_325 = vector.broadcast %sub3A_324 : i32 to vector<16xi32>
        %sub3A_326 = arith.subi %add3A_323, %sub3A_325 : vector<16xi32>
        tpu.vector_store_idx %arg20[%sub3A_326], %get3A_311 masked %lt3A_308 : memref<8192xi32, #tpu.memory_space<vmem>>[vector<16xi32>], vector<16xi32>, vector<16xi1>
        tpu.vector_store_idx %arg21[%sub3A_326], %get3A_315 masked %lt3A_308 : memref<8192xi32, #tpu.memory_space<vmem>>[vector<16xi32>], vector<16xi32>, vector<16xi1>
        %add3A_327 = arith.constant 0 : i32
        %add3A_328 = vector.broadcast %add3A_327 : i32 to vector<16xi32>
        %add3A_329 = arith.addi %unique3A_322, %add3A_328 : vector<16xi32>
        %and3A_330 = arith.andi %unique3A, %lt3A_308 : vector<16xi1>
        tpu.vector_store_idx %arg17[%and3A_321], %add3A_329 masked %and3A_330 {add = true} : memref<256xi32, #tpu.memory_space<vmem>>[vector<16xi32>], vector<16xi32>, vector<16xi1>
      }
      %while3A_78 = arith.constant 1 : i32
      scf.for %while3A_303 = %while3A_76 to %while3A_72 step %while3A_78  : i32 {
        %mul3A_304 = arith.constant 16 : i32
        %mul3A_305 = arith.muli %while3A_303, %mul3A_304 : i32
        %iota3A = tpu.iota {dimensions = array<i32: 0>} : vector<16xi32>
        %add3A_306 = vector.broadcast %mul3A_305 : i32 to vector<16xi32>
        %add3A_307 = arith.addi %add3A_306, %iota3A : vector<16xi32>
        %lt3A = vector.broadcast %scan3A_30#2 : i32 to vector<16xi32>
        %lt3A_308 = arith.cmpi slt, %add3A_307, %lt3A : vector<16xi32>
        %mul3A_309 = arith.constant 16 : i32
        %mul3A_310 = arith.muli %while3A_303, %mul3A_309 : i32
        %get3A = arith.index_cast %mul3A_310 : i32 to index
        %get3A_311 = tpu.vector_load %arg18[%get3A] {strides = array<i32>} : memref<8192xi32, #tpu.memory_space<vmem>>, vector<16xi32>,
        %mul3A_312 = arith.constant 16 : i32
        %mul3A_313 = arith.muli %while3A_303, %mul3A_312 : i32
        %get3A_314 = arith.index_cast %mul3A_313 : i32 to index
        %get3A_315 = tpu.vector_load %arg19[%get3A_314] {strides = array<i32>} : memref<8192xi32, #tpu.memory_space<vmem>>, vector<16xi32>,
        %not3A = arith.constant dense<-1> : vector<16xi32>
        %not3A_316 = arith.xori %get3A_311, %not3A : vector<16xi32>
        %shift_right_logical3A_317 = arith.constant 0 : i32
        %shift_right_logical3A_318 = vector.broadcast %shift_right_logical3A_317 : i32 to vector<16xi32>
        %shift_right_logical3A_319 = arith.shrui %not3A_316, %shift_right_logical3A_318 : vector<16xi32>
        %and3A = arith.constant 255 : i32
        %and3A_320 = vector.broadcast %and3A : i32 to vector<16xi32>
        %and3A_321 = arith.andi %shift_right_logical3A_319, %and3A_320 : vector<16xi32>
        %unique3A, %unique3A_322 = tpu.scan_count mask(%lt3A_308 : vector<16xi1>) value(%and3A_321 : vector<16xi32>) : vector<16xi1>, vector<16xi32>
        %gather3A = tpu.vector_load_idx %arg17[%and3A_321] : memref<256xi32, #tpu.memory_space<vmem>>[vector<16xi32>], vector<16xi32>,
        %add3A_323 = arith.addi %gather3A, %unique3A_322 : vector<16xi32>
        %sub3A_324 = arith.constant 1 : i32
        %sub3A_325 = vector.broadcast %sub3A_324 : i32 to vector<16xi32>
        %sub3A_326 = arith.subi %add3A_323, %sub3A_325 : vector<16xi32>
        tpu.vector_store_idx %arg20[%sub3A_326], %get3A_311 masked %lt3A_308 : memref<8192xi32, #tpu.memory_space<vmem>>[vector<16xi32>], vector<16xi32>, vector<16xi1>
        tpu.vector_store_idx %arg21[%sub3A_326], %get3A_315 masked %lt3A_308 : memref<8192xi32, #tpu.memory_space<vmem>>[vector<16xi32>], vector<16xi32>, vector<16xi1>
        %add3A_327 = arith.constant 0 : i32
        %add3A_328 = vector.broadcast %add3A_327 : i32 to vector<16xi32>
        %add3A_329 = arith.addi %unique3A_322, %add3A_328 : vector<16xi32>
        %and3A_330 = arith.andi %unique3A, %lt3A_308 : vector<16xi1>
        tpu.vector_store_idx %arg17[%and3A_321], %add3A_329 masked %and3A_330 {add = true} : memref<256xi32, #tpu.memory_space<vmem>>[vector<16xi32>], vector<16xi32>, vector<16xi1>
      }
      %scan3A_79 = arith.constant 0 : i32
      %scan3A_80 = arith.constant 16 : i32
      %scan3A_81 = arith.addi %scan3A_79, %scan3A_80 : i32
      %scan3A_82 = arith.constant 1 : i32
      scf.for %scan3A_303 = %scan3A_79 to %scan3A_81 step %scan3A_82  : i32 {
        %mul3A_304 = arith.constant 1 : i32
        %mul3A_305 = arith.muli %scan3A_303, %mul3A_304 : i32
        %add3A_306 = arith.constant 0 : i32
        %add3A_307 = arith.addi %add3A_306, %mul3A_305 : i32
        %broadcast_in_dim3A = arith.constant 0 : i32
        %broadcast_in_dim3A_308 = vector.broadcast %broadcast_in_dim3A : i32 to vector<16xi32>
        %mul3A_309 = arith.constant 16 : i32
        %mul3A_310 = arith.muli %add3A_307, %mul3A_309 : i32
        %swap3A = arith.index_cast %mul3A_310 : i32 to index
        %swap3A_311 = tpu.vector_load %arg17[%swap3A] {strides = array<i32>} : memref<256xi32, #tpu.memory_space<vmem>>, vector<16xi32>,
        tpu.vector_store %arg17[%swap3A], %broadcast_in_dim3A_308 {strides = array<i32>} : memref<256xi32, #tpu.memory_space<vmem>>, vector<16xi32>,
      }
      %scan3A_83 = arith.constant 16 : i32
      %while3A_84 = arith.constant 0 : i32
      %while3A_85 = arith.constant 0 : i32
      %while3A_86 = arith.subi %shift_right_logical3A_47, %while3A_85 : i32
      %while3A_87 = arith.addi %while3A_85, %while3A_86 : i32
      %while3A_88 = arith.constant 1 : i32
      %while3A_89 = arith.divsi %while3A_86, %while3A_88 : i32
      %while3A_90 = arith.muli %while3A_89, %while3A_88 : i32
      %while3A_91 = arith.addi %while3A_85, %while3A_90 : i32
      %while3A_92 = arith.constant 1 : i32
      scf.for %while3A_303 = %while3A_85 to %while3A_91 step %while3A_92  : i32 {
        %mul3A_304 = arith.constant 16 : i32
        %mul3A_305 = arith.muli %while3A_303, %mul3A_304 : i32
        %iota3A = tpu.iota {dimensions = array<i32: 0>} : vector<16xi32>
        %add3A_306 = vector.broadcast %mul3A_305 : i32 to vector<16xi32>
        %add3A_307 = arith.addi %add3A_306, %iota3A : vector<16xi32>
        %lt3A = vector.broadcast %scan3A_30#2 : i32 to vector<16xi32>
        %lt3A_308 = arith.cmpi slt, %add3A_307, %lt3A : vector<16xi32>
        %mul3A_309 = arith.constant 16 : i32
        %mul3A_310 = arith.muli %while3A_303, %mul3A_309 : i32
        %get3A = arith.index_cast %mul3A_310 : i32 to index
        %get3A_311 = tpu.vector_load %arg20[%get3A] {strides = array<i32>} : memref<8192xi32, #tpu.memory_space<vmem>>, vector<16xi32>,
        %not3A = arith.constant dense<-1> : vector<16xi32>
        %not3A_312 = arith.xori %get3A_311, %not3A : vector<16xi32>
        %shift_right_logical3A_313 = arith.constant 8 : i32
        %shift_right_logical3A_314 = vector.broadcast %shift_right_logical3A_313 : i32 to vector<16xi32>
        %shift_right_logical3A_315 = arith.shrui %not3A_312, %shift_right_logical3A_314 : vector<16xi32>
        %and3A = arith.constant 255 : i32
        %and3A_316 = vector.broadcast %and3A : i32 to vector<16xi32>
        %and3A_317 = arith.andi %shift_right_logical3A_315, %and3A_316 : vector<16xi32>
        %unique3A, %unique3A_318 = tpu.scan_count mask(%lt3A_308 : vector<16xi1>) value(%and3A_317 : vector<16xi32>) : vector<16xi1>, vector<16xi32>
        %add3A_319 = arith.constant 0 : i32
        %add3A_320 = vector.broadcast %add3A_319 : i32 to vector<16xi32>
        %add3A_321 = arith.addi %unique3A_318, %add3A_320 : vector<16xi32>
        %and3A_322 = arith.andi %unique3A, %lt3A_308 : vector<16xi1>
        tpu.vector_store_idx %arg17[%and3A_317], %add3A_321 masked %and3A_322 {add = true} : memref<256xi32, #tpu.memory_space<vmem>>[vector<16xi32>], vector<16xi32>, vector<16xi1>
      }
      %while3A_93 = arith.constant 1 : i32
      scf.for %while3A_303 = %while3A_91 to %while3A_87 step %while3A_93  : i32 {
        %mul3A_304 = arith.constant 16 : i32
        %mul3A_305 = arith.muli %while3A_303, %mul3A_304 : i32
        %iota3A = tpu.iota {dimensions = array<i32: 0>} : vector<16xi32>
        %add3A_306 = vector.broadcast %mul3A_305 : i32 to vector<16xi32>
        %add3A_307 = arith.addi %add3A_306, %iota3A : vector<16xi32>
        %lt3A = vector.broadcast %scan3A_30#2 : i32 to vector<16xi32>
        %lt3A_308 = arith.cmpi slt, %add3A_307, %lt3A : vector<16xi32>
        %mul3A_309 = arith.constant 16 : i32
        %mul3A_310 = arith.muli %while3A_303, %mul3A_309 : i32
        %get3A = arith.index_cast %mul3A_310 : i32 to index
        %get3A_311 = tpu.vector_load %arg20[%get3A] {strides = array<i32>} : memref<8192xi32, #tpu.memory_space<vmem>>, vector<16xi32>,
        %not3A = arith.constant dense<-1> : vector<16xi32>
        %not3A_312 = arith.xori %get3A_311, %not3A : vector<16xi32>
        %shift_right_logical3A_313 = arith.constant 8 : i32
        %shift_right_logical3A_314 = vector.broadcast %shift_right_logical3A_313 : i32 to vector<16xi32>
        %shift_right_logical3A_315 = arith.shrui %not3A_312, %shift_right_logical3A_314 : vector<16xi32>
        %and3A = arith.constant 255 : i32
        %and3A_316 = vector.broadcast %and3A : i32 to vector<16xi32>
        %and3A_317 = arith.andi %shift_right_logical3A_315, %and3A_316 : vector<16xi32>
        %unique3A, %unique3A_318 = tpu.scan_count mask(%lt3A_308 : vector<16xi1>) value(%and3A_317 : vector<16xi32>) : vector<16xi1>, vector<16xi32>
        %add3A_319 = arith.constant 0 : i32
        %add3A_320 = vector.broadcast %add3A_319 : i32 to vector<16xi32>
        %add3A_321 = arith.addi %unique3A_318, %add3A_320 : vector<16xi32>
        %and3A_322 = arith.andi %unique3A, %lt3A_308 : vector<16xi1>
        tpu.vector_store_idx %arg17[%and3A_317], %add3A_321 masked %and3A_322 {add = true} : memref<256xi32, #tpu.memory_space<vmem>>[vector<16xi32>], vector<16xi32>, vector<16xi1>
      }
      %scan3A_94 = arith.constant 0 : i32
      %scan3A_95 = arith.constant 0 : i32
      %scan3A_96 = arith.constant 16 : i32
      %scan3A_97 = arith.addi %scan3A_95, %scan3A_96 : i32
      %scan3A_98 = arith.constant 1 : i32
      %scan3A_99 = scf.for %scan3A_303 = %scan3A_95 to %scan3A_97 step %scan3A_98 iter_args(%scan3A_304 = %scan3A_94) -> (i32)  : i32 {
        %mul3A_305 = arith.constant 16 : i32
        %mul3A_306 = arith.muli %scan3A_303, %mul3A_305 : i32
        %get3A = arith.index_cast %mul3A_306 : i32 to index
        %get3A_307 = tpu.vector_load %arg17[%get3A] {strides = array<i32>} : memref<256xi32, #tpu.memory_space<vmem>>, vector<16xi32>,
        %broadcast_in_dim3A = arith.constant true
        %broadcast_in_dim3A_308 = vector.broadcast %broadcast_in_dim3A : i1 to vector<16xi1>
        %masked_cumsum3A = tpu.scan <sum>, %get3A_307 masked %broadcast_in_dim3A_308 : vector<16xi32>, vector<16xi1> -> vector<16xi32>
        %sub3A_309 = arith.subi %masked_cumsum3A, %get3A_307 : vector<16xi32>
        %add3A_310 = vector.broadcast %scan3A_304 : i32 to vector<16xi32>
        %add3A_311 = arith.addi %sub3A_309, %add3A_310 : vector<16xi32>
        %mul3A_312 = arith.constant 16 : i32
        %mul3A_313 = arith.muli %scan3A_303, %mul3A_312 : i32
        %swap3A = arith.index_cast %mul3A_313 : i32 to index
        %swap3A_314 = tpu.vector_load %arg17[%swap3A] {strides = array<i32>} : memref<256xi32, #tpu.memory_space<vmem>>, vector<16xi32>,
        tpu.vector_store %arg17[%swap3A], %add3A_311 {strides = array<i32>} : memref<256xi32, #tpu.memory_space<vmem>>, vector<16xi32>,
        %reduce_max3A = arith.constant true
        %reduce_max3A_315 = vector.broadcast %reduce_max3A : i1 to vector<16xi1>
        %reduce_max3A_316 = arith.constant -2147483648 : i32
        %reduce_max3A_317 = vector.broadcast %reduce_max3A_316 : i32 to vector<16xi32>
        %reduce_max3A_318 = arith.xori %masked_cumsum3A, %reduce_max3A_317 : vector<16xi32>
        %reduce_max3A_319 = tpu.scan <max>, %reduce_max3A_318 masked %reduce_max3A_315 : vector<16xi32>, vector<16xi1> -> vector<16xi32>
        %reduce_max3A_320 = arith.xori %reduce_max3A_319, %reduce_max3A_317 : vector<16xi32>
        %reduce_max3A_321 = vector.extract %reduce_max3A_320[15] : i32 from vector<16xi32>
        %add3A_322 = arith.addi %scan3A_304, %reduce_max3A_321 : i32
        scf.yield %add3A_322 : i32
      }
      %scan3A_100 = arith.constant 16 : i32
      %while3A_101 = arith.constant 0 : i32
      %while3A_102 = arith.constant 0 : i32
      %while3A_103 = arith.subi %shift_right_logical3A_47, %while3A_102 : i32
      %while3A_104 = arith.addi %while3A_102, %while3A_103 : i32
      %while3A_105 = arith.constant 1 : i32
      %while3A_106 = arith.divsi %while3A_103, %while3A_105 : i32
      %while3A_107 = arith.muli %while3A_106, %while3A_105 : i32
      %while3A_108 = arith.addi %while3A_102, %while3A_107 : i32
      %while3A_109 = arith.constant 1 : i32
      scf.for %while3A_303 = %while3A_102 to %while3A_108 step %while3A_109  : i32 {
        %mul3A_304 = arith.constant 16 : i32
        %mul3A_305 = arith.muli %while3A_303, %mul3A_304 : i32
        %iota3A = tpu.iota {dimensions = array<i32: 0>} : vector<16xi32>
        %add3A_306 = vector.broadcast %mul3A_305 : i32 to vector<16xi32>
        %add3A_307 = arith.addi %add3A_306, %iota3A : vector<16xi32>
        %lt3A = vector.broadcast %scan3A_30#2 : i32 to vector<16xi32>
        %lt3A_308 = arith.cmpi slt, %add3A_307, %lt3A : vector<16xi32>
        %mul3A_309 = arith.constant 16 : i32
        %mul3A_310 = arith.muli %while3A_303, %mul3A_309 : i32
        %get3A = arith.index_cast %mul3A_310 : i32 to index
        %get3A_311 = tpu.vector_load %arg20[%get3A] {strides = array<i32>} : memref<8192xi32, #tpu.memory_space<vmem>>, vector<16xi32>,
        %mul3A_312 = arith.constant 16 : i32
        %mul3A_313 = arith.muli %while3A_303, %mul3A_312 : i32
        %get3A_314 = arith.index_cast %mul3A_313 : i32 to index
        %get3A_315 = tpu.vector_load %arg21[%get3A_314] {strides = array<i32>} : memref<8192xi32, #tpu.memory_space<vmem>>, vector<16xi32>,
        %not3A = arith.constant dense<-1> : vector<16xi32>
        %not3A_316 = arith.xori %get3A_311, %not3A : vector<16xi32>
        %shift_right_logical3A_317 = arith.constant 8 : i32
        %shift_right_logical3A_318 = vector.broadcast %shift_right_logical3A_317 : i32 to vector<16xi32>
        %shift_right_logical3A_319 = arith.shrui %not3A_316, %shift_right_logical3A_318 : vector<16xi32>
        %and3A = arith.constant 255 : i32
        %and3A_320 = vector.broadcast %and3A : i32 to vector<16xi32>
        %and3A_321 = arith.andi %shift_right_logical3A_319, %and3A_320 : vector<16xi32>
        %unique3A, %unique3A_322 = tpu.scan_count mask(%lt3A_308 : vector<16xi1>) value(%and3A_321 : vector<16xi32>) : vector<16xi1>, vector<16xi32>
        %gather3A = tpu.vector_load_idx %arg17[%and3A_321] : memref<256xi32, #tpu.memory_space<vmem>>[vector<16xi32>], vector<16xi32>,
        %add3A_323 = arith.addi %gather3A, %unique3A_322 : vector<16xi32>
        %sub3A_324 = arith.constant 1 : i32
        %sub3A_325 = vector.broadcast %sub3A_324 : i32 to vector<16xi32>
        %sub3A_326 = arith.subi %add3A_323, %sub3A_325 : vector<16xi32>
        tpu.vector_store_idx %arg18[%sub3A_326], %get3A_311 masked %lt3A_308 : memref<8192xi32, #tpu.memory_space<vmem>>[vector<16xi32>], vector<16xi32>, vector<16xi1>
        tpu.vector_store_idx %arg19[%sub3A_326], %get3A_315 masked %lt3A_308 : memref<8192xi32, #tpu.memory_space<vmem>>[vector<16xi32>], vector<16xi32>, vector<16xi1>
        %add3A_327 = arith.constant 0 : i32
        %add3A_328 = vector.broadcast %add3A_327 : i32 to vector<16xi32>
        %add3A_329 = arith.addi %unique3A_322, %add3A_328 : vector<16xi32>
        %and3A_330 = arith.andi %unique3A, %lt3A_308 : vector<16xi1>
        tpu.vector_store_idx %arg17[%and3A_321], %add3A_329 masked %and3A_330 {add = true} : memref<256xi32, #tpu.memory_space<vmem>>[vector<16xi32>], vector<16xi32>, vector<16xi1>
      }
      %while3A_110 = arith.constant 1 : i32
      scf.for %while3A_303 = %while3A_108 to %while3A_104 step %while3A_110  : i32 {
        %mul3A_304 = arith.constant 16 : i32
        %mul3A_305 = arith.muli %while3A_303, %mul3A_304 : i32
        %iota3A = tpu.iota {dimensions = array<i32: 0>} : vector<16xi32>
        %add3A_306 = vector.broadcast %mul3A_305 : i32 to vector<16xi32>
        %add3A_307 = arith.addi %add3A_306, %iota3A : vector<16xi32>
        %lt3A = vector.broadcast %scan3A_30#2 : i32 to vector<16xi32>
        %lt3A_308 = arith.cmpi slt, %add3A_307, %lt3A : vector<16xi32>
        %mul3A_309 = arith.constant 16 : i32
        %mul3A_310 = arith.muli %while3A_303, %mul3A_309 : i32
        %get3A = arith.index_cast %mul3A_310 : i32 to index
        %get3A_311 = tpu.vector_load %arg20[%get3A] {strides = array<i32>} : memref<8192xi32, #tpu.memory_space<vmem>>, vector<16xi32>,
        %mul3A_312 = arith.constant 16 : i32
        %mul3A_313 = arith.muli %while3A_303, %mul3A_312 : i32
        %get3A_314 = arith.index_cast %mul3A_313 : i32 to index
        %get3A_315 = tpu.vector_load %arg21[%get3A_314] {strides = array<i32>} : memref<8192xi32, #tpu.memory_space<vmem>>, vector<16xi32>,
        %not3A = arith.constant dense<-1> : vector<16xi32>
        %not3A_316 = arith.xori %get3A_311, %not3A : vector<16xi32>
        %shift_right_logical3A_317 = arith.constant 8 : i32
        %shift_right_logical3A_318 = vector.broadcast %shift_right_logical3A_317 : i32 to vector<16xi32>
        %shift_right_logical3A_319 = arith.shrui %not3A_316, %shift_right_logical3A_318 : vector<16xi32>
        %and3A = arith.constant 255 : i32
        %and3A_320 = vector.broadcast %and3A : i32 to vector<16xi32>
        %and3A_321 = arith.andi %shift_right_logical3A_319, %and3A_320 : vector<16xi32>
        %unique3A, %unique3A_322 = tpu.scan_count mask(%lt3A_308 : vector<16xi1>) value(%and3A_321 : vector<16xi32>) : vector<16xi1>, vector<16xi32>
        %gather3A = tpu.vector_load_idx %arg17[%and3A_321] : memref<256xi32, #tpu.memory_space<vmem>>[vector<16xi32>], vector<16xi32>,
        %add3A_323 = arith.addi %gather3A, %unique3A_322 : vector<16xi32>
        %sub3A_324 = arith.constant 1 : i32
        %sub3A_325 = vector.broadcast %sub3A_324 : i32 to vector<16xi32>
        %sub3A_326 = arith.subi %add3A_323, %sub3A_325 : vector<16xi32>
        tpu.vector_store_idx %arg18[%sub3A_326], %get3A_311 masked %lt3A_308 : memref<8192xi32, #tpu.memory_space<vmem>>[vector<16xi32>], vector<16xi32>, vector<16xi1>
        tpu.vector_store_idx %arg19[%sub3A_326], %get3A_315 masked %lt3A_308 : memref<8192xi32, #tpu.memory_space<vmem>>[vector<16xi32>], vector<16xi32>, vector<16xi1>
        %add3A_327 = arith.constant 0 : i32
        %add3A_328 = vector.broadcast %add3A_327 : i32 to vector<16xi32>
        %add3A_329 = arith.addi %unique3A_322, %add3A_328 : vector<16xi32>
        %and3A_330 = arith.andi %unique3A, %lt3A_308 : vector<16xi1>
        tpu.vector_store_idx %arg17[%and3A_321], %add3A_329 masked %and3A_330 {add = true} : memref<256xi32, #tpu.memory_space<vmem>>[vector<16xi32>], vector<16xi32>, vector<16xi1>
      }
      %scan3A_111 = arith.constant 0 : i32
      %scan3A_112 = arith.constant 16 : i32
      %scan3A_113 = arith.addi %scan3A_111, %scan3A_112 : i32
      %scan3A_114 = arith.constant 1 : i32
      scf.for %scan3A_303 = %scan3A_111 to %scan3A_113 step %scan3A_114  : i32 {
        %mul3A_304 = arith.constant 1 : i32
        %mul3A_305 = arith.muli %scan3A_303, %mul3A_304 : i32
        %add3A_306 = arith.constant 0 : i32
        %add3A_307 = arith.addi %add3A_306, %mul3A_305 : i32
        %broadcast_in_dim3A = arith.constant 0 : i32
        %broadcast_in_dim3A_308 = vector.broadcast %broadcast_in_dim3A : i32 to vector<16xi32>
        %mul3A_309 = arith.constant 16 : i32
        %mul3A_310 = arith.muli %add3A_307, %mul3A_309 : i32
        %swap3A = arith.index_cast %mul3A_310 : i32 to index
        %swap3A_311 = tpu.vector_load %arg17[%swap3A] {strides = array<i32>} : memref<256xi32, #tpu.memory_space<vmem>>, vector<16xi32>,
        tpu.vector_store %arg17[%swap3A], %broadcast_in_dim3A_308 {strides = array<i32>} : memref<256xi32, #tpu.memory_space<vmem>>, vector<16xi32>,
      }
      %scan3A_115 = arith.constant 16 : i32
      %while3A_116 = arith.constant 0 : i32
      %while3A_117 = arith.constant 0 : i32
      %while3A_118 = arith.subi %shift_right_logical3A_47, %while3A_117 : i32
      %while3A_119 = arith.addi %while3A_117, %while3A_118 : i32
      %while3A_120 = arith.constant 1 : i32
      %while3A_121 = arith.divsi %while3A_118, %while3A_120 : i32
      %while3A_122 = arith.muli %while3A_121, %while3A_120 : i32
      %while3A_123 = arith.addi %while3A_117, %while3A_122 : i32
      %while3A_124 = arith.constant 1 : i32
      scf.for %while3A_303 = %while3A_117 to %while3A_123 step %while3A_124  : i32 {
        %mul3A_304 = arith.constant 16 : i32
        %mul3A_305 = arith.muli %while3A_303, %mul3A_304 : i32
        %iota3A = tpu.iota {dimensions = array<i32: 0>} : vector<16xi32>
        %add3A_306 = vector.broadcast %mul3A_305 : i32 to vector<16xi32>
        %add3A_307 = arith.addi %add3A_306, %iota3A : vector<16xi32>
        %lt3A = vector.broadcast %scan3A_30#2 : i32 to vector<16xi32>
        %lt3A_308 = arith.cmpi slt, %add3A_307, %lt3A : vector<16xi32>
        %mul3A_309 = arith.constant 16 : i32
        %mul3A_310 = arith.muli %while3A_303, %mul3A_309 : i32
        %get3A = arith.index_cast %mul3A_310 : i32 to index
        %get3A_311 = tpu.vector_load %arg18[%get3A] {strides = array<i32>} : memref<8192xi32, #tpu.memory_space<vmem>>, vector<16xi32>,
        %not3A = arith.constant dense<-1> : vector<16xi32>
        %not3A_312 = arith.xori %get3A_311, %not3A : vector<16xi32>
        %shift_right_logical3A_313 = arith.constant 16 : i32
        %shift_right_logical3A_314 = vector.broadcast %shift_right_logical3A_313 : i32 to vector<16xi32>
        %shift_right_logical3A_315 = arith.shrui %not3A_312, %shift_right_logical3A_314 : vector<16xi32>
        %and3A = arith.constant 255 : i32
        %and3A_316 = vector.broadcast %and3A : i32 to vector<16xi32>
        %and3A_317 = arith.andi %shift_right_logical3A_315, %and3A_316 : vector<16xi32>
        %unique3A, %unique3A_318 = tpu.scan_count mask(%lt3A_308 : vector<16xi1>) value(%and3A_317 : vector<16xi32>) : vector<16xi1>, vector<16xi32>
        %add3A_319 = arith.constant 0 : i32
        %add3A_320 = vector.broadcast %add3A_319 : i32 to vector<16xi32>
        %add3A_321 = arith.addi %unique3A_318, %add3A_320 : vector<16xi32>
        %and3A_322 = arith.andi %unique3A, %lt3A_308 : vector<16xi1>
        tpu.vector_store_idx %arg17[%and3A_317], %add3A_321 masked %and3A_322 {add = true} : memref<256xi32, #tpu.memory_space<vmem>>[vector<16xi32>], vector<16xi32>, vector<16xi1>
      }
      %while3A_125 = arith.constant 1 : i32
      scf.for %while3A_303 = %while3A_123 to %while3A_119 step %while3A_125  : i32 {
        %mul3A_304 = arith.constant 16 : i32
        %mul3A_305 = arith.muli %while3A_303, %mul3A_304 : i32
        %iota3A = tpu.iota {dimensions = array<i32: 0>} : vector<16xi32>
        %add3A_306 = vector.broadcast %mul3A_305 : i32 to vector<16xi32>
        %add3A_307 = arith.addi %add3A_306, %iota3A : vector<16xi32>
        %lt3A = vector.broadcast %scan3A_30#2 : i32 to vector<16xi32>
        %lt3A_308 = arith.cmpi slt, %add3A_307, %lt3A : vector<16xi32>
        %mul3A_309 = arith.constant 16 : i32
        %mul3A_310 = arith.muli %while3A_303, %mul3A_309 : i32
        %get3A = arith.index_cast %mul3A_310 : i32 to index
        %get3A_311 = tpu.vector_load %arg18[%get3A] {strides = array<i32>} : memref<8192xi32, #tpu.memory_space<vmem>>, vector<16xi32>,
        %not3A = arith.constant dense<-1> : vector<16xi32>
        %not3A_312 = arith.xori %get3A_311, %not3A : vector<16xi32>
        %shift_right_logical3A_313 = arith.constant 16 : i32
        %shift_right_logical3A_314 = vector.broadcast %shift_right_logical3A_313 : i32 to vector<16xi32>
        %shift_right_logical3A_315 = arith.shrui %not3A_312, %shift_right_logical3A_314 : vector<16xi32>
        %and3A = arith.constant 255 : i32
        %and3A_316 = vector.broadcast %and3A : i32 to vector<16xi32>
        %and3A_317 = arith.andi %shift_right_logical3A_315, %and3A_316 : vector<16xi32>
        %unique3A, %unique3A_318 = tpu.scan_count mask(%lt3A_308 : vector<16xi1>) value(%and3A_317 : vector<16xi32>) : vector<16xi1>, vector<16xi32>
        %add3A_319 = arith.constant 0 : i32
        %add3A_320 = vector.broadcast %add3A_319 : i32 to vector<16xi32>
        %add3A_321 = arith.addi %unique3A_318, %add3A_320 : vector<16xi32>
        %and3A_322 = arith.andi %unique3A, %lt3A_308 : vector<16xi1>
        tpu.vector_store_idx %arg17[%and3A_317], %add3A_321 masked %and3A_322 {add = true} : memref<256xi32, #tpu.memory_space<vmem>>[vector<16xi32>], vector<16xi32>, vector<16xi1>
      }
      %scan3A_126 = arith.constant 0 : i32
      %scan3A_127 = arith.constant 0 : i32
      %scan3A_128 = arith.constant 16 : i32
      %scan3A_129 = arith.addi %scan3A_127, %scan3A_128 : i32
      %scan3A_130 = arith.constant 1 : i32
      %scan3A_131 = scf.for %scan3A_303 = %scan3A_127 to %scan3A_129 step %scan3A_130 iter_args(%scan3A_304 = %scan3A_126) -> (i32)  : i32 {
        %mul3A_305 = arith.constant 16 : i32
        %mul3A_306 = arith.muli %scan3A_303, %mul3A_305 : i32
        %get3A = arith.index_cast %mul3A_306 : i32 to index
        %get3A_307 = tpu.vector_load %arg17[%get3A] {strides = array<i32>} : memref<256xi32, #tpu.memory_space<vmem>>, vector<16xi32>,
        %broadcast_in_dim3A = arith.constant true
        %broadcast_in_dim3A_308 = vector.broadcast %broadcast_in_dim3A : i1 to vector<16xi1>
        %masked_cumsum3A = tpu.scan <sum>, %get3A_307 masked %broadcast_in_dim3A_308 : vector<16xi32>, vector<16xi1> -> vector<16xi32>
        %sub3A_309 = arith.subi %masked_cumsum3A, %get3A_307 : vector<16xi32>
        %add3A_310 = vector.broadcast %scan3A_304 : i32 to vector<16xi32>
        %add3A_311 = arith.addi %sub3A_309, %add3A_310 : vector<16xi32>
        %mul3A_312 = arith.constant 16 : i32
        %mul3A_313 = arith.muli %scan3A_303, %mul3A_312 : i32
        %swap3A = arith.index_cast %mul3A_313 : i32 to index
        %swap3A_314 = tpu.vector_load %arg17[%swap3A] {strides = array<i32>} : memref<256xi32, #tpu.memory_space<vmem>>, vector<16xi32>,
        tpu.vector_store %arg17[%swap3A], %add3A_311 {strides = array<i32>} : memref<256xi32, #tpu.memory_space<vmem>>, vector<16xi32>,
        %reduce_max3A = arith.constant true
        %reduce_max3A_315 = vector.broadcast %reduce_max3A : i1 to vector<16xi1>
        %reduce_max3A_316 = arith.constant -2147483648 : i32
        %reduce_max3A_317 = vector.broadcast %reduce_max3A_316 : i32 to vector<16xi32>
        %reduce_max3A_318 = arith.xori %masked_cumsum3A, %reduce_max3A_317 : vector<16xi32>
        %reduce_max3A_319 = tpu.scan <max>, %reduce_max3A_318 masked %reduce_max3A_315 : vector<16xi32>, vector<16xi1> -> vector<16xi32>
        %reduce_max3A_320 = arith.xori %reduce_max3A_319, %reduce_max3A_317 : vector<16xi32>
        %reduce_max3A_321 = vector.extract %reduce_max3A_320[15] : i32 from vector<16xi32>
        %add3A_322 = arith.addi %scan3A_304, %reduce_max3A_321 : i32
        scf.yield %add3A_322 : i32
      }
      %scan3A_132 = arith.constant 16 : i32
      %while3A_133 = arith.constant 0 : i32
      %while3A_134 = arith.constant 0 : i32
      %while3A_135 = arith.subi %shift_right_logical3A_47, %while3A_134 : i32
      %while3A_136 = arith.addi %while3A_134, %while3A_135 : i32
      %while3A_137 = arith.constant 1 : i32
      %while3A_138 = arith.divsi %while3A_135, %while3A_137 : i32
      %while3A_139 = arith.muli %while3A_138, %while3A_137 : i32
      %while3A_140 = arith.addi %while3A_134, %while3A_139 : i32
      %while3A_141 = arith.constant 1 : i32
      scf.for %while3A_303 = %while3A_134 to %while3A_140 step %while3A_141  : i32 {
        %mul3A_304 = arith.constant 16 : i32
        %mul3A_305 = arith.muli %while3A_303, %mul3A_304 : i32
        %iota3A = tpu.iota {dimensions = array<i32: 0>} : vector<16xi32>
        %add3A_306 = vector.broadcast %mul3A_305 : i32 to vector<16xi32>
        %add3A_307 = arith.addi %add3A_306, %iota3A : vector<16xi32>
        %lt3A = vector.broadcast %scan3A_30#2 : i32 to vector<16xi32>
        %lt3A_308 = arith.cmpi slt, %add3A_307, %lt3A : vector<16xi32>
        %mul3A_309 = arith.constant 16 : i32
        %mul3A_310 = arith.muli %while3A_303, %mul3A_309 : i32
        %get3A = arith.index_cast %mul3A_310 : i32 to index
        %get3A_311 = tpu.vector_load %arg18[%get3A] {strides = array<i32>} : memref<8192xi32, #tpu.memory_space<vmem>>, vector<16xi32>,
        %mul3A_312 = arith.constant 16 : i32
        %mul3A_313 = arith.muli %while3A_303, %mul3A_312 : i32
        %get3A_314 = arith.index_cast %mul3A_313 : i32 to index
        %get3A_315 = tpu.vector_load %arg19[%get3A_314] {strides = array<i32>} : memref<8192xi32, #tpu.memory_space<vmem>>, vector<16xi32>,
        %not3A = arith.constant dense<-1> : vector<16xi32>
        %not3A_316 = arith.xori %get3A_311, %not3A : vector<16xi32>
        %shift_right_logical3A_317 = arith.constant 16 : i32
        %shift_right_logical3A_318 = vector.broadcast %shift_right_logical3A_317 : i32 to vector<16xi32>
        %shift_right_logical3A_319 = arith.shrui %not3A_316, %shift_right_logical3A_318 : vector<16xi32>
        %and3A = arith.constant 255 : i32
        %and3A_320 = vector.broadcast %and3A : i32 to vector<16xi32>
        %and3A_321 = arith.andi %shift_right_logical3A_319, %and3A_320 : vector<16xi32>
        %unique3A, %unique3A_322 = tpu.scan_count mask(%lt3A_308 : vector<16xi1>) value(%and3A_321 : vector<16xi32>) : vector<16xi1>, vector<16xi32>
        %gather3A = tpu.vector_load_idx %arg17[%and3A_321] : memref<256xi32, #tpu.memory_space<vmem>>[vector<16xi32>], vector<16xi32>,
        %add3A_323 = arith.addi %gather3A, %unique3A_322 : vector<16xi32>
        %sub3A_324 = arith.constant 1 : i32
        %sub3A_325 = vector.broadcast %sub3A_324 : i32 to vector<16xi32>
        %sub3A_326 = arith.subi %add3A_323, %sub3A_325 : vector<16xi32>
        tpu.vector_store_idx %arg20[%sub3A_326], %get3A_311 masked %lt3A_308 : memref<8192xi32, #tpu.memory_space<vmem>>[vector<16xi32>], vector<16xi32>, vector<16xi1>
        tpu.vector_store_idx %arg21[%sub3A_326], %get3A_315 masked %lt3A_308 : memref<8192xi32, #tpu.memory_space<vmem>>[vector<16xi32>], vector<16xi32>, vector<16xi1>
        %add3A_327 = arith.constant 0 : i32
        %add3A_328 = vector.broadcast %add3A_327 : i32 to vector<16xi32>
        %add3A_329 = arith.addi %unique3A_322, %add3A_328 : vector<16xi32>
        %and3A_330 = arith.andi %unique3A, %lt3A_308 : vector<16xi1>
        tpu.vector_store_idx %arg17[%and3A_321], %add3A_329 masked %and3A_330 {add = true} : memref<256xi32, #tpu.memory_space<vmem>>[vector<16xi32>], vector<16xi32>, vector<16xi1>
      }
      %while3A_142 = arith.constant 1 : i32
      scf.for %while3A_303 = %while3A_140 to %while3A_136 step %while3A_142  : i32 {
        %mul3A_304 = arith.constant 16 : i32
        %mul3A_305 = arith.muli %while3A_303, %mul3A_304 : i32
        %iota3A = tpu.iota {dimensions = array<i32: 0>} : vector<16xi32>
        %add3A_306 = vector.broadcast %mul3A_305 : i32 to vector<16xi32>
        %add3A_307 = arith.addi %add3A_306, %iota3A : vector<16xi32>
        %lt3A = vector.broadcast %scan3A_30#2 : i32 to vector<16xi32>
        %lt3A_308 = arith.cmpi slt, %add3A_307, %lt3A : vector<16xi32>
        %mul3A_309 = arith.constant 16 : i32
        %mul3A_310 = arith.muli %while3A_303, %mul3A_309 : i32
        %get3A = arith.index_cast %mul3A_310 : i32 to index
        %get3A_311 = tpu.vector_load %arg18[%get3A] {strides = array<i32>} : memref<8192xi32, #tpu.memory_space<vmem>>, vector<16xi32>,
        %mul3A_312 = arith.constant 16 : i32
        %mul3A_313 = arith.muli %while3A_303, %mul3A_312 : i32
        %get3A_314 = arith.index_cast %mul3A_313 : i32 to index
        %get3A_315 = tpu.vector_load %arg19[%get3A_314] {strides = array<i32>} : memref<8192xi32, #tpu.memory_space<vmem>>, vector<16xi32>,
        %not3A = arith.constant dense<-1> : vector<16xi32>
        %not3A_316 = arith.xori %get3A_311, %not3A : vector<16xi32>
        %shift_right_logical3A_317 = arith.constant 16 : i32
        %shift_right_logical3A_318 = vector.broadcast %shift_right_logical3A_317 : i32 to vector<16xi32>
        %shift_right_logical3A_319 = arith.shrui %not3A_316, %shift_right_logical3A_318 : vector<16xi32>
        %and3A = arith.constant 255 : i32
        %and3A_320 = vector.broadcast %and3A : i32 to vector<16xi32>
        %and3A_321 = arith.andi %shift_right_logical3A_319, %and3A_320 : vector<16xi32>
        %unique3A, %unique3A_322 = tpu.scan_count mask(%lt3A_308 : vector<16xi1>) value(%and3A_321 : vector<16xi32>) : vector<16xi1>, vector<16xi32>
        %gather3A = tpu.vector_load_idx %arg17[%and3A_321] : memref<256xi32, #tpu.memory_space<vmem>>[vector<16xi32>], vector<16xi32>,
        %add3A_323 = arith.addi %gather3A, %unique3A_322 : vector<16xi32>
        %sub3A_324 = arith.constant 1 : i32
        %sub3A_325 = vector.broadcast %sub3A_324 : i32 to vector<16xi32>
        %sub3A_326 = arith.subi %add3A_323, %sub3A_325 : vector<16xi32>
        tpu.vector_store_idx %arg20[%sub3A_326], %get3A_311 masked %lt3A_308 : memref<8192xi32, #tpu.memory_space<vmem>>[vector<16xi32>], vector<16xi32>, vector<16xi1>
        tpu.vector_store_idx %arg21[%sub3A_326], %get3A_315 masked %lt3A_308 : memref<8192xi32, #tpu.memory_space<vmem>>[vector<16xi32>], vector<16xi32>, vector<16xi1>
        %add3A_327 = arith.constant 0 : i32
        %add3A_328 = vector.broadcast %add3A_327 : i32 to vector<16xi32>
        %add3A_329 = arith.addi %unique3A_322, %add3A_328 : vector<16xi32>
        %and3A_330 = arith.andi %unique3A, %lt3A_308 : vector<16xi1>
        tpu.vector_store_idx %arg17[%and3A_321], %add3A_329 masked %and3A_330 {add = true} : memref<256xi32, #tpu.memory_space<vmem>>[vector<16xi32>], vector<16xi32>, vector<16xi1>
      }
      %scan3A_143 = arith.constant 0 : i32
      %scan3A_144 = arith.constant 16 : i32
      %scan3A_145 = arith.addi %scan3A_143, %scan3A_144 : i32
      %scan3A_146 = arith.constant 1 : i32
      scf.for %scan3A_303 = %scan3A_143 to %scan3A_145 step %scan3A_146  : i32 {
        %mul3A_304 = arith.constant 1 : i32
        %mul3A_305 = arith.muli %scan3A_303, %mul3A_304 : i32
        %add3A_306 = arith.constant 0 : i32
        %add3A_307 = arith.addi %add3A_306, %mul3A_305 : i32
        %broadcast_in_dim3A = arith.constant 0 : i32
        %broadcast_in_dim3A_308 = vector.broadcast %broadcast_in_dim3A : i32 to vector<16xi32>
        %mul3A_309 = arith.constant 16 : i32
        %mul3A_310 = arith.muli %add3A_307, %mul3A_309 : i32
        %swap3A = arith.index_cast %mul3A_310 : i32 to index
        %swap3A_311 = tpu.vector_load %arg17[%swap3A] {strides = array<i32>} : memref<256xi32, #tpu.memory_space<vmem>>, vector<16xi32>,
        tpu.vector_store %arg17[%swap3A], %broadcast_in_dim3A_308 {strides = array<i32>} : memref<256xi32, #tpu.memory_space<vmem>>, vector<16xi32>,
      }
      %scan3A_147 = arith.constant 16 : i32
      %while3A_148 = arith.constant 0 : i32
      %while3A_149 = arith.constant 0 : i32
      %while3A_150 = arith.subi %shift_right_logical3A_47, %while3A_149 : i32
      %while3A_151 = arith.addi %while3A_149, %while3A_150 : i32
      %while3A_152 = arith.constant 1 : i32
      %while3A_153 = arith.divsi %while3A_150, %while3A_152 : i32
      %while3A_154 = arith.muli %while3A_153, %while3A_152 : i32
      %while3A_155 = arith.addi %while3A_149, %while3A_154 : i32
      %while3A_156 = arith.constant 1 : i32
      scf.for %while3A_303 = %while3A_149 to %while3A_155 step %while3A_156  : i32 {
        %mul3A_304 = arith.constant 16 : i32
        %mul3A_305 = arith.muli %while3A_303, %mul3A_304 : i32
        %iota3A = tpu.iota {dimensions = array<i32: 0>} : vector<16xi32>
        %add3A_306 = vector.broadcast %mul3A_305 : i32 to vector<16xi32>
        %add3A_307 = arith.addi %add3A_306, %iota3A : vector<16xi32>
        %lt3A = vector.broadcast %scan3A_30#2 : i32 to vector<16xi32>
        %lt3A_308 = arith.cmpi slt, %add3A_307, %lt3A : vector<16xi32>
        %mul3A_309 = arith.constant 16 : i32
        %mul3A_310 = arith.muli %while3A_303, %mul3A_309 : i32
        %get3A = arith.index_cast %mul3A_310 : i32 to index
        %get3A_311 = tpu.vector_load %arg20[%get3A] {strides = array<i32>} : memref<8192xi32, #tpu.memory_space<vmem>>, vector<16xi32>,
        %not3A = arith.constant dense<-1> : vector<16xi32>
        %not3A_312 = arith.xori %get3A_311, %not3A : vector<16xi32>
        %shift_right_logical3A_313 = arith.constant 24 : i32
        %shift_right_logical3A_314 = vector.broadcast %shift_right_logical3A_313 : i32 to vector<16xi32>
        %shift_right_logical3A_315 = arith.shrui %not3A_312, %shift_right_logical3A_314 : vector<16xi32>
        %and3A = arith.constant 255 : i32
        %and3A_316 = vector.broadcast %and3A : i32 to vector<16xi32>
        %and3A_317 = arith.andi %shift_right_logical3A_315, %and3A_316 : vector<16xi32>
        %unique3A, %unique3A_318 = tpu.scan_count mask(%lt3A_308 : vector<16xi1>) value(%and3A_317 : vector<16xi32>) : vector<16xi1>, vector<16xi32>
        %add3A_319 = arith.constant 0 : i32
        %add3A_320 = vector.broadcast %add3A_319 : i32 to vector<16xi32>
        %add3A_321 = arith.addi %unique3A_318, %add3A_320 : vector<16xi32>
        %and3A_322 = arith.andi %unique3A, %lt3A_308 : vector<16xi1>
        tpu.vector_store_idx %arg17[%and3A_317], %add3A_321 masked %and3A_322 {add = true} : memref<256xi32, #tpu.memory_space<vmem>>[vector<16xi32>], vector<16xi32>, vector<16xi1>
      }
      %while3A_157 = arith.constant 1 : i32
      scf.for %while3A_303 = %while3A_155 to %while3A_151 step %while3A_157  : i32 {
        %mul3A_304 = arith.constant 16 : i32
        %mul3A_305 = arith.muli %while3A_303, %mul3A_304 : i32
        %iota3A = tpu.iota {dimensions = array<i32: 0>} : vector<16xi32>
        %add3A_306 = vector.broadcast %mul3A_305 : i32 to vector<16xi32>
        %add3A_307 = arith.addi %add3A_306, %iota3A : vector<16xi32>
        %lt3A = vector.broadcast %scan3A_30#2 : i32 to vector<16xi32>
        %lt3A_308 = arith.cmpi slt, %add3A_307, %lt3A : vector<16xi32>
        %mul3A_309 = arith.constant 16 : i32
        %mul3A_310 = arith.muli %while3A_303, %mul3A_309 : i32
        %get3A = arith.index_cast %mul3A_310 : i32 to index
        %get3A_311 = tpu.vector_load %arg20[%get3A] {strides = array<i32>} : memref<8192xi32, #tpu.memory_space<vmem>>, vector<16xi32>,
        %not3A = arith.constant dense<-1> : vector<16xi32>
        %not3A_312 = arith.xori %get3A_311, %not3A : vector<16xi32>
        %shift_right_logical3A_313 = arith.constant 24 : i32
        %shift_right_logical3A_314 = vector.broadcast %shift_right_logical3A_313 : i32 to vector<16xi32>
        %shift_right_logical3A_315 = arith.shrui %not3A_312, %shift_right_logical3A_314 : vector<16xi32>
        %and3A = arith.constant 255 : i32
        %and3A_316 = vector.broadcast %and3A : i32 to vector<16xi32>
        %and3A_317 = arith.andi %shift_right_logical3A_315, %and3A_316 : vector<16xi32>
        %unique3A, %unique3A_318 = tpu.scan_count mask(%lt3A_308 : vector<16xi1>) value(%and3A_317 : vector<16xi32>) : vector<16xi1>, vector<16xi32>
        %add3A_319 = arith.constant 0 : i32
        %add3A_320 = vector.broadcast %add3A_319 : i32 to vector<16xi32>
        %add3A_321 = arith.addi %unique3A_318, %add3A_320 : vector<16xi32>
        %and3A_322 = arith.andi %unique3A, %lt3A_308 : vector<16xi1>
        tpu.vector_store_idx %arg17[%and3A_317], %add3A_321 masked %and3A_322 {add = true} : memref<256xi32, #tpu.memory_space<vmem>>[vector<16xi32>], vector<16xi32>, vector<16xi1>
      }
      %scan3A_158 = arith.constant 0 : i32
      %scan3A_159 = arith.constant 0 : i32
      %scan3A_160 = arith.constant 16 : i32
      %scan3A_161 = arith.addi %scan3A_159, %scan3A_160 : i32
      %scan3A_162 = arith.constant 1 : i32
      %scan3A_163 = scf.for %scan3A_303 = %scan3A_159 to %scan3A_161 step %scan3A_162 iter_args(%scan3A_304 = %scan3A_158) -> (i32)  : i32 {
        %mul3A_305 = arith.constant 16 : i32
        %mul3A_306 = arith.muli %scan3A_303, %mul3A_305 : i32
        %get3A = arith.index_cast %mul3A_306 : i32 to index
        %get3A_307 = tpu.vector_load %arg17[%get3A] {strides = array<i32>} : memref<256xi32, #tpu.memory_space<vmem>>, vector<16xi32>,
        %broadcast_in_dim3A = arith.constant true
        %broadcast_in_dim3A_308 = vector.broadcast %broadcast_in_dim3A : i1 to vector<16xi1>
        %masked_cumsum3A = tpu.scan <sum>, %get3A_307 masked %broadcast_in_dim3A_308 : vector<16xi32>, vector<16xi1> -> vector<16xi32>
        %sub3A_309 = arith.subi %masked_cumsum3A, %get3A_307 : vector<16xi32>
        %add3A_310 = vector.broadcast %scan3A_304 : i32 to vector<16xi32>
        %add3A_311 = arith.addi %sub3A_309, %add3A_310 : vector<16xi32>
        %mul3A_312 = arith.constant 16 : i32
        %mul3A_313 = arith.muli %scan3A_303, %mul3A_312 : i32
        %swap3A = arith.index_cast %mul3A_313 : i32 to index
        %swap3A_314 = tpu.vector_load %arg17[%swap3A] {strides = array<i32>} : memref<256xi32, #tpu.memory_space<vmem>>, vector<16xi32>,
        tpu.vector_store %arg17[%swap3A], %add3A_311 {strides = array<i32>} : memref<256xi32, #tpu.memory_space<vmem>>, vector<16xi32>,
        %reduce_max3A = arith.constant true
        %reduce_max3A_315 = vector.broadcast %reduce_max3A : i1 to vector<16xi1>
        %reduce_max3A_316 = arith.constant -2147483648 : i32
        %reduce_max3A_317 = vector.broadcast %reduce_max3A_316 : i32 to vector<16xi32>
        %reduce_max3A_318 = arith.xori %masked_cumsum3A, %reduce_max3A_317 : vector<16xi32>
        %reduce_max3A_319 = tpu.scan <max>, %reduce_max3A_318 masked %reduce_max3A_315 : vector<16xi32>, vector<16xi1> -> vector<16xi32>
        %reduce_max3A_320 = arith.xori %reduce_max3A_319, %reduce_max3A_317 : vector<16xi32>
        %reduce_max3A_321 = vector.extract %reduce_max3A_320[15] : i32 from vector<16xi32>
        %add3A_322 = arith.addi %scan3A_304, %reduce_max3A_321 : i32
        scf.yield %add3A_322 : i32
      }
      %scan3A_164 = arith.constant 16 : i32
      %while3A_165 = arith.constant 0 : i32
      %while3A_166 = arith.constant 0 : i32
      %while3A_167 = arith.subi %shift_right_logical3A_47, %while3A_166 : i32
      %while3A_168 = arith.addi %while3A_166, %while3A_167 : i32
      %while3A_169 = arith.constant 1 : i32
      %while3A_170 = arith.divsi %while3A_167, %while3A_169 : i32
      %while3A_171 = arith.muli %while3A_170, %while3A_169 : i32
      %while3A_172 = arith.addi %while3A_166, %while3A_171 : i32
      %while3A_173 = arith.constant 1 : i32
      scf.for %while3A_303 = %while3A_166 to %while3A_172 step %while3A_173  : i32 {
        %mul3A_304 = arith.constant 16 : i32
        %mul3A_305 = arith.muli %while3A_303, %mul3A_304 : i32
        %iota3A = tpu.iota {dimensions = array<i32: 0>} : vector<16xi32>
        %add3A_306 = vector.broadcast %mul3A_305 : i32 to vector<16xi32>
        %add3A_307 = arith.addi %add3A_306, %iota3A : vector<16xi32>
        %lt3A = vector.broadcast %scan3A_30#2 : i32 to vector<16xi32>
        %lt3A_308 = arith.cmpi slt, %add3A_307, %lt3A : vector<16xi32>
        %mul3A_309 = arith.constant 16 : i32
        %mul3A_310 = arith.muli %while3A_303, %mul3A_309 : i32
        %get3A = arith.index_cast %mul3A_310 : i32 to index
        %get3A_311 = tpu.vector_load %arg20[%get3A] {strides = array<i32>} : memref<8192xi32, #tpu.memory_space<vmem>>, vector<16xi32>,
        %mul3A_312 = arith.constant 16 : i32
        %mul3A_313 = arith.muli %while3A_303, %mul3A_312 : i32
        %get3A_314 = arith.index_cast %mul3A_313 : i32 to index
        %get3A_315 = tpu.vector_load %arg21[%get3A_314] {strides = array<i32>} : memref<8192xi32, #tpu.memory_space<vmem>>, vector<16xi32>,
        %not3A = arith.constant dense<-1> : vector<16xi32>
        %not3A_316 = arith.xori %get3A_311, %not3A : vector<16xi32>
        %shift_right_logical3A_317 = arith.constant 24 : i32
        %shift_right_logical3A_318 = vector.broadcast %shift_right_logical3A_317 : i32 to vector<16xi32>
        %shift_right_logical3A_319 = arith.shrui %not3A_316, %shift_right_logical3A_318 : vector<16xi32>
        %and3A = arith.constant 255 : i32
        %and3A_320 = vector.broadcast %and3A : i32 to vector<16xi32>
        %and3A_321 = arith.andi %shift_right_logical3A_319, %and3A_320 : vector<16xi32>
        %unique3A, %unique3A_322 = tpu.scan_count mask(%lt3A_308 : vector<16xi1>) value(%and3A_321 : vector<16xi32>) : vector<16xi1>, vector<16xi32>
        %gather3A = tpu.vector_load_idx %arg17[%and3A_321] : memref<256xi32, #tpu.memory_space<vmem>>[vector<16xi32>], vector<16xi32>,
        %add3A_323 = arith.addi %gather3A, %unique3A_322 : vector<16xi32>
        %sub3A_324 = arith.constant 1 : i32
        %sub3A_325 = vector.broadcast %sub3A_324 : i32 to vector<16xi32>
        %sub3A_326 = arith.subi %add3A_323, %sub3A_325 : vector<16xi32>
        tpu.vector_store_idx %arg18[%sub3A_326], %get3A_311 masked %lt3A_308 : memref<8192xi32, #tpu.memory_space<vmem>>[vector<16xi32>], vector<16xi32>, vector<16xi1>
        tpu.vector_store_idx %arg19[%sub3A_326], %get3A_315 masked %lt3A_308 : memref<8192xi32, #tpu.memory_space<vmem>>[vector<16xi32>], vector<16xi32>, vector<16xi1>
        %add3A_327 = arith.constant 0 : i32
        %add3A_328 = vector.broadcast %add3A_327 : i32 to vector<16xi32>
        %add3A_329 = arith.addi %unique3A_322, %add3A_328 : vector<16xi32>
        %and3A_330 = arith.andi %unique3A, %lt3A_308 : vector<16xi1>
        tpu.vector_store_idx %arg17[%and3A_321], %add3A_329 masked %and3A_330 {add = true} : memref<256xi32, #tpu.memory_space<vmem>>[vector<16xi32>], vector<16xi32>, vector<16xi1>
      }
      %while3A_174 = arith.constant 1 : i32
      scf.for %while3A_303 = %while3A_172 to %while3A_168 step %while3A_174  : i32 {
        %mul3A_304 = arith.constant 16 : i32
        %mul3A_305 = arith.muli %while3A_303, %mul3A_304 : i32
        %iota3A = tpu.iota {dimensions = array<i32: 0>} : vector<16xi32>
        %add3A_306 = vector.broadcast %mul3A_305 : i32 to vector<16xi32>
        %add3A_307 = arith.addi %add3A_306, %iota3A : vector<16xi32>
        %lt3A = vector.broadcast %scan3A_30#2 : i32 to vector<16xi32>
        %lt3A_308 = arith.cmpi slt, %add3A_307, %lt3A : vector<16xi32>
        %mul3A_309 = arith.constant 16 : i32
        %mul3A_310 = arith.muli %while3A_303, %mul3A_309 : i32
        %get3A = arith.index_cast %mul3A_310 : i32 to index
        %get3A_311 = tpu.vector_load %arg20[%get3A] {strides = array<i32>} : memref<8192xi32, #tpu.memory_space<vmem>>, vector<16xi32>,
        %mul3A_312 = arith.constant 16 : i32
        %mul3A_313 = arith.muli %while3A_303, %mul3A_312 : i32
        %get3A_314 = arith.index_cast %mul3A_313 : i32 to index
        %get3A_315 = tpu.vector_load %arg21[%get3A_314] {strides = array<i32>} : memref<8192xi32, #tpu.memory_space<vmem>>, vector<16xi32>,
        %not3A = arith.constant dense<-1> : vector<16xi32>
        %not3A_316 = arith.xori %get3A_311, %not3A : vector<16xi32>
        %shift_right_logical3A_317 = arith.constant 24 : i32
        %shift_right_logical3A_318 = vector.broadcast %shift_right_logical3A_317 : i32 to vector<16xi32>
        %shift_right_logical3A_319 = arith.shrui %not3A_316, %shift_right_logical3A_318 : vector<16xi32>
        %and3A = arith.constant 255 : i32
        %and3A_320 = vector.broadcast %and3A : i32 to vector<16xi32>
        %and3A_321 = arith.andi %shift_right_logical3A_319, %and3A_320 : vector<16xi32>
        %unique3A, %unique3A_322 = tpu.scan_count mask(%lt3A_308 : vector<16xi1>) value(%and3A_321 : vector<16xi32>) : vector<16xi1>, vector<16xi32>
        %gather3A = tpu.vector_load_idx %arg17[%and3A_321] : memref<256xi32, #tpu.memory_space<vmem>>[vector<16xi32>], vector<16xi32>,
        %add3A_323 = arith.addi %gather3A, %unique3A_322 : vector<16xi32>
        %sub3A_324 = arith.constant 1 : i32
        %sub3A_325 = vector.broadcast %sub3A_324 : i32 to vector<16xi32>
        %sub3A_326 = arith.subi %add3A_323, %sub3A_325 : vector<16xi32>
        tpu.vector_store_idx %arg18[%sub3A_326], %get3A_311 masked %lt3A_308 : memref<8192xi32, #tpu.memory_space<vmem>>[vector<16xi32>], vector<16xi32>, vector<16xi1>
        tpu.vector_store_idx %arg19[%sub3A_326], %get3A_315 masked %lt3A_308 : memref<8192xi32, #tpu.memory_space<vmem>>[vector<16xi32>], vector<16xi32>, vector<16xi1>
        %add3A_327 = arith.constant 0 : i32
        %add3A_328 = vector.broadcast %add3A_327 : i32 to vector<16xi32>
        %add3A_329 = arith.addi %unique3A_322, %add3A_328 : vector<16xi32>
        %and3A_330 = arith.andi %unique3A, %lt3A_308 : vector<16xi1>
        tpu.vector_store_idx %arg17[%and3A_321], %add3A_329 masked %and3A_330 {add = true} : memref<256xi32, #tpu.memory_space<vmem>>[vector<16xi32>], vector<16xi32>, vector<16xi1>
      }
      %scan3A_175 = arith.constant 0 : i32
      %scan3A_176 = arith.constant 19 : i32
      %scan3A_177 = arith.addi %scan3A_175, %scan3A_176 : i32
      %scan3A_178 = arith.constant 1 : i32
      scf.for %scan3A_303 = %scan3A_175 to %scan3A_177 step %scan3A_178  : i32 {
        %mul3A_304 = arith.constant 1 : i32
        %mul3A_305 = arith.muli %scan3A_303, %mul3A_304 : i32
        %add3A_306 = arith.constant 0 : i32
        %add3A_307 = arith.addi %add3A_306, %mul3A_305 : i32
        %mul3A_308 = arith.constant 16 : i32
        %mul3A_309 = arith.muli %add3A_307, %mul3A_308 : i32
        %get3A = arith.index_cast %mul3A_309 : i32 to index
        %get3A_310 = tpu.vector_load %arg18[%get3A] {strides = array<i32>} : memref<8192xi32, #tpu.memory_space<vmem>>, vector<16xi32>,
        %bitcast3A = vector.bitcast %get3A_310 : vector<16xi32> to vector<16xf32>
        %swap3A = arith.index_cast %mul3A_309 : i32 to index
        %swap3A_311 = tpu.vector_load %arg22[%swap3A] {strides = array<i32>} : memref<304xf32, #tpu.memory_space<vmem>>, vector<16xf32>,
        tpu.vector_store %arg22[%swap3A], %bitcast3A {strides = array<i32>} : memref<304xf32, #tpu.memory_space<vmem>>, vector<16xf32>,
        %get3A_312 = arith.index_cast %mul3A_309 : i32 to index
        %get3A_313 = tpu.vector_load %arg19[%get3A_312] {strides = array<i32>} : memref<8192xi32, #tpu.memory_space<vmem>>, vector<16xi32>,
        %swap3A_314 = arith.index_cast %mul3A_309 : i32 to index
        %swap3A_315 = tpu.vector_load %arg23[%swap3A_314] {strides = array<i32>} : memref<304xi32, #tpu.memory_space<vmem>>, vector<16xi32>,
        tpu.vector_store %arg23[%swap3A_314], %get3A_313 {strides = array<i32>} : memref<304xi32, #tpu.memory_space<vmem>>, vector<16xi32>,
        %mul3A_316 = arith.constant 8192 : i32
        %mul3A_317 = arith.muli %add3A_12, %mul3A_316 : i32
        %get3A_318 = arith.index_cast %mul3A_309 : i32 to index
        %get3A_319 = tpu.vector_load %arg19[%get3A_318] {strides = array<i32>} : memref<8192xi32, #tpu.memory_space<vmem>>, vector<16xi32>,
        %add3A_320 = vector.broadcast %mul3A_317 : i32 to vector<16xi32>
        %add3A_321 = arith.addi %add3A_320, %get3A_319 : vector<16xi32>
        %swap3A_322 = arith.index_cast %mul3A_309 : i32 to index
        %swap3A_323 = tpu.vector_load %arg24[%swap3A_322] {strides = array<i32>} : memref<304xi32, #tpu.memory_space<vmem>>, vector<16xi32>,
        tpu.vector_store %arg24[%swap3A_322], %add3A_321 {strides = array<i32>} : memref<304xi32, #tpu.memory_space<vmem>>, vector<16xi32>,
      }
      %scan3A_179 = arith.constant 19 : i32
      %scan3A_180 = arith.constant 0 : i32
      %scan3A_181 = arith.constant 76 : i32
      %scan3A_182 = arith.addi %scan3A_180, %scan3A_181 : i32
      %scan3A_183 = arith.constant 1 : i32
      scf.for %scan3A_303 = %scan3A_180 to %scan3A_182 step %scan3A_183  : i32 {
        %mul3A_304 = arith.constant 1 : i32
        %mul3A_305 = arith.muli %scan3A_303, %mul3A_304 : i32
        %add3A_306 = arith.constant 0 : i32
        %add3A_307 = arith.addi %add3A_306, %mul3A_305 : i32
        %mul3A_308 = arith.constant 16 : i32
        %mul3A_309 = arith.muli %add3A_307, %mul3A_308 : i32
        %iota3A = tpu.iota {dimensions = array<i32: 0>} : vector<16xi32>
        %add3A_310 = vector.broadcast %mul3A_309 : i32 to vector<16xi32>
        %add3A_311 = arith.addi %add3A_310, %iota3A : vector<16xi32>
        %shift_right_logical3A_312 = arith.constant 2 : i32
        %shift_right_logical3A_313 = vector.broadcast %shift_right_logical3A_312 : i32 to vector<16xi32>
        %shift_right_logical3A_314 = arith.shrui %add3A_311, %shift_right_logical3A_313 : vector<16xi32>
        %gather3A = tpu.vector_load_idx %arg19[%shift_right_logical3A_314] : memref<8192xi32, #tpu.memory_space<vmem>>[vector<16xi32>], vector<16xi32>,
        %mul3A_315 = arith.constant 8192 : i32
        %mul3A_316 = arith.muli %add3A_12, %mul3A_315 : i32
        %add3A_317 = vector.broadcast %mul3A_316 : i32 to vector<16xi32>
        %add3A_318 = arith.addi %add3A_317, %gather3A : vector<16xi32>
        %mul3A_319 = arith.constant 4 : i32
        %mul3A_320 = vector.broadcast %mul3A_319 : i32 to vector<16xi32>
        %mul3A_321 = arith.muli %add3A_318, %mul3A_320 : vector<16xi32>
        %and3A = arith.constant 3 : i32
        %and3A_322 = vector.broadcast %and3A : i32 to vector<16xi32>
        %and3A_323 = arith.andi %add3A_311, %and3A_322 : vector<16xi32>
        %add3A_324 = arith.addi %mul3A_321, %and3A_323 : vector<16xi32>
        %mul3A_325 = arith.constant 16 : i32
        %mul3A_326 = arith.muli %add3A_307, %mul3A_325 : i32
        %swap3A = arith.index_cast %mul3A_326 : i32 to index
        %swap3A_327 = tpu.vector_load %arg25[%swap3A] {strides = array<i32>} : memref<1216xi32, #tpu.memory_space<vmem>>, vector<16xi32>,
        tpu.vector_store %arg25[%swap3A], %add3A_324 {strides = array<i32>} : memref<1216xi32, #tpu.memory_space<vmem>>, vector<16xi32>,
      }
      %scan3A_184 = arith.constant 76 : i32
      %scan3A_185 = arith.constant 0 : i32
      %scan3A_186 = arith.constant 190 : i32
      %scan3A_187 = arith.addi %scan3A_185, %scan3A_186 : i32
      %scan3A_188 = arith.constant 1 : i32
      scf.for %scan3A_303 = %scan3A_185 to %scan3A_187 step %scan3A_188  : i32 {
        %mul3A_304 = arith.constant 1 : i32
        %mul3A_305 = arith.muli %scan3A_303, %mul3A_304 : i32
        %add3A_306 = arith.constant 0 : i32
        %add3A_307 = arith.addi %add3A_306, %mul3A_305 : i32
        %mul3A_308 = arith.constant 16 : i32
        %mul3A_309 = arith.muli %add3A_307, %mul3A_308 : i32
        %iota3A = tpu.iota {dimensions = array<i32: 0>} : vector<16xi32>
        %add3A_310 = vector.broadcast %mul3A_309 : i32 to vector<16xi32>
        %add3A_311 = arith.addi %add3A_310, %iota3A : vector<16xi32>
        %jit3A = arith.constant 10 : i32
        %div3A = vector.broadcast %jit3A : i32 to vector<16xi32>
        %div3A_312 = arith.divsi %add3A_311, %div3A : vector<16xi32>
        %sign3A = arith.constant 0 : i32
        %sign3A_313 = vector.broadcast %sign3A : i32 to vector<16xi32>
        %sign3A_314 = arith.cmpi sgt, %add3A_311, %sign3A_313 : vector<16xi32>
        %sign3A_315 = arith.extui %sign3A_314 : vector<16xi1> to vector<16xi32>
        %sign3A_316 = arith.constant 0 : i32
        %sign3A_317 = vector.broadcast %sign3A_316 : i32 to vector<16xi32>
        %sign3A_318 = arith.cmpi slt, %add3A_311, %sign3A_317 : vector<16xi32>
        %sign3A_319 = arith.extui %sign3A_318 : vector<16xi1> to vector<16xi32>
        %sign3A_320 = arith.subi %sign3A_315, %sign3A_319 : vector<16xi32>
        %sign3A_321 = arith.constant 0 : i32
        %sign3A_322 = arith.cmpi sgt, %jit3A, %sign3A_321 : i32
        %sign3A_323 = arith.extui %sign3A_322 : i1 to i32
        %sign3A_324 = arith.constant 0 : i32
        %sign3A_325 = arith.cmpi slt, %jit3A, %sign3A_324 : i32
        %sign3A_326 = arith.extui %sign3A_325 : i1 to i32
        %sign3A_327 = arith.subi %sign3A_323, %sign3A_326 : i32
        %ne3A = vector.broadcast %sign3A_327 : i32 to vector<16xi32>
        %ne3A_328 = arith.cmpi ne, %sign3A_320, %ne3A : vector<16xi32>
        %rem3A = vector.broadcast %jit3A : i32 to vector<16xi32>
        %rem3A_329 = arith.remsi %add3A_311, %rem3A : vector<16xi32>
        %ne3A_330 = arith.constant 0 : i32
        %ne3A_331 = vector.broadcast %ne3A_330 : i32 to vector<16xi32>
        %ne3A_332 = arith.cmpi ne, %rem3A_329, %ne3A_331 : vector<16xi32>
        %and3A = arith.andi %ne3A_328, %ne3A_332 : vector<16xi1>
        %sub3A_333 = arith.constant 1 : i32
        %sub3A_334 = vector.broadcast %sub3A_333 : i32 to vector<16xi32>
        %sub3A_335 = arith.subi %div3A_312, %sub3A_334 : vector<16xi32>
        %select_n3A = arith.select %and3A, %sub3A_335, %div3A_312 : vector<16xi1>, vector<16xi32>
        %gather3A = tpu.vector_load_idx %arg19[%select_n3A] : memref<8192xi32, #tpu.memory_space<vmem>>[vector<16xi32>], vector<16xi32>,
        %mul3A_336 = arith.constant 8192 : i32
        %mul3A_337 = arith.muli %add3A_12, %mul3A_336 : i32
        %add3A_338 = vector.broadcast %mul3A_337 : i32 to vector<16xi32>
        %add3A_339 = arith.addi %add3A_338, %gather3A : vector<16xi32>
        %mul3A_340 = arith.constant 10 : i32
        %mul3A_341 = vector.broadcast %mul3A_340 : i32 to vector<16xi32>
        %mul3A_342 = arith.muli %add3A_339, %mul3A_341 : vector<16xi32>
        %mul3A_343 = arith.constant 10 : i32
        %mul3A_344 = vector.broadcast %mul3A_343 : i32 to vector<16xi32>
        %mul3A_345 = arith.muli %select_n3A, %mul3A_344 : vector<16xi32>
        %sub3A_346 = arith.subi %add3A_311, %mul3A_345 : vector<16xi32>
        %add3A_347 = arith.addi %mul3A_342, %sub3A_346 : vector<16xi32>
        %mul3A_348 = arith.constant 16 : i32
        %mul3A_349 = arith.muli %add3A_307, %mul3A_348 : i32
        %swap3A = arith.index_cast %mul3A_349 : i32 to index
        %swap3A_350 = tpu.vector_load %arg26[%swap3A] {strides = array<i32>} : memref<3040xi32, #tpu.memory_space<vmem>>, vector<16xi32>,
        tpu.vector_store %arg26[%swap3A], %add3A_347 {strides = array<i32>} : memref<3040xi32, #tpu.memory_space<vmem>>, vector<16xi32>,
      }
      %scan3A_189 = arith.constant 190 : i32
      %scan3A_190 = arith.constant 0 : i32
      %scan3A_191 = arith.constant 684 : i32
      %scan3A_192 = arith.addi %scan3A_190, %scan3A_191 : i32
      %scan3A_193 = arith.constant 1 : i32
      scf.for %scan3A_303 = %scan3A_190 to %scan3A_192 step %scan3A_193  : i32 {
        %mul3A_304 = arith.constant 1 : i32
        %mul3A_305 = arith.muli %scan3A_303, %mul3A_304 : i32
        %add3A_306 = arith.constant 0 : i32
        %add3A_307 = arith.addi %add3A_306, %mul3A_305 : i32
        %mul3A_308 = arith.constant 16 : i32
        %mul3A_309 = arith.muli %add3A_307, %mul3A_308 : i32
        %iota3A = tpu.iota {dimensions = array<i32: 0>} : vector<16xi32>
        %add3A_310 = vector.broadcast %mul3A_309 : i32 to vector<16xi32>
        %add3A_311 = arith.addi %add3A_310, %iota3A : vector<16xi32>
        %jit3A = arith.constant 36 : i32
        %div3A = vector.broadcast %jit3A : i32 to vector<16xi32>
        %div3A_312 = arith.divsi %add3A_311, %div3A : vector<16xi32>
        %sign3A = arith.constant 0 : i32
        %sign3A_313 = vector.broadcast %sign3A : i32 to vector<16xi32>
        %sign3A_314 = arith.cmpi sgt, %add3A_311, %sign3A_313 : vector<16xi32>
        %sign3A_315 = arith.extui %sign3A_314 : vector<16xi1> to vector<16xi32>
        %sign3A_316 = arith.constant 0 : i32
        %sign3A_317 = vector.broadcast %sign3A_316 : i32 to vector<16xi32>
        %sign3A_318 = arith.cmpi slt, %add3A_311, %sign3A_317 : vector<16xi32>
        %sign3A_319 = arith.extui %sign3A_318 : vector<16xi1> to vector<16xi32>
        %sign3A_320 = arith.subi %sign3A_315, %sign3A_319 : vector<16xi32>
        %sign3A_321 = arith.constant 0 : i32
        %sign3A_322 = arith.cmpi sgt, %jit3A, %sign3A_321 : i32
        %sign3A_323 = arith.extui %sign3A_322 : i1 to i32
        %sign3A_324 = arith.constant 0 : i32
        %sign3A_325 = arith.cmpi slt, %jit3A, %sign3A_324 : i32
        %sign3A_326 = arith.extui %sign3A_325 : i1 to i32
        %sign3A_327 = arith.subi %sign3A_323, %sign3A_326 : i32
        %ne3A = vector.broadcast %sign3A_327 : i32 to vector<16xi32>
        %ne3A_328 = arith.cmpi ne, %sign3A_320, %ne3A : vector<16xi32>
        %rem3A = vector.broadcast %jit3A : i32 to vector<16xi32>
        %rem3A_329 = arith.remsi %add3A_311, %rem3A : vector<16xi32>
        %ne3A_330 = arith.constant 0 : i32
        %ne3A_331 = vector.broadcast %ne3A_330 : i32 to vector<16xi32>
        %ne3A_332 = arith.cmpi ne, %rem3A_329, %ne3A_331 : vector<16xi32>
        %and3A = arith.andi %ne3A_328, %ne3A_332 : vector<16xi1>
        %sub3A_333 = arith.constant 1 : i32
        %sub3A_334 = vector.broadcast %sub3A_333 : i32 to vector<16xi32>
        %sub3A_335 = arith.subi %div3A_312, %sub3A_334 : vector<16xi32>
        %select_n3A = arith.select %and3A, %sub3A_335, %div3A_312 : vector<16xi1>, vector<16xi32>
        %gather3A = tpu.vector_load_idx %arg19[%select_n3A] : memref<8192xi32, #tpu.memory_space<vmem>>[vector<16xi32>], vector<16xi32>,
        %mul3A_336 = arith.constant 8192 : i32
        %mul3A_337 = arith.muli %add3A_12, %mul3A_336 : i32
        %add3A_338 = vector.broadcast %mul3A_337 : i32 to vector<16xi32>
        %add3A_339 = arith.addi %add3A_338, %gather3A : vector<16xi32>
        %mul3A_340 = arith.constant 36 : i32
        %mul3A_341 = vector.broadcast %mul3A_340 : i32 to vector<16xi32>
        %mul3A_342 = arith.muli %add3A_339, %mul3A_341 : vector<16xi32>
        %mul3A_343 = arith.constant 36 : i32
        %mul3A_344 = vector.broadcast %mul3A_343 : i32 to vector<16xi32>
        %mul3A_345 = arith.muli %select_n3A, %mul3A_344 : vector<16xi32>
        %sub3A_346 = arith.subi %add3A_311, %mul3A_345 : vector<16xi32>
        %add3A_347 = arith.addi %mul3A_342, %sub3A_346 : vector<16xi32>
        %mul3A_348 = arith.constant 16 : i32
        %mul3A_349 = arith.muli %add3A_307, %mul3A_348 : i32
        %swap3A = arith.index_cast %mul3A_349 : i32 to index
        %swap3A_350 = tpu.vector_load %arg27[%swap3A] {strides = array<i32>} : memref<10944xi32, #tpu.memory_space<vmem>>, vector<16xi32>,
        tpu.vector_store %arg27[%swap3A], %add3A_347 {strides = array<i32>} : memref<10944xi32, #tpu.memory_space<vmem>>, vector<16xi32>,
      }
      %scan3A_194 = arith.constant 684 : i32
      %scan3A_195 = arith.constant 0 : i32
      %scan3A_196 = arith.constant 9 : i32
      %scan3A_197 = arith.addi %scan3A_195, %scan3A_196 : i32
      %scan3A_198 = arith.constant 1 : i32
      scf.for %scan3A_303 = %scan3A_195 to %scan3A_197 step %scan3A_198  : i32 {
        %mul3A_304 = arith.constant 1 : i32
        %mul3A_305 = arith.muli %scan3A_303, %mul3A_304 : i32
        %add3A_306 = arith.constant 0 : i32
        %add3A_307 = arith.addi %add3A_306, %mul3A_305 : i32
        %mul3A_308 = arith.constant 128 : i32
        %mul3A_309 = arith.muli %add3A_307, %mul3A_308 : i32
        %mul3A_310 = arith.constant 128 : i32
        %mul3A_311 = arith.muli %add3A_307, %mul3A_310 : i32
        %dma_start3A_312 = tpu.memref_slice %arg28[%mul3A_311] : memref<1216xf32, #tpu.memory_space<vmem>> -> memref<128xf32, #tpu.memory_space<vmem>>
        %dma_start3A_313 = tpu.memref_slice %arg25[%mul3A_309] : memref<1216xi32, #tpu.memory_space<vmem>> -> memref<128xi32, #tpu.memory_space<vmem>>
        %dma_start3A_314 = arith.constant 0 : i32
        %dma_start3A_315 = tpu.memref_slice %arg3[%dma_start3A_314] : memref<2097152xf32, #tpu.memory_space<hbm>> -> memref<2097152xf32, #tpu.memory_space<hbm>>
        tpu.enqueue_indirect_dma source(%dma_start3A_315 : memref<2097152xf32, #tpu.memory_space<hbm>>) target(%dma_start3A_312 : memref<128xf32, #tpu.memory_space<vmem>>) offsets(%dma_start3A_313 : memref<128xi32, #tpu.memory_space<vmem>>) semaphore(%arg33 : memref<!tpu.dma_semaphore, #tpu.memory_space<semaphore_mem>>)
      }
      %scan3A_199 = arith.constant 9 : i32
      %dma_start3A = arith.constant 1152 : i32
      %dma_start3A_200 = tpu.memref_slice %arg28[%dma_start3A] : memref<1216xf32, #tpu.memory_space<vmem>> -> memref<64xf32, #tpu.memory_space<vmem>>
      %dma_start3A_201 = arith.constant 1152 : i32
      %dma_start3A_202 = tpu.memref_slice %arg25[%dma_start3A_201] : memref<1216xi32, #tpu.memory_space<vmem>> -> memref<64xi32, #tpu.memory_space<vmem>>
      %dma_start3A_203 = arith.constant 0 : i32
      %dma_start3A_204 = tpu.memref_slice %arg3[%dma_start3A_203] : memref<2097152xf32, #tpu.memory_space<hbm>> -> memref<2097152xf32, #tpu.memory_space<hbm>>
      tpu.enqueue_indirect_dma source(%dma_start3A_204 : memref<2097152xf32, #tpu.memory_space<hbm>>) target(%dma_start3A_200 : memref<64xf32, #tpu.memory_space<vmem>>) offsets(%dma_start3A_202 : memref<64xi32, #tpu.memory_space<vmem>>) semaphore(%arg33 : memref<!tpu.dma_semaphore, #tpu.memory_space<semaphore_mem>>)
      %scan3A_205 = arith.constant 0 : i32
      %scan3A_206 = arith.constant 9 : i32
      %scan3A_207 = arith.addi %scan3A_205, %scan3A_206 : i32
      %scan3A_208 = arith.constant 1 : i32
      scf.for %scan3A_303 = %scan3A_205 to %scan3A_207 step %scan3A_208  : i32 {
        %mul3A_304 = arith.constant 1 : i32
        %mul3A_305 = arith.muli %scan3A_303, %mul3A_304 : i32
        %add3A_306 = arith.constant 0 : i32
        %add3A_307 = arith.addi %add3A_306, %mul3A_305 : i32
        %mul3A_308 = arith.constant 128 : i32
        %mul3A_309 = arith.muli %add3A_307, %mul3A_308 : i32
        %mul3A_310 = arith.constant 128 : i32
        %mul3A_311 = arith.muli %add3A_307, %mul3A_310 : i32
        %dma_wait3A_312 = tpu.memref_slice %arg28[%mul3A_311] : memref<1216xf32, #tpu.memory_space<vmem>> -> memref<128xf32, #tpu.memory_space<vmem>>
        %dma_wait3A_313 = tpu.memref_slice %arg25[%mul3A_309] : memref<1216xi32, #tpu.memory_space<vmem>> -> memref<128xi32, #tpu.memory_space<vmem>>
        %dma_wait3A_314 = arith.constant 0 : i32
        %dma_wait3A_315 = tpu.memref_slice %arg3[%dma_wait3A_314] : memref<2097152xf32, #tpu.memory_space<hbm>> -> memref<2097152xf32, #tpu.memory_space<hbm>>
        tpu.wait_indirect_dma semaphore(%arg33 : memref<!tpu.dma_semaphore, #tpu.memory_space<semaphore_mem>>) src(%dma_wait3A_315 : memref<2097152xf32, #tpu.memory_space<hbm>>) dst(%dma_wait3A_312 : memref<128xf32, #tpu.memory_space<vmem>>)
      }
      %scan3A_209 = arith.constant 9 : i32
      %dma_wait3A = arith.constant 1152 : i32
      %dma_wait3A_210 = tpu.memref_slice %arg28[%dma_wait3A] : memref<1216xf32, #tpu.memory_space<vmem>> -> memref<64xf32, #tpu.memory_space<vmem>>
      %dma_wait3A_211 = arith.constant 1152 : i32
      %dma_wait3A_212 = tpu.memref_slice %arg25[%dma_wait3A_211] : memref<1216xi32, #tpu.memory_space<vmem>> -> memref<64xi32, #tpu.memory_space<vmem>>
      %dma_wait3A_213 = arith.constant 0 : i32
      %dma_wait3A_214 = tpu.memref_slice %arg3[%dma_wait3A_213] : memref<2097152xf32, #tpu.memory_space<hbm>> -> memref<2097152xf32, #tpu.memory_space<hbm>>
      tpu.wait_indirect_dma semaphore(%arg33 : memref<!tpu.dma_semaphore, #tpu.memory_space<semaphore_mem>>) src(%dma_wait3A_214 : memref<2097152xf32, #tpu.memory_space<hbm>>) dst(%dma_wait3A_210 : memref<64xf32, #tpu.memory_space<vmem>>)
      %scan3A_215 = arith.constant 0 : i32
      %scan3A_216 = arith.constant 23 : i32
      %scan3A_217 = arith.addi %scan3A_215, %scan3A_216 : i32
      %scan3A_218 = arith.constant 1 : i32
      scf.for %scan3A_303 = %scan3A_215 to %scan3A_217 step %scan3A_218  : i32 {
        %mul3A_304 = arith.constant 1 : i32
        %mul3A_305 = arith.muli %scan3A_303, %mul3A_304 : i32
        %add3A_306 = arith.constant 0 : i32
        %add3A_307 = arith.addi %add3A_306, %mul3A_305 : i32
        %mul3A_308 = arith.constant 128 : i32
        %mul3A_309 = arith.muli %add3A_307, %mul3A_308 : i32
        %mul3A_310 = arith.constant 128 : i32
        %mul3A_311 = arith.muli %add3A_307, %mul3A_310 : i32
        %dma_start3A_312 = tpu.memref_slice %arg29[%mul3A_311] : memref<3040xf32, #tpu.memory_space<vmem>> -> memref<128xf32, #tpu.memory_space<vmem>>
        %dma_start3A_313 = tpu.memref_slice %arg26[%mul3A_309] : memref<3040xi32, #tpu.memory_space<vmem>> -> memref<128xi32, #tpu.memory_space<vmem>>
        %dma_start3A_314 = arith.constant 0 : i32
        %dma_start3A_315 = tpu.memref_slice %arg4[%dma_start3A_314] : memref<5242880xf32, #tpu.memory_space<hbm>> -> memref<5242880xf32, #tpu.memory_space<hbm>>
        tpu.enqueue_indirect_dma source(%dma_start3A_315 : memref<5242880xf32, #tpu.memory_space<hbm>>) target(%dma_start3A_312 : memref<128xf32, #tpu.memory_space<vmem>>) offsets(%dma_start3A_313 : memref<128xi32, #tpu.memory_space<vmem>>) semaphore(%arg33 : memref<!tpu.dma_semaphore, #tpu.memory_space<semaphore_mem>>)
      }
      %scan3A_219 = arith.constant 23 : i32
      %dma_start3A_220 = arith.constant 2944 : i32
      %dma_start3A_221 = tpu.memref_slice %arg29[%dma_start3A_220] : memref<3040xf32, #tpu.memory_space<vmem>> -> memref<96xf32, #tpu.memory_space<vmem>>
      %dma_start3A_222 = arith.constant 2944 : i32
      %dma_start3A_223 = tpu.memref_slice %arg26[%dma_start3A_222] : memref<3040xi32, #tpu.memory_space<vmem>> -> memref<96xi32, #tpu.memory_space<vmem>>
      %dma_start3A_224 = arith.constant 0 : i32
      %dma_start3A_225 = tpu.memref_slice %arg4[%dma_start3A_224] : memref<5242880xf32, #tpu.memory_space<hbm>> -> memref<5242880xf32, #tpu.memory_space<hbm>>
      tpu.enqueue_indirect_dma source(%dma_start3A_225 : memref<5242880xf32, #tpu.memory_space<hbm>>) target(%dma_start3A_221 : memref<96xf32, #tpu.memory_space<vmem>>) offsets(%dma_start3A_223 : memref<96xi32, #tpu.memory_space<vmem>>) semaphore(%arg33 : memref<!tpu.dma_semaphore, #tpu.memory_space<semaphore_mem>>)
      %scan3A_226 = arith.constant 0 : i32
      %scan3A_227 = arith.constant 23 : i32
      %scan3A_228 = arith.addi %scan3A_226, %scan3A_227 : i32
      %scan3A_229 = arith.constant 1 : i32
      scf.for %scan3A_303 = %scan3A_226 to %scan3A_228 step %scan3A_229  : i32 {
        %mul3A_304 = arith.constant 1 : i32
        %mul3A_305 = arith.muli %scan3A_303, %mul3A_304 : i32
        %add3A_306 = arith.constant 0 : i32
        %add3A_307 = arith.addi %add3A_306, %mul3A_305 : i32
        %mul3A_308 = arith.constant 128 : i32
        %mul3A_309 = arith.muli %add3A_307, %mul3A_308 : i32
        %mul3A_310 = arith.constant 128 : i32
        %mul3A_311 = arith.muli %add3A_307, %mul3A_310 : i32
        %dma_wait3A_312 = tpu.memref_slice %arg29[%mul3A_311] : memref<3040xf32, #tpu.memory_space<vmem>> -> memref<128xf32, #tpu.memory_space<vmem>>
        %dma_wait3A_313 = tpu.memref_slice %arg26[%mul3A_309] : memref<3040xi32, #tpu.memory_space<vmem>> -> memref<128xi32, #tpu.memory_space<vmem>>
        %dma_wait3A_314 = arith.constant 0 : i32
        %dma_wait3A_315 = tpu.memref_slice %arg4[%dma_wait3A_314] : memref<5242880xf32, #tpu.memory_space<hbm>> -> memref<5242880xf32, #tpu.memory_space<hbm>>
        tpu.wait_indirect_dma semaphore(%arg33 : memref<!tpu.dma_semaphore, #tpu.memory_space<semaphore_mem>>) src(%dma_wait3A_315 : memref<5242880xf32, #tpu.memory_space<hbm>>) dst(%dma_wait3A_312 : memref<128xf32, #tpu.memory_space<vmem>>)
      }
      %scan3A_230 = arith.constant 23 : i32
      %dma_wait3A_231 = arith.constant 2944 : i32
      %dma_wait3A_232 = tpu.memref_slice %arg29[%dma_wait3A_231] : memref<3040xf32, #tpu.memory_space<vmem>> -> memref<96xf32, #tpu.memory_space<vmem>>
      %dma_wait3A_233 = arith.constant 2944 : i32
      %dma_wait3A_234 = tpu.memref_slice %arg26[%dma_wait3A_233] : memref<3040xi32, #tpu.memory_space<vmem>> -> memref<96xi32, #tpu.memory_space<vmem>>
      %dma_wait3A_235 = arith.constant 0 : i32
      %dma_wait3A_236 = tpu.memref_slice %arg4[%dma_wait3A_235] : memref<5242880xf32, #tpu.memory_space<hbm>> -> memref<5242880xf32, #tpu.memory_space<hbm>>
      tpu.wait_indirect_dma semaphore(%arg33 : memref<!tpu.dma_semaphore, #tpu.memory_space<semaphore_mem>>) src(%dma_wait3A_236 : memref<5242880xf32, #tpu.memory_space<hbm>>) dst(%dma_wait3A_232 : memref<96xf32, #tpu.memory_space<vmem>>)
      %scan3A_237 = arith.constant 0 : i32
      %scan3A_238 = arith.constant 85 : i32
      %scan3A_239 = arith.addi %scan3A_237, %scan3A_238 : i32
      %scan3A_240 = arith.constant 1 : i32
      scf.for %scan3A_303 = %scan3A_237 to %scan3A_239 step %scan3A_240  : i32 {
        %mul3A_304 = arith.constant 1 : i32
        %mul3A_305 = arith.muli %scan3A_303, %mul3A_304 : i32
        %add3A_306 = arith.constant 0 : i32
        %add3A_307 = arith.addi %add3A_306, %mul3A_305 : i32
        %mul3A_308 = arith.constant 128 : i32
        %mul3A_309 = arith.muli %add3A_307, %mul3A_308 : i32
        %mul3A_310 = arith.constant 128 : i32
        %mul3A_311 = arith.muli %add3A_307, %mul3A_310 : i32
        %dma_start3A_312 = tpu.memref_slice %arg30[%mul3A_311] : memref<10944xf32, #tpu.memory_space<vmem>> -> memref<128xf32, #tpu.memory_space<vmem>>
        %dma_start3A_313 = tpu.memref_slice %arg27[%mul3A_309] : memref<10944xi32, #tpu.memory_space<vmem>> -> memref<128xi32, #tpu.memory_space<vmem>>
        %dma_start3A_314 = arith.constant 0 : i32
        %dma_start3A_315 = tpu.memref_slice %arg5[%dma_start3A_314] : memref<18874368xf32, #tpu.memory_space<hbm>> -> memref<18874368xf32, #tpu.memory_space<hbm>>
        tpu.enqueue_indirect_dma source(%dma_start3A_315 : memref<18874368xf32, #tpu.memory_space<hbm>>) target(%dma_start3A_312 : memref<128xf32, #tpu.memory_space<vmem>>) offsets(%dma_start3A_313 : memref<128xi32, #tpu.memory_space<vmem>>) semaphore(%arg33 : memref<!tpu.dma_semaphore, #tpu.memory_space<semaphore_mem>>)
      }
      %scan3A_241 = arith.constant 85 : i32
      %dma_start3A_242 = arith.constant 10880 : i32
      %dma_start3A_243 = tpu.memref_slice %arg30[%dma_start3A_242] : memref<10944xf32, #tpu.memory_space<vmem>> -> memref<64xf32, #tpu.memory_space<vmem>>
      %dma_start3A_244 = arith.constant 10880 : i32
      %dma_start3A_245 = tpu.memref_slice %arg27[%dma_start3A_244] : memref<10944xi32, #tpu.memory_space<vmem>> -> memref<64xi32, #tpu.memory_space<vmem>>
      %dma_start3A_246 = arith.constant 0 : i32
      %dma_start3A_247 = tpu.memref_slice %arg5[%dma_start3A_246] : memref<18874368xf32, #tpu.memory_space<hbm>> -> memref<18874368xf32, #tpu.memory_space<hbm>>
      tpu.enqueue_indirect_dma source(%dma_start3A_247 : memref<18874368xf32, #tpu.memory_space<hbm>>) target(%dma_start3A_243 : memref<64xf32, #tpu.memory_space<vmem>>) offsets(%dma_start3A_245 : memref<64xi32, #tpu.memory_space<vmem>>) semaphore(%arg33 : memref<!tpu.dma_semaphore, #tpu.memory_space<semaphore_mem>>)
      %scan3A_248 = arith.constant 0 : i32
      %scan3A_249 = arith.constant 85 : i32
      %scan3A_250 = arith.addi %scan3A_248, %scan3A_249 : i32
      %scan3A_251 = arith.constant 1 : i32
      scf.for %scan3A_303 = %scan3A_248 to %scan3A_250 step %scan3A_251  : i32 {
        %mul3A_304 = arith.constant 1 : i32
        %mul3A_305 = arith.muli %scan3A_303, %mul3A_304 : i32
        %add3A_306 = arith.constant 0 : i32
        %add3A_307 = arith.addi %add3A_306, %mul3A_305 : i32
        %mul3A_308 = arith.constant 128 : i32
        %mul3A_309 = arith.muli %add3A_307, %mul3A_308 : i32
        %mul3A_310 = arith.constant 128 : i32
        %mul3A_311 = arith.muli %add3A_307, %mul3A_310 : i32
        %dma_wait3A_312 = tpu.memref_slice %arg30[%mul3A_311] : memref<10944xf32, #tpu.memory_space<vmem>> -> memref<128xf32, #tpu.memory_space<vmem>>
        %dma_wait3A_313 = tpu.memref_slice %arg27[%mul3A_309] : memref<10944xi32, #tpu.memory_space<vmem>> -> memref<128xi32, #tpu.memory_space<vmem>>
        %dma_wait3A_314 = arith.constant 0 : i32
        %dma_wait3A_315 = tpu.memref_slice %arg5[%dma_wait3A_314] : memref<18874368xf32, #tpu.memory_space<hbm>> -> memref<18874368xf32, #tpu.memory_space<hbm>>
        tpu.wait_indirect_dma semaphore(%arg33 : memref<!tpu.dma_semaphore, #tpu.memory_space<semaphore_mem>>) src(%dma_wait3A_315 : memref<18874368xf32, #tpu.memory_space<hbm>>) dst(%dma_wait3A_312 : memref<128xf32, #tpu.memory_space<vmem>>)
      }
      %scan3A_252 = arith.constant 85 : i32
      %dma_wait3A_253 = arith.constant 10880 : i32
      %dma_wait3A_254 = tpu.memref_slice %arg30[%dma_wait3A_253] : memref<10944xf32, #tpu.memory_space<vmem>> -> memref<64xf32, #tpu.memory_space<vmem>>
      %dma_wait3A_255 = arith.constant 10880 : i32
      %dma_wait3A_256 = tpu.memref_slice %arg27[%dma_wait3A_255] : memref<10944xi32, #tpu.memory_space<vmem>> -> memref<64xi32, #tpu.memory_space<vmem>>
      %dma_wait3A_257 = arith.constant 0 : i32
      %dma_wait3A_258 = tpu.memref_slice %arg5[%dma_wait3A_257] : memref<18874368xf32, #tpu.memory_space<hbm>> -> memref<18874368xf32, #tpu.memory_space<hbm>>
      tpu.wait_indirect_dma semaphore(%arg33 : memref<!tpu.dma_semaphore, #tpu.memory_space<semaphore_mem>>) src(%dma_wait3A_258 : memref<18874368xf32, #tpu.memory_space<hbm>>) dst(%dma_wait3A_254 : memref<64xf32, #tpu.memory_space<vmem>>)
      %scan3A_259 = arith.constant 0 : i32
      %scan3A_260 = arith.constant 2 : i32
      %scan3A_261 = arith.addi %scan3A_259, %scan3A_260 : i32
      %scan3A_262 = arith.constant 1 : i32
      scf.for %scan3A_303 = %scan3A_259 to %scan3A_261 step %scan3A_262  : i32 {
        %mul3A_304 = arith.constant 1 : i32
        %mul3A_305 = arith.muli %scan3A_303, %mul3A_304 : i32
        %add3A_306 = arith.constant 0 : i32
        %add3A_307 = arith.addi %add3A_306, %mul3A_305 : i32
        %mul3A_308 = arith.constant 128 : i32
        %mul3A_309 = arith.muli %add3A_307, %mul3A_308 : i32
        %mul3A_310 = arith.constant 128 : i32
        %mul3A_311 = arith.muli %add3A_307, %mul3A_310 : i32
        %dma_start3A_312 = tpu.memref_slice %arg31[%mul3A_311] : memref<304xf32, #tpu.memory_space<vmem>> -> memref<128xf32, #tpu.memory_space<vmem>>
        %dma_start3A_313 = tpu.memref_slice %arg24[%mul3A_309] : memref<304xi32, #tpu.memory_space<vmem>> -> memref<128xi32, #tpu.memory_space<vmem>>
        %dma_start3A_314 = arith.constant 0 : i32
        %dma_start3A_315 = tpu.memref_slice %arg6[%dma_start3A_314] : memref<524288xf32, #tpu.memory_space<hbm>> -> memref<524288xf32, #tpu.memory_space<hbm>>
        tpu.enqueue_indirect_dma source(%dma_start3A_315 : memref<524288xf32, #tpu.memory_space<hbm>>) target(%dma_start3A_312 : memref<128xf32, #tpu.memory_space<vmem>>) offsets(%dma_start3A_313 : memref<128xi32, #tpu.memory_space<vmem>>) semaphore(%arg33 : memref<!tpu.dma_semaphore, #tpu.memory_space<semaphore_mem>>)
      }
      %scan3A_263 = arith.constant 2 : i32
      %dma_start3A_264 = arith.constant 256 : i32
      %dma_start3A_265 = tpu.memref_slice %arg31[%dma_start3A_264] : memref<304xf32, #tpu.memory_space<vmem>> -> memref<48xf32, #tpu.memory_space<vmem>>
      %dma_start3A_266 = arith.constant 256 : i32
      %dma_start3A_267 = tpu.memref_slice %arg24[%dma_start3A_266] : memref<304xi32, #tpu.memory_space<vmem>> -> memref<48xi32, #tpu.memory_space<vmem>>
      %dma_start3A_268 = arith.constant 0 : i32
      %dma_start3A_269 = tpu.memref_slice %arg6[%dma_start3A_268] : memref<524288xf32, #tpu.memory_space<hbm>> -> memref<524288xf32, #tpu.memory_space<hbm>>
      tpu.enqueue_indirect_dma source(%dma_start3A_269 : memref<524288xf32, #tpu.memory_space<hbm>>) target(%dma_start3A_265 : memref<48xf32, #tpu.memory_space<vmem>>) offsets(%dma_start3A_267 : memref<48xi32, #tpu.memory_space<vmem>>) semaphore(%arg33 : memref<!tpu.dma_semaphore, #tpu.memory_space<semaphore_mem>>)
      %scan3A_270 = arith.constant 0 : i32
      %scan3A_271 = arith.constant 2 : i32
      %scan3A_272 = arith.addi %scan3A_270, %scan3A_271 : i32
      %scan3A_273 = arith.constant 1 : i32
      scf.for %scan3A_303 = %scan3A_270 to %scan3A_272 step %scan3A_273  : i32 {
        %mul3A_304 = arith.constant 1 : i32
        %mul3A_305 = arith.muli %scan3A_303, %mul3A_304 : i32
        %add3A_306 = arith.constant 0 : i32
        %add3A_307 = arith.addi %add3A_306, %mul3A_305 : i32
        %mul3A_308 = arith.constant 128 : i32
        %mul3A_309 = arith.muli %add3A_307, %mul3A_308 : i32
        %mul3A_310 = arith.constant 128 : i32
        %mul3A_311 = arith.muli %add3A_307, %mul3A_310 : i32
        %dma_wait3A_312 = tpu.memref_slice %arg31[%mul3A_311] : memref<304xf32, #tpu.memory_space<vmem>> -> memref<128xf32, #tpu.memory_space<vmem>>
        %dma_wait3A_313 = tpu.memref_slice %arg24[%mul3A_309] : memref<304xi32, #tpu.memory_space<vmem>> -> memref<128xi32, #tpu.memory_space<vmem>>
        %dma_wait3A_314 = arith.constant 0 : i32
        %dma_wait3A_315 = tpu.memref_slice %arg6[%dma_wait3A_314] : memref<524288xf32, #tpu.memory_space<hbm>> -> memref<524288xf32, #tpu.memory_space<hbm>>
        tpu.wait_indirect_dma semaphore(%arg33 : memref<!tpu.dma_semaphore, #tpu.memory_space<semaphore_mem>>) src(%dma_wait3A_315 : memref<524288xf32, #tpu.memory_space<hbm>>) dst(%dma_wait3A_312 : memref<128xf32, #tpu.memory_space<vmem>>)
      }
      %scan3A_274 = arith.constant 2 : i32
      %dma_wait3A_275 = arith.constant 256 : i32
      %dma_wait3A_276 = tpu.memref_slice %arg31[%dma_wait3A_275] : memref<304xf32, #tpu.memory_space<vmem>> -> memref<48xf32, #tpu.memory_space<vmem>>
      %dma_wait3A_277 = arith.constant 256 : i32
      %dma_wait3A_278 = tpu.memref_slice %arg24[%dma_wait3A_277] : memref<304xi32, #tpu.memory_space<vmem>> -> memref<48xi32, #tpu.memory_space<vmem>>
      %dma_wait3A_279 = arith.constant 0 : i32
      %dma_wait3A_280 = tpu.memref_slice %arg6[%dma_wait3A_279] : memref<524288xf32, #tpu.memory_space<hbm>> -> memref<524288xf32, #tpu.memory_space<hbm>>
      tpu.wait_indirect_dma semaphore(%arg33 : memref<!tpu.dma_semaphore, #tpu.memory_space<semaphore_mem>>) src(%dma_wait3A_280 : memref<524288xf32, #tpu.memory_space<hbm>>) dst(%dma_wait3A_276 : memref<48xf32, #tpu.memory_space<vmem>>)
      %scan3A_281 = arith.constant 0 : i32
      %scan3A_282 = arith.constant 2 : i32
      %scan3A_283 = arith.addi %scan3A_281, %scan3A_282 : i32
      %scan3A_284 = arith.constant 1 : i32
      scf.for %scan3A_303 = %scan3A_281 to %scan3A_283 step %scan3A_284  : i32 {
        %mul3A_304 = arith.constant 1 : i32
        %mul3A_305 = arith.muli %scan3A_303, %mul3A_304 : i32
        %add3A_306 = arith.constant 0 : i32
        %add3A_307 = arith.addi %add3A_306, %mul3A_305 : i32
        %mul3A_308 = arith.constant 128 : i32
        %mul3A_309 = arith.muli %add3A_307, %mul3A_308 : i32
        %mul3A_310 = arith.constant 128 : i32
        %mul3A_311 = arith.muli %add3A_307, %mul3A_310 : i32
        %dma_start3A_312 = tpu.memref_slice %arg32[%mul3A_311] : memref<304xf32, #tpu.memory_space<vmem>> -> memref<128xf32, #tpu.memory_space<vmem>>
        %dma_start3A_313 = tpu.memref_slice %arg24[%mul3A_309] : memref<304xi32, #tpu.memory_space<vmem>> -> memref<128xi32, #tpu.memory_space<vmem>>
        %dma_start3A_314 = arith.constant 0 : i32
        %dma_start3A_315 = tpu.memref_slice %arg7[%dma_start3A_314] : memref<524288xf32, #tpu.memory_space<hbm>> -> memref<524288xf32, #tpu.memory_space<hbm>>
        tpu.enqueue_indirect_dma source(%dma_start3A_315 : memref<524288xf32, #tpu.memory_space<hbm>>) target(%dma_start3A_312 : memref<128xf32, #tpu.memory_space<vmem>>) offsets(%dma_start3A_313 : memref<128xi32, #tpu.memory_space<vmem>>) semaphore(%arg33 : memref<!tpu.dma_semaphore, #tpu.memory_space<semaphore_mem>>)
      }
      %scan3A_285 = arith.constant 2 : i32
      %dma_start3A_286 = arith.constant 256 : i32
      %dma_start3A_287 = tpu.memref_slice %arg32[%dma_start3A_286] : memref<304xf32, #tpu.memory_space<vmem>> -> memref<48xf32, #tpu.memory_space<vmem>>
      %dma_start3A_288 = arith.constant 256 : i32
      %dma_start3A_289 = tpu.memref_slice %arg24[%dma_start3A_288] : memref<304xi32, #tpu.memory_space<vmem>> -> memref<48xi32, #tpu.memory_space<vmem>>
      %dma_start3A_290 = arith.constant 0 : i32
      %dma_start3A_291 = tpu.memref_slice %arg7[%dma_start3A_290] : memref<524288xf32, #tpu.memory_space<hbm>> -> memref<524288xf32, #tpu.memory_space<hbm>>
      tpu.enqueue_indirect_dma source(%dma_start3A_291 : memref<524288xf32, #tpu.memory_space<hbm>>) target(%dma_start3A_287 : memref<48xf32, #tpu.memory_space<vmem>>) offsets(%dma_start3A_289 : memref<48xi32, #tpu.memory_space<vmem>>) semaphore(%arg33 : memref<!tpu.dma_semaphore, #tpu.memory_space<semaphore_mem>>)
      %scan3A_292 = arith.constant 0 : i32
      %scan3A_293 = arith.constant 2 : i32
      %scan3A_294 = arith.addi %scan3A_292, %scan3A_293 : i32
      %scan3A_295 = arith.constant 1 : i32
      scf.for %scan3A_303 = %scan3A_292 to %scan3A_294 step %scan3A_295  : i32 {
        %mul3A_304 = arith.constant 1 : i32
        %mul3A_305 = arith.muli %scan3A_303, %mul3A_304 : i32
        %add3A_306 = arith.constant 0 : i32
        %add3A_307 = arith.addi %add3A_306, %mul3A_305 : i32
        %mul3A_308 = arith.constant 128 : i32
        %mul3A_309 = arith.muli %add3A_307, %mul3A_308 : i32
        %mul3A_310 = arith.constant 128 : i32
        %mul3A_311 = arith.muli %add3A_307, %mul3A_310 : i32
        %dma_wait3A_312 = tpu.memref_slice %arg32[%mul3A_311] : memref<304xf32, #tpu.memory_space<vmem>> -> memref<128xf32, #tpu.memory_space<vmem>>
        %dma_wait3A_313 = tpu.memref_slice %arg24[%mul3A_309] : memref<304xi32, #tpu.memory_space<vmem>> -> memref<128xi32, #tpu.memory_space<vmem>>
        %dma_wait3A_314 = arith.constant 0 : i32
        %dma_wait3A_315 = tpu.memref_slice %arg7[%dma_wait3A_314] : memref<524288xf32, #tpu.memory_space<hbm>> -> memref<524288xf32, #tpu.memory_space<hbm>>
        tpu.wait_indirect_dma semaphore(%arg33 : memref<!tpu.dma_semaphore, #tpu.memory_space<semaphore_mem>>) src(%dma_wait3A_315 : memref<524288xf32, #tpu.memory_space<hbm>>) dst(%dma_wait3A_312 : memref<128xf32, #tpu.memory_space<vmem>>)
      }
      %scan3A_296 = arith.constant 2 : i32
      %dma_wait3A_297 = arith.constant 256 : i32
      %dma_wait3A_298 = tpu.memref_slice %arg32[%dma_wait3A_297] : memref<304xf32, #tpu.memory_space<vmem>> -> memref<48xf32, #tpu.memory_space<vmem>>
      %dma_wait3A_299 = arith.constant 256 : i32
      %dma_wait3A_300 = tpu.memref_slice %arg24[%dma_wait3A_299] : memref<304xi32, #tpu.memory_space<vmem>> -> memref<48xi32, #tpu.memory_space<vmem>>
      %dma_wait3A_301 = arith.constant 0 : i32
      %dma_wait3A_302 = tpu.memref_slice %arg7[%dma_wait3A_301] : memref<524288xf32, #tpu.memory_space<hbm>> -> memref<524288xf32, #tpu.memory_space<hbm>>
      tpu.wait_indirect_dma semaphore(%arg33 : memref<!tpu.dma_semaphore, #tpu.memory_space<semaphore_mem>>) src(%dma_wait3A_302 : memref<524288xf32, #tpu.memory_space<hbm>>) dst(%dma_wait3A_298 : memref<48xf32, #tpu.memory_space<vmem>>)
      "tpu.region"() ({
        %run_scoped3A = tpu.sem_alloc : memref<!tpu.dma_semaphore, #tpu.memory_space<semaphore_mem>>
        %dma_start3A_303 = arith.constant 0 : i32
        %dma_start3A_304 = tpu.memref_slice %arg8[%add3A_12, %dma_start3A_303] : memref<64x304xf32, #tpu.memory_space<hbm>> -> memref<1x304xf32, #tpu.memory_space<hbm>>
        %dma_start3A_305 = tpu.memref_squeeze %dma_start3A_304 : memref<1x304xf32, #tpu.memory_space<hbm>> -> memref<304xf32, #tpu.memory_space<hbm>>
        %dma_start3A_306 = arith.constant 0 : i32
        %dma_start3A_307 = tpu.memref_slice %arg8[%add3A_12, %dma_start3A_306] : memref<64x304xf32, #tpu.memory_space<hbm>> -> memref<1x304xf32, #tpu.memory_space<hbm>>
        %dma_start3A_308 = tpu.memref_squeeze %dma_start3A_307 : memref<1x304xf32, #tpu.memory_space<hbm>> -> memref<304xf32, #tpu.memory_space<hbm>>
        tpu.enqueue_dma source(%arg22 : memref<304xf32, #tpu.memory_space<vmem>>) target(%dma_start3A_308 : memref<304xf32, #tpu.memory_space<hbm>>) target_semaphore(%run_scoped3A : memref<!tpu.dma_semaphore, #tpu.memory_space<semaphore_mem>>)
        %dma_wait3A_309 = arith.constant 0 : i32
        %dma_wait3A_310 = tpu.memref_slice %arg8[%add3A_12, %dma_wait3A_309] : memref<64x304xf32, #tpu.memory_space<hbm>> -> memref<1x304xf32, #tpu.memory_space<hbm>>
        %dma_wait3A_311 = tpu.memref_squeeze %dma_wait3A_310 : memref<1x304xf32, #tpu.memory_space<hbm>> -> memref<304xf32, #tpu.memory_space<hbm>>
        %dma_wait3A_312 = arith.constant 0 : i32
        %dma_wait3A_313 = tpu.memref_slice %arg8[%add3A_12, %dma_wait3A_312] : memref<64x304xf32, #tpu.memory_space<hbm>> -> memref<1x304xf32, #tpu.memory_space<hbm>>
        %dma_wait3A_314 = tpu.memref_squeeze %dma_wait3A_313 : memref<1x304xf32, #tpu.memory_space<hbm>> -> memref<304xf32, #tpu.memory_space<hbm>>
        tpu.wait_dma2 semaphore(%run_scoped3A : memref<!tpu.dma_semaphore, #tpu.memory_space<semaphore_mem>>) src(%arg22 : memref<304xf32, #tpu.memory_space<vmem>>) dst(%dma_wait3A_314 : memref<304xf32, #tpu.memory_space<hbm>>)
        tpu.yield
      }) : () -> ()
      "tpu.region"() ({
        %run_scoped3A = tpu.sem_alloc : memref<!tpu.dma_semaphore, #tpu.memory_space<semaphore_mem>>
        %dma_start3A_303 = arith.constant 0 : i32
        %dma_start3A_304 = tpu.memref_slice %arg9[%add3A_12, %dma_start3A_303] : memref<64x304xi32, #tpu.memory_space<hbm>> -> memref<1x304xi32, #tpu.memory_space<hbm>>
        %dma_start3A_305 = tpu.memref_squeeze %dma_start3A_304 : memref<1x304xi32, #tpu.memory_space<hbm>> -> memref<304xi32, #tpu.memory_space<hbm>>
        %dma_start3A_306 = arith.constant 0 : i32
        %dma_start3A_307 = tpu.memref_slice %arg9[%add3A_12, %dma_start3A_306] : memref<64x304xi32, #tpu.memory_space<hbm>> -> memref<1x304xi32, #tpu.memory_space<hbm>>
        %dma_start3A_308 = tpu.memref_squeeze %dma_start3A_307 : memref<1x304xi32, #tpu.memory_space<hbm>> -> memref<304xi32, #tpu.memory_space<hbm>>
        tpu.enqueue_dma source(%arg23 : memref<304xi32, #tpu.memory_space<vmem>>) target(%dma_start3A_308 : memref<304xi32, #tpu.memory_space<hbm>>) target_semaphore(%run_scoped3A : memref<!tpu.dma_semaphore, #tpu.memory_space<semaphore_mem>>)
        %dma_wait3A_309 = arith.constant 0 : i32
        %dma_wait3A_310 = tpu.memref_slice %arg9[%add3A_12, %dma_wait3A_309] : memref<64x304xi32, #tpu.memory_space<hbm>> -> memref<1x304xi32, #tpu.memory_space<hbm>>
        %dma_wait3A_311 = tpu.memref_squeeze %dma_wait3A_310 : memref<1x304xi32, #tpu.memory_space<hbm>> -> memref<304xi32, #tpu.memory_space<hbm>>
        %dma_wait3A_312 = arith.constant 0 : i32
        %dma_wait3A_313 = tpu.memref_slice %arg9[%add3A_12, %dma_wait3A_312] : memref<64x304xi32, #tpu.memory_space<hbm>> -> memref<1x304xi32, #tpu.memory_space<hbm>>
        %dma_wait3A_314 = tpu.memref_squeeze %dma_wait3A_313 : memref<1x304xi32, #tpu.memory_space<hbm>> -> memref<304xi32, #tpu.memory_space<hbm>>
        tpu.wait_dma2 semaphore(%run_scoped3A : memref<!tpu.dma_semaphore, #tpu.memory_space<semaphore_mem>>) src(%arg23 : memref<304xi32, #tpu.memory_space<vmem>>) dst(%dma_wait3A_314 : memref<304xi32, #tpu.memory_space<hbm>>)
        tpu.yield
      }) : () -> ()
      "tpu.region"() ({
        %run_scoped3A = tpu.sem_alloc : memref<!tpu.dma_semaphore, #tpu.memory_space<semaphore_mem>>
        %dma_start3A_303 = arith.constant 0 : i32
        %dma_start3A_304 = tpu.memref_slice %arg10[%add3A_12, %dma_start3A_303] : memref<64x1216xf32, #tpu.memory_space<hbm>> -> memref<1x1216xf32, #tpu.memory_space<hbm>>
        %dma_start3A_305 = tpu.memref_squeeze %dma_start3A_304 : memref<1x1216xf32, #tpu.memory_space<hbm>> -> memref<1216xf32, #tpu.memory_space<hbm>>
        %dma_start3A_306 = arith.constant 0 : i32
        %dma_start3A_307 = tpu.memref_slice %arg10[%add3A_12, %dma_start3A_306] : memref<64x1216xf32, #tpu.memory_space<hbm>> -> memref<1x1216xf32, #tpu.memory_space<hbm>>
        %dma_start3A_308 = tpu.memref_squeeze %dma_start3A_307 : memref<1x1216xf32, #tpu.memory_space<hbm>> -> memref<1216xf32, #tpu.memory_space<hbm>>
        tpu.enqueue_dma source(%arg28 : memref<1216xf32, #tpu.memory_space<vmem>>) target(%dma_start3A_308 : memref<1216xf32, #tpu.memory_space<hbm>>) target_semaphore(%run_scoped3A : memref<!tpu.dma_semaphore, #tpu.memory_space<semaphore_mem>>)
        %dma_wait3A_309 = arith.constant 0 : i32
        %dma_wait3A_310 = tpu.memref_slice %arg10[%add3A_12, %dma_wait3A_309] : memref<64x1216xf32, #tpu.memory_space<hbm>> -> memref<1x1216xf32, #tpu.memory_space<hbm>>
        %dma_wait3A_311 = tpu.memref_squeeze %dma_wait3A_310 : memref<1x1216xf32, #tpu.memory_space<hbm>> -> memref<1216xf32, #tpu.memory_space<hbm>>
        %dma_wait3A_312 = arith.constant 0 : i32
        %dma_wait3A_313 = tpu.memref_slice %arg10[%add3A_12, %dma_wait3A_312] : memref<64x1216xf32, #tpu.memory_space<hbm>> -> memref<1x1216xf32, #tpu.memory_space<hbm>>
        %dma_wait3A_314 = tpu.memref_squeeze %dma_wait3A_313 : memref<1x1216xf32, #tpu.memory_space<hbm>> -> memref<1216xf32, #tpu.memory_space<hbm>>
        tpu.wait_dma2 semaphore(%run_scoped3A : memref<!tpu.dma_semaphore, #tpu.memory_space<semaphore_mem>>) src(%arg28 : memref<1216xf32, #tpu.memory_space<vmem>>) dst(%dma_wait3A_314 : memref<1216xf32, #tpu.memory_space<hbm>>)
        tpu.yield
      }) : () -> ()
      "tpu.region"() ({
        %run_scoped3A = tpu.sem_alloc : memref<!tpu.dma_semaphore, #tpu.memory_space<semaphore_mem>>
        %dma_start3A_303 = arith.constant 0 : i32
        %dma_start3A_304 = tpu.memref_slice %arg11[%add3A_12, %dma_start3A_303] : memref<64x3040xf32, #tpu.memory_space<hbm>> -> memref<1x3040xf32, #tpu.memory_space<hbm>>
        %dma_start3A_305 = tpu.memref_squeeze %dma_start3A_304 : memref<1x3040xf32, #tpu.memory_space<hbm>> -> memref<3040xf32, #tpu.memory_space<hbm>>
        %dma_start3A_306 = arith.constant 0 : i32
        %dma_start3A_307 = tpu.memref_slice %arg11[%add3A_12, %dma_start3A_306] : memref<64x3040xf32, #tpu.memory_space<hbm>> -> memref<1x3040xf32, #tpu.memory_space<hbm>>
        %dma_start3A_308 = tpu.memref_squeeze %dma_start3A_307 : memref<1x3040xf32, #tpu.memory_space<hbm>> -> memref<3040xf32, #tpu.memory_space<hbm>>
        tpu.enqueue_dma source(%arg29 : memref<3040xf32, #tpu.memory_space<vmem>>) target(%dma_start3A_308 : memref<3040xf32, #tpu.memory_space<hbm>>) target_semaphore(%run_scoped3A : memref<!tpu.dma_semaphore, #tpu.memory_space<semaphore_mem>>)
        %dma_wait3A_309 = arith.constant 0 : i32
        %dma_wait3A_310 = tpu.memref_slice %arg11[%add3A_12, %dma_wait3A_309] : memref<64x3040xf32, #tpu.memory_space<hbm>> -> memref<1x3040xf32, #tpu.memory_space<hbm>>
        %dma_wait3A_311 = tpu.memref_squeeze %dma_wait3A_310 : memref<1x3040xf32, #tpu.memory_space<hbm>> -> memref<3040xf32, #tpu.memory_space<hbm>>
        %dma_wait3A_312 = arith.constant 0 : i32
        %dma_wait3A_313 = tpu.memref_slice %arg11[%add3A_12, %dma_wait3A_312] : memref<64x3040xf32, #tpu.memory_space<hbm>> -> memref<1x3040xf32, #tpu.memory_space<hbm>>
        %dma_wait3A_314 = tpu.memref_squeeze %dma_wait3A_313 : memref<1x3040xf32, #tpu.memory_space<hbm>> -> memref<3040xf32, #tpu.memory_space<hbm>>
        tpu.wait_dma2 semaphore(%run_scoped3A : memref<!tpu.dma_semaphore, #tpu.memory_space<semaphore_mem>>) src(%arg29 : memref<3040xf32, #tpu.memory_space<vmem>>) dst(%dma_wait3A_314 : memref<3040xf32, #tpu.memory_space<hbm>>)
        tpu.yield
      }) : () -> ()
      "tpu.region"() ({
        %run_scoped3A = tpu.sem_alloc : memref<!tpu.dma_semaphore, #tpu.memory_space<semaphore_mem>>
        %dma_start3A_303 = arith.constant 0 : i32
        %dma_start3A_304 = tpu.memref_slice %arg12[%add3A_12, %dma_start3A_303] : memref<64x10944xf32, #tpu.memory_space<hbm>> -> memref<1x10944xf32, #tpu.memory_space<hbm>>
        %dma_start3A_305 = tpu.memref_squeeze %dma_start3A_304 : memref<1x10944xf32, #tpu.memory_space<hbm>> -> memref<10944xf32, #tpu.memory_space<hbm>>
        %dma_start3A_306 = arith.constant 0 : i32
        %dma_start3A_307 = tpu.memref_slice %arg12[%add3A_12, %dma_start3A_306] : memref<64x10944xf32, #tpu.memory_space<hbm>> -> memref<1x10944xf32, #tpu.memory_space<hbm>>
        %dma_start3A_308 = tpu.memref_squeeze %dma_start3A_307 : memref<1x10944xf32, #tpu.memory_space<hbm>> -> memref<10944xf32, #tpu.memory_space<hbm>>
        tpu.enqueue_dma source(%arg30 : memref<10944xf32, #tpu.memory_space<vmem>>) target(%dma_start3A_308 : memref<10944xf32, #tpu.memory_space<hbm>>) target_semaphore(%run_scoped3A : memref<!tpu.dma_semaphore, #tpu.memory_space<semaphore_mem>>)
        %dma_wait3A_309 = arith.constant 0 : i32
        %dma_wait3A_310 = tpu.memref_slice %arg12[%add3A_12, %dma_wait3A_309] : memref<64x10944xf32, #tpu.memory_space<hbm>> -> memref<1x10944xf32, #tpu.memory_space<hbm>>
        %dma_wait3A_311 = tpu.memref_squeeze %dma_wait3A_310 : memref<1x10944xf32, #tpu.memory_space<hbm>> -> memref<10944xf32, #tpu.memory_space<hbm>>
        %dma_wait3A_312 = arith.constant 0 : i32
        %dma_wait3A_313 = tpu.memref_slice %arg12[%add3A_12, %dma_wait3A_312] : memref<64x10944xf32, #tpu.memory_space<hbm>> -> memref<1x10944xf32, #tpu.memory_space<hbm>>
        %dma_wait3A_314 = tpu.memref_squeeze %dma_wait3A_313 : memref<1x10944xf32, #tpu.memory_space<hbm>> -> memref<10944xf32, #tpu.memory_space<hbm>>
        tpu.wait_dma2 semaphore(%run_scoped3A : memref<!tpu.dma_semaphore, #tpu.memory_space<semaphore_mem>>) src(%arg30 : memref<10944xf32, #tpu.memory_space<vmem>>) dst(%dma_wait3A_314 : memref<10944xf32, #tpu.memory_space<hbm>>)
        tpu.yield
      }) : () -> ()
      "tpu.region"() ({
        %run_scoped3A = tpu.sem_alloc : memref<!tpu.dma_semaphore, #tpu.memory_space<semaphore_mem>>
        %dma_start3A_303 = arith.constant 0 : i32
        %dma_start3A_304 = tpu.memref_slice %arg13[%add3A_12, %dma_start3A_303] : memref<64x304xf32, #tpu.memory_space<hbm>> -> memref<1x304xf32, #tpu.memory_space<hbm>>
        %dma_start3A_305 = tpu.memref_squeeze %dma_start3A_304 : memref<1x304xf32, #tpu.memory_space<hbm>> -> memref<304xf32, #tpu.memory_space<hbm>>
        %dma_start3A_306 = arith.constant 0 : i32
        %dma_start3A_307 = tpu.memref_slice %arg13[%add3A_12, %dma_start3A_306] : memref<64x304xf32, #tpu.memory_space<hbm>> -> memref<1x304xf32, #tpu.memory_space<hbm>>
        %dma_start3A_308 = tpu.memref_squeeze %dma_start3A_307 : memref<1x304xf32, #tpu.memory_space<hbm>> -> memref<304xf32, #tpu.memory_space<hbm>>
        tpu.enqueue_dma source(%arg31 : memref<304xf32, #tpu.memory_space<vmem>>) target(%dma_start3A_308 : memref<304xf32, #tpu.memory_space<hbm>>) target_semaphore(%run_scoped3A : memref<!tpu.dma_semaphore, #tpu.memory_space<semaphore_mem>>)
        %dma_wait3A_309 = arith.constant 0 : i32
        %dma_wait3A_310 = tpu.memref_slice %arg13[%add3A_12, %dma_wait3A_309] : memref<64x304xf32, #tpu.memory_space<hbm>> -> memref<1x304xf32, #tpu.memory_space<hbm>>
        %dma_wait3A_311 = tpu.memref_squeeze %dma_wait3A_310 : memref<1x304xf32, #tpu.memory_space<hbm>> -> memref<304xf32, #tpu.memory_space<hbm>>
        %dma_wait3A_312 = arith.constant 0 : i32
        %dma_wait3A_313 = tpu.memref_slice %arg13[%add3A_12, %dma_wait3A_312] : memref<64x304xf32, #tpu.memory_space<hbm>> -> memref<1x304xf32, #tpu.memory_space<hbm>>
        %dma_wait3A_314 = tpu.memref_squeeze %dma_wait3A_313 : memref<1x304xf32, #tpu.memory_space<hbm>> -> memref<304xf32, #tpu.memory_space<hbm>>
        tpu.wait_dma2 semaphore(%run_scoped3A : memref<!tpu.dma_semaphore, #tpu.memory_space<semaphore_mem>>) src(%arg31 : memref<304xf32, #tpu.memory_space<vmem>>) dst(%dma_wait3A_314 : memref<304xf32, #tpu.memory_space<hbm>>)
        tpu.yield
      }) : () -> ()
      "tpu.region"() ({
        %run_scoped3A = tpu.sem_alloc : memref<!tpu.dma_semaphore, #tpu.memory_space<semaphore_mem>>
        %dma_start3A_303 = arith.constant 0 : i32
        %dma_start3A_304 = tpu.memref_slice %arg14[%add3A_12, %dma_start3A_303] : memref<64x304xf32, #tpu.memory_space<hbm>> -> memref<1x304xf32, #tpu.memory_space<hbm>>
        %dma_start3A_305 = tpu.memref_squeeze %dma_start3A_304 : memref<1x304xf32, #tpu.memory_space<hbm>> -> memref<304xf32, #tpu.memory_space<hbm>>
        %dma_start3A_306 = arith.constant 0 : i32
        %dma_start3A_307 = tpu.memref_slice %arg14[%add3A_12, %dma_start3A_306] : memref<64x304xf32, #tpu.memory_space<hbm>> -> memref<1x304xf32, #tpu.memory_space<hbm>>
        %dma_start3A_308 = tpu.memref_squeeze %dma_start3A_307 : memref<1x304xf32, #tpu.memory_space<hbm>> -> memref<304xf32, #tpu.memory_space<hbm>>
        tpu.enqueue_dma source(%arg32 : memref<304xf32, #tpu.memory_space<vmem>>) target(%dma_start3A_308 : memref<304xf32, #tpu.memory_space<hbm>>) target_semaphore(%run_scoped3A : memref<!tpu.dma_semaphore, #tpu.memory_space<semaphore_mem>>)
        %dma_wait3A_309 = arith.constant 0 : i32
        %dma_wait3A_310 = tpu.memref_slice %arg14[%add3A_12, %dma_wait3A_309] : memref<64x304xf32, #tpu.memory_space<hbm>> -> memref<1x304xf32, #tpu.memory_space<hbm>>
        %dma_wait3A_311 = tpu.memref_squeeze %dma_wait3A_310 : memref<1x304xf32, #tpu.memory_space<hbm>> -> memref<304xf32, #tpu.memory_space<hbm>>
        %dma_wait3A_312 = arith.constant 0 : i32
        %dma_wait3A_313 = tpu.memref_slice %arg14[%add3A_12, %dma_wait3A_312] : memref<64x304xf32, #tpu.memory_space<hbm>> -> memref<1x304xf32, #tpu.memory_space<hbm>>
        %dma_wait3A_314 = tpu.memref_squeeze %dma_wait3A_313 : memref<1x304xf32, #tpu.memory_space<hbm>> -> memref<304xf32, #tpu.memory_space<hbm>>
        tpu.wait_dma2 semaphore(%run_scoped3A : memref<!tpu.dma_semaphore, #tpu.memory_space<semaphore_mem>>) src(%arg32 : memref<304xf32, #tpu.memory_space<vmem>>) dst(%dma_wait3A_314 : memref<304xf32, #tpu.memory_space<hbm>>)
        tpu.yield
      }) : () -> ()
    }
    %scan3A_4 = arith.constant 2 : i32
    return
  }
}

module attributes {stable_mosaic.version = 14 : i64} {
  func.func @body(%arg0: i32, %arg1: memref<1x304x4xf32, #tpu.memory_space<vmem>>, %arg2: memref<1x304x10xf32, #tpu.memory_space<vmem>>, %arg3: memref<1x304x36xf32, #tpu.memory_space<vmem>>, %arg4: memref<1x1x304xf32, #tpu.memory_space<vmem>>, %arg5: memref<1x1x4xf32, #tpu.memory_space<vmem>>, %arg6: memref<1x1x10xf32, #tpu.memory_space<vmem>>, %arg7: memref<1x304x4xf32, #tpu.memory_space<vmem>>, %arg8: memref<1x304x10xf32, #tpu.memory_space<vmem>>, %arg9: memref<1x1x304xi32, #tpu.memory_space<vmem>>, %arg10: memref<1x1x304xf32, #tpu.memory_space<vmem>>, %arg11: memref<1x1x304xf32, #tpu.memory_space<vmem>>, %arg12: memref<1x1x304xf32, #tpu.memory_space<vmem>>) attributes {dimension_semantics = [#tpu.dimension_semantics<arbitrary>], iteration_bounds = array<i64: 64>, scalar_prefetch = 0 : i64, scratch_operands = 0 : i64, tpu.core_type = #tpu.core_type<tc>, window_params = [{transform_indices = @transform_0, window_bounds = array<i64: 1, 304, 4>}, {transform_indices = @transform_1, window_bounds = array<i64: 1, 304, 10>}, {transform_indices = @transform_2, window_bounds = array<i64: 1, 304, 36>}, {transform_indices = @transform_3, window_bounds = array<i64: 1, 1, 304>}, {transform_indices = @transform_4, window_bounds = array<i64: 1, 1, 4>}, {transform_indices = @transform_5, window_bounds = array<i64: 1, 1, 10>}, {transform_indices = @transform_6, window_bounds = array<i64: 1, 304, 4>}, {transform_indices = @transform_7, window_bounds = array<i64: 1, 304, 10>}, {transform_indices = @transform_8, window_bounds = array<i64: 1, 1, 304>}, {transform_indices = @transform_9, window_bounds = array<i64: 1, 1, 304>}, {transform_indices = @transform_10, window_bounds = array<i64: 1, 1, 304>}, {transform_indices = @transform_11, window_bounds = array<i64: 1, 1, 304>}]} {
    %get3A = arith.constant 0 : index
    %get3A_0 = arith.constant 0 : index
    %get3A_1 = arith.constant 0 : index
    %get3A_2 = vector.load %arg1[%get3A, %get3A_0, %get3A_1] : memref<1x304x4xf32, #tpu.memory_space<vmem>>, vector<1x304x4xf32>
    %get3A_3 = vector.shape_cast %get3A_2 : vector<1x304x4xf32> to vector<304x4xf32>
    %slice3A = vector.extract_strided_slice %get3A_3 {offsets = [0, 0], sizes = [304, 1], strides = [1, 1]} : vector<304x4xf32> to vector<304x1xf32>
    %slice3A_4 = vector.extract_strided_slice %get3A_3 {offsets = [0, 1], sizes = [304, 1], strides = [1, 1]} : vector<304x4xf32> to vector<304x1xf32>
    %slice3A_5 = vector.extract_strided_slice %get3A_3 {offsets = [0, 2], sizes = [304, 1], strides = [1, 1]} : vector<304x4xf32> to vector<304x1xf32>
    %slice3A_6 = vector.extract_strided_slice %get3A_3 {offsets = [0, 3], sizes = [304, 1], strides = [1, 1]} : vector<304x4xf32> to vector<304x1xf32>
    %mul3A = arith.constant 5.000000e-01 : f32
    %mul3A_7 = vector.broadcast %mul3A : f32 to vector<304x1xf32>
    %mul3A_8 = arith.mulf %mul3A_7, %slice3A_5 : vector<304x1xf32>
    %sub3A = arith.subf %slice3A, %mul3A_8 : vector<304x1xf32>
    %mul3A_9 = arith.constant 5.000000e-01 : f32
    %mul3A_10 = vector.broadcast %mul3A_9 : f32 to vector<304x1xf32>
    %mul3A_11 = arith.mulf %mul3A_10, %slice3A_6 : vector<304x1xf32>
    %sub3A_12 = arith.subf %slice3A_4, %mul3A_11 : vector<304x1xf32>
    %mul3A_13 = arith.constant 5.000000e-01 : f32
    %mul3A_14 = vector.broadcast %mul3A_13 : f32 to vector<304x1xf32>
    %mul3A_15 = arith.mulf %mul3A_14, %slice3A_5 : vector<304x1xf32>
    %add3A = arith.addf %slice3A, %mul3A_15 : vector<304x1xf32>
    %mul3A_16 = arith.constant 5.000000e-01 : f32
    %mul3A_17 = vector.broadcast %mul3A_16 : f32 to vector<304x1xf32>
    %mul3A_18 = arith.mulf %mul3A_17, %slice3A_6 : vector<304x1xf32>
    %add3A_19 = arith.addf %slice3A_4, %mul3A_18 : vector<304x1xf32>
    %concatenate3A = tpu.concatenate %sub3A, %sub3A_12, %add3A, %add3A_19 in 1 : vector<304x1xf32>, vector<304x1xf32>, vector<304x1xf32>, vector<304x1xf32> -> vector<304x4xf32>
    %get3A_20 = arith.constant 0 : index
    %get3A_21 = arith.constant 0 : index
    %get3A_22 = arith.constant 0 : index
    %get3A_23 = vector.load %arg5[%get3A_20, %get3A_21, %get3A_22] : memref<1x1x4xf32, #tpu.memory_space<vmem>>, vector<1x1x4xf32>
    %get3A_24 = vector.shape_cast %get3A_23 : vector<1x1x4xf32> to vector<1x4xf32>
    %mul3A_25 = vector.broadcast %get3A_24 : vector<1x4xf32> to vector<304x4xf32>
    %mul3A_26 = arith.mulf %concatenate3A, %mul3A_25 : vector<304x4xf32>
    %swap3A = arith.constant 0 : index
    %swap3A_27 = arith.constant 0 : index
    %swap3A_28 = arith.constant 0 : index
    %swap3A_29 = vector.load %arg7[%swap3A, %swap3A_27, %swap3A_28] : memref<1x304x4xf32, #tpu.memory_space<vmem>>, vector<1x304x4xf32>
    %swap3A_30 = vector.shape_cast %swap3A_29 : vector<1x304x4xf32> to vector<304x4xf32>
    %swap3A_31 = vector.shape_cast %mul3A_26 : vector<304x4xf32> to vector<1x304x4xf32>
    tpu.vector_store %arg7[%swap3A, %swap3A_27, %swap3A_28], %swap3A_31 {strides = array<i32>} : memref<1x304x4xf32, #tpu.memory_space<vmem>>, vector<1x304x4xf32>,
    %get3A_32 = arith.constant 0 : index
    %get3A_33 = arith.constant 0 : index
    %get3A_34 = arith.constant 0 : index
    %get3A_35 = vector.load %arg2[%get3A_32, %get3A_33, %get3A_34] : memref<1x304x10xf32, #tpu.memory_space<vmem>>, vector<1x304x10xf32>
    %get3A_36 = vector.shape_cast %get3A_35 : vector<1x304x10xf32> to vector<304x10xf32>
    %get3A_37 = arith.constant 0 : index
    %get3A_38 = arith.constant 0 : index
    %get3A_39 = arith.constant 0 : index
    %get3A_40 = vector.load %arg6[%get3A_37, %get3A_38, %get3A_39] : memref<1x1x10xf32, #tpu.memory_space<vmem>>, vector<1x1x10xf32>
    %get3A_41 = vector.shape_cast %get3A_40 : vector<1x1x10xf32> to vector<1x10xf32>
    %mul3A_42 = vector.broadcast %get3A_41 : vector<1x10xf32> to vector<304x10xf32>
    %mul3A_43 = arith.mulf %get3A_36, %mul3A_42 : vector<304x10xf32>
    %swap3A_44 = arith.constant 0 : index
    %swap3A_45 = arith.constant 0 : index
    %swap3A_46 = arith.constant 0 : index
    %swap3A_47 = vector.load %arg8[%swap3A_44, %swap3A_45, %swap3A_46] : memref<1x304x10xf32, #tpu.memory_space<vmem>>, vector<1x304x10xf32>
    %swap3A_48 = vector.shape_cast %swap3A_47 : vector<1x304x10xf32> to vector<304x10xf32>
    %swap3A_49 = vector.shape_cast %mul3A_43 : vector<304x10xf32> to vector<1x304x10xf32>
    tpu.vector_store %arg8[%swap3A_44, %swap3A_45, %swap3A_46], %swap3A_49 {strides = array<i32>} : memref<1x304x10xf32, #tpu.memory_space<vmem>>, vector<1x304x10xf32>,
    %get3A_50 = arith.constant 0 : index
    %get3A_51 = arith.constant 0 : index
    %get3A_52 = arith.constant 0 : index
    %get3A_53 = vector.load %arg3[%get3A_50, %get3A_51, %get3A_52] : memref<1x304x36xf32, #tpu.memory_space<vmem>>, vector<1x304x36xf32>
    %get3A_54 = vector.shape_cast %get3A_53 : vector<1x304x36xf32> to vector<304x36xf32>
    %reduce_max3A = arith.constant dense<0xFF800000> : vector<304xf32>
    %reduce_max3A_55 = vector.multi_reduction <maximumf>, %get3A_54, %reduce_max3A [1] : vector<304x36xf32> to vector<304xf32>
    %broadcast_in_dim3A = vector.shape_cast %reduce_max3A_55 : vector<304xf32> to vector<304x1xf32>
    %sub3A_56 = vector.broadcast %broadcast_in_dim3A : vector<304x1xf32> to vector<304x36xf32>
    %sub3A_57 = arith.subf %get3A_54, %sub3A_56 : vector<304x36xf32>
    %exp3A = math.exp %sub3A_57 : vector<304x36xf32>
    %reduce_sum3A = arith.constant dense<0.000000e+00> : vector<304xf32>
    %reduce_sum3A_58 = vector.multi_reduction <add>, %exp3A, %reduce_sum3A [1] : vector<304x36xf32> to vector<304xf32>
    %broadcast_in_dim3A_59 = vector.shape_cast %reduce_sum3A_58 : vector<304xf32> to vector<304x1xf32>
    %div3A = vector.broadcast %broadcast_in_dim3A_59 : vector<304x1xf32> to vector<304x36xf32>
    %div3A_60 = arith.divf %exp3A, %div3A : vector<304x36xf32>
    %reduce_max3A_61 = arith.constant dense<0xFF800000> : vector<304xf32>
    %reduce_max3A_62 = vector.multi_reduction <maximumf>, %div3A_60, %reduce_max3A_61 [1] : vector<304x36xf32> to vector<304xf32>
    %broadcast_in_dim3A_63 = vector.shape_cast %reduce_max3A_62 : vector<304xf32> to vector<304x1xf32>
    %iota3A = tpu.iota {dimensions = array<i32: 1>} : vector<304x36xi32>
    %eq3A = vector.broadcast %broadcast_in_dim3A_63 : vector<304x1xf32> to vector<304x36xf32>
    %eq3A_64 = arith.cmpf oeq, %div3A_60, %eq3A : vector<304x36xf32>
    %jit3A = arith.constant 36 : i32
    %broadcast_in_dim3A_65 = vector.broadcast %jit3A : i32 to vector<304x36xi32>
    %select_n3A = arith.select %eq3A_64, %iota3A, %broadcast_in_dim3A_65 : vector<304x36xi1>, vector<304x36xi32>
    %reduce_min3A = arith.constant dense<2147483647> : vector<304xi32>
    %reduce_min3A_66 = vector.multi_reduction <minsi>, %select_n3A, %reduce_min3A [1] : vector<304x36xi32> to vector<304xi32>
    %swap3A_67 = arith.constant 0 : index
    %swap3A_68 = arith.constant 0 : index
    %swap3A_69 = arith.constant 0 : index
    %swap3A_70 = vector.load %arg9[%swap3A_67, %swap3A_68, %swap3A_69] : memref<1x1x304xi32, #tpu.memory_space<vmem>>, vector<1x1x304xi32>
    %swap3A_71 = vector.shape_cast %swap3A_70 : vector<1x1x304xi32> to vector<304xi32>
    %swap3A_72 = vector.shape_cast %reduce_min3A_66 : vector<304xi32> to vector<1x1x304xi32>
    tpu.vector_store %arg9[%swap3A_67, %swap3A_68, %swap3A_69], %swap3A_72 {strides = array<i32>} : memref<1x1x304xi32, #tpu.memory_space<vmem>>, vector<1x1x304xi32>,
    %squeeze3A = vector.shape_cast %broadcast_in_dim3A_63 : vector<304x1xf32> to vector<304xf32>
    %swap3A_73 = arith.constant 0 : index
    %swap3A_74 = arith.constant 0 : index
    %swap3A_75 = arith.constant 0 : index
    %swap3A_76 = vector.load %arg10[%swap3A_73, %swap3A_74, %swap3A_75] : memref<1x1x304xf32, #tpu.memory_space<vmem>>, vector<1x1x304xf32>
    %swap3A_77 = vector.shape_cast %swap3A_76 : vector<1x1x304xf32> to vector<304xf32>
    %swap3A_78 = vector.shape_cast %squeeze3A : vector<304xf32> to vector<1x1x304xf32>
    tpu.vector_store %arg10[%swap3A_73, %swap3A_74, %swap3A_75], %swap3A_78 {strides = array<i32>} : memref<1x1x304xf32, #tpu.memory_space<vmem>>, vector<1x1x304xf32>,
    %convert_element_type3A = arith.sitofp %reduce_min3A_66 : vector<304xi32> to vector<304xf32>
    %add3A_79 = arith.constant 5.000000e-01 : f32
    %add3A_80 = vector.broadcast %add3A_79 : f32 to vector<304xf32>
    %add3A_81 = arith.addf %convert_element_type3A, %add3A_80 : vector<304xf32>
    %mul3A_82 = arith.constant 0.17453292 : f32
    %mul3A_83 = vector.broadcast %mul3A_82 : f32 to vector<304xf32>
    %mul3A_84 = arith.mulf %add3A_81, %mul3A_83 : vector<304xf32>
    %get3A_85 = arith.constant 0 : index
    %get3A_86 = arith.constant 0 : index
    %get3A_87 = arith.constant 0 : index
    %get3A_88 = vector.load %arg4[%get3A_85, %get3A_86, %get3A_87] : memref<1x1x304xf32, #tpu.memory_space<vmem>>, vector<1x1x304xf32>
    %get3A_89 = vector.shape_cast %get3A_88 : vector<1x1x304xf32> to vector<304xf32>
    %mul3A_90 = arith.constant 0.17453292 : f32
    %mul3A_91 = vector.broadcast %mul3A_90 : f32 to vector<304xf32>
    %mul3A_92 = arith.mulf %get3A_89, %mul3A_91 : vector<304xf32>
    %add3A_93 = arith.addf %mul3A_84, %mul3A_92 : vector<304xf32>
    %swap3A_94 = arith.constant 0 : index
    %swap3A_95 = arith.constant 0 : index
    %swap3A_96 = arith.constant 0 : index
    %swap3A_97 = vector.load %arg11[%swap3A_94, %swap3A_95, %swap3A_96] : memref<1x1x304xf32, #tpu.memory_space<vmem>>, vector<1x1x304xf32>
    %swap3A_98 = vector.shape_cast %swap3A_97 : vector<1x1x304xf32> to vector<304xf32>
    %swap3A_99 = vector.shape_cast %add3A_93 : vector<304xf32> to vector<1x1x304xf32>
    tpu.vector_store %arg11[%swap3A_94, %swap3A_95, %swap3A_96], %swap3A_99 {strides = array<i32>} : memref<1x1x304xf32, #tpu.memory_space<vmem>>, vector<1x1x304xf32>,
    %mul3A_100 = arith.constant 1.800000e+02 : f32
    %mul3A_101 = vector.broadcast %mul3A_100 : f32 to vector<304xf32>
    %mul3A_102 = arith.mulf %add3A_93, %mul3A_101 : vector<304xf32>
    %div3A_103 = arith.constant 3.14159274 : f32
    %div3A_104 = vector.broadcast %div3A_103 : f32 to vector<304xf32>
    %div3A_105 = arith.divf %mul3A_102, %div3A_104 : vector<304xf32>
    %swap3A_106 = arith.constant 0 : index
    %swap3A_107 = arith.constant 0 : index
    %swap3A_108 = arith.constant 0 : index
    %swap3A_109 = vector.load %arg12[%swap3A_106, %swap3A_107, %swap3A_108] : memref<1x1x304xf32, #tpu.memory_space<vmem>>, vector<1x1x304xf32>
    %swap3A_110 = vector.shape_cast %swap3A_109 : vector<1x1x304xf32> to vector<304xf32>
    %swap3A_111 = vector.shape_cast %div3A_105 : vector<304xf32> to vector<1x1x304xf32>
    tpu.vector_store %arg12[%swap3A_106, %swap3A_107, %swap3A_108], %swap3A_111 {strides = array<i32>} : memref<1x1x304xf32, #tpu.memory_space<vmem>>, vector<1x1x304xf32>,
    return
  }
  func.func @transform_0(%arg0: i32) -> (i32, i32, i32) {
    %c0_i32 = arith.constant 0 : i32
    %c0_i32_0 = arith.constant 0 : i32
    %c0_i32_1 = arith.constant 0 : i32
    return %arg0, %c0_i32, %c0_i32_0 : i32, i32, i32
  }
  func.func @transform_1(%arg0: i32) -> (i32, i32, i32) {
    %c0_i32 = arith.constant 0 : i32
    %c0_i32_0 = arith.constant 0 : i32
    %c0_i32_1 = arith.constant 0 : i32
    return %arg0, %c0_i32, %c0_i32_0 : i32, i32, i32
  }
  func.func @transform_2(%arg0: i32) -> (i32, i32, i32) {
    %c0_i32 = arith.constant 0 : i32
    %c0_i32_0 = arith.constant 0 : i32
    %c0_i32_1 = arith.constant 0 : i32
    return %arg0, %c0_i32, %c0_i32_0 : i32, i32, i32
  }
  func.func @transform_3(%arg0: i32) -> (i32, i32, i32) {
    %c0_i32 = arith.constant 0 : i32
    %c0_i32_0 = arith.constant 0 : i32
    %c0_i32_1 = arith.constant 0 : i32
    return %arg0, %c0_i32, %c0_i32_0 : i32, i32, i32
  }
  func.func @transform_4(%arg0: i32) -> (i32, i32, i32) {
    %c0_i32 = arith.constant 0 : i32
    %c0_i32_0 = arith.constant 0 : i32
    %c0_i32_1 = arith.constant 0 : i32
    return %arg0, %c0_i32, %c0_i32_0 : i32, i32, i32
  }
  func.func @transform_5(%arg0: i32) -> (i32, i32, i32) {
    %c0_i32 = arith.constant 0 : i32
    %c0_i32_0 = arith.constant 0 : i32
    %c0_i32_1 = arith.constant 0 : i32
    return %arg0, %c0_i32, %c0_i32_0 : i32, i32, i32
  }
  func.func @transform_6(%arg0: i32) -> (i32, i32, i32) {
    %c0_i32 = arith.constant 0 : i32
    %c0_i32_0 = arith.constant 0 : i32
    %c0_i32_1 = arith.constant 0 : i32
    return %arg0, %c0_i32, %c0_i32_0 : i32, i32, i32
  }
  func.func @transform_7(%arg0: i32) -> (i32, i32, i32) {
    %c0_i32 = arith.constant 0 : i32
    %c0_i32_0 = arith.constant 0 : i32
    %c0_i32_1 = arith.constant 0 : i32
    return %arg0, %c0_i32, %c0_i32_0 : i32, i32, i32
  }
  func.func @transform_8(%arg0: i32) -> (i32, i32, i32) {
    %c0_i32 = arith.constant 0 : i32
    %c0_i32_0 = arith.constant 0 : i32
    %c0_i32_1 = arith.constant 0 : i32
    return %arg0, %c0_i32, %c0_i32_0 : i32, i32, i32
  }
  func.func @transform_9(%arg0: i32) -> (i32, i32, i32) {
    %c0_i32 = arith.constant 0 : i32
    %c0_i32_0 = arith.constant 0 : i32
    %c0_i32_1 = arith.constant 0 : i32
    return %arg0, %c0_i32, %c0_i32_0 : i32, i32, i32
  }
  func.func @transform_10(%arg0: i32) -> (i32, i32, i32) {
    %c0_i32 = arith.constant 0 : i32
    %c0_i32_0 = arith.constant 0 : i32
    %c0_i32_1 = arith.constant 0 : i32
    return %arg0, %c0_i32, %c0_i32_0 : i32, i32, i32
  }
  func.func @transform_11(%arg0: i32) -> (i32, i32, i32) {
    %c0_i32 = arith.constant 0 : i32
    %c0_i32_0 = arith.constant 0 : i32
    %c0_i32_1 = arith.constant 0 : i32
    return %arg0, %c0_i32, %c0_i32_0 : i32, i32, i32
  }
}

</mosaic_0001>

<sc_bundles>
// kernel: kernel.4.cloned.1.call-start
scs
__scs_entry_jumppad:
0x0: {  	(pc) =	sbr.rel $0x88, $3  }
0x1: {  	(tag) =	ssettag $0x0;
	lr =	simm.s32 $0x1  }
0x2: {  	[smem:$0x3F9A] =	sst lr;
	_ =	strace $0xD0000000  }
0x3: {  	_ = 	snop  }
0x4: {  	_ = 	snop  }
0x5: {  	_ = 	snop  }
0x6: {  	_ = 	snop  }
0x7: {  	_ = 	snop  }
__scs_overlays_trampoline_lowered:
0x8: {  	[smem:$0x3FA9] =	sst s0  }
0x9: {  	[smem:$0x3FAA] =	sst s1  }
0xa: {  	[smem:$0x3FAB] =	sst s2  }
0xb: {  	[smem:$0x3FAC] =	sst s3  }
0xc: {  	[smem:$0x3FAD] =	sst s4  }
0xd: {  	[smem:$0x3FAE] =	sst s5  }
0xe: {  	[smem:$0x3FAF] =	sst s6  }
0xf: {  	[smem:$0x3FB0] =	sst s7  }
0x10: {  	[smem:$0x3FB1] =	sst s8  }
0x11: {  	[smem:$0x3FB2] =	sst s9;
	s0 =	simm.s32 @!p0 $0x0  }
0x12: {  	s1 =	sld [smem:$0x3F98];
	s0 =	simm.s32 @p0 $0x1  }
0x13: {  	[smem:$0x3FB3] =	sst s0;
	s0 =	simm.s32 @!p1 $0x0  }
0x14: {  	s2 =	sld [smem:$0x3F97];
	s0 =	simm.s32 @p1 $0x1  }
0x15: {  	[smem:$0x3FB4] =	sst s0;
	s0 =	simm.s32 @!p2 $0x0  }
0x16: {  	s3 =	sld [smem:$0x3FDB];
	s0 =	simm.s32 @p2 $0x1  }
0x17: {  	s4 =	simm.s32 $0x1BF5;
	[smem:$0x3FB6] =	sst s0  }
0x18: {  	s0 =	sld [smem:$0x3F99];
	_ =	swait.ge [sflag:s4], $0x0  }
0x19: {  	s7 =	sld [smem:$0x3F9A]  }
0x1a: {  	s8 =	sadd.s32 $0xFFFFE003, lr  }
0x1b: {  	s9 =	sadd.s32 $0xFFFFFEF7, lr;
	s5 =	simm.s32 $0xFFFFFFFF;
	p2 =	slt.u32 s8, $0xFFFFF086  }
0x1c: {  	p1 =	slt.u32 s9, $0xF7A;
	s5 =	simm.s32 @!p2 $0x0  }
0x1d: {  	s5 =	simm.s32 @p1 $0x1;
	p0 =	seq.s32 s7, s2  }
0x1e: {  	s7 =	smul.u32 @!p0 $0xF7A, s2;
	p2 =	seq.s32 @!p0 s5, $0x0  }
0x1f: {  	s9 =	smul.u32 $0xF7A, s1;
	s8 =	simm.s32 @!p0 $0x1BF5;
	p2 =	por !p2, p0  }
0x20: {  	[sflag:s8] =	ssyncset.s32 @!p0 $0xFFFFF086;
	s6 =	sadd.s32 @!p0 s3, s7;
	s7 =	simm.s32 @!p0 $0x108  }
0x21: {  	s3 =	sadd.s32 s3, s9;
	s6 =	sadd.s32 @!p0 $0x88, s6;
	s7 =	simm.s32 @p2 $0x1082  }
0x22: {  	[simem:s7], [sflag:s8] =	dma.local @!p0 [hbm:s6], $0xF7A  }
0x23: {  	s9 =	sor.u32 $0xD0000000, s2;
	s6 =	simm.s32 $0x108;
	_ =	swait.ge @!p0 [sflag:s8], $0x0  }
0x24: {  	s3 =	sadd.s32 $0x88, s3;
	s6 =	simm.s32 @!p1 $0x1082;
	[sflag:s4] =	ssyncset.s32 $0xFFFFF086  }
0x25: {  	[simem:s6], [sflag:s4] =	dma.local [hbm:s3], $0xF7A  }
0x26: {  	[smem:$0x3F9A] =	sst s1;
	(tag) =	ssettag s2;
	_ =	strace s9  }
0x27: {  	s1 =	sld [smem:$0x3FAA]  }
0x28: {  	s2 =	sld [smem:$0x3FAB]  }
0x29: {  	s4 =	sld [smem:$0x3FAD]  }
0x2a: {  	p0 =	seq.s32 s5, $0x0;
	s5 =	sld [smem:$0x3FAE]  }
0x2b: {  	s6 =	sld [smem:$0x3FAF]  }
0x2c: {  	s7 =	sld [smem:$0x3FB0]  }
0x2d: {  	s3 =	simm.s32 $0x108;
	s8 =	sld [smem:$0x3FB1]  }
0x2e: {  	s3 =	simm.s32 @!p0 $0x1082;
	s9 =	sld [smem:$0x3FB2]  }
0x2f: {  	lr =	sadd.s32 s0, s3;
	s0 =	sld [smem:$0x3FA9]  }
0x30: {  	s3 =	sld [smem:$0x3FAC]  }
0x31: {  	[smem:$0x3FB5] =	sst s10  }
0x32: {  	s10 =	sld [smem:$0x3FB3];
	_ =	sdelay $0x3  }
0x33: {  	p0 =	seq.s32 s10, $0x1;
	s10 =	sld [smem:$0x3FB5];
	_ =	sdelay $0x3  }
0x34: {  	[smem:$0x3FB5] =	sst s10  }
0x35: {  	s10 =	sld [smem:$0x3FB4];
	_ =	sdelay $0x3  }
0x36: {  	p1 =	seq.s32 s10, $0x1;
	s10 =	sld [smem:$0x3FB5];
	_ =	sdelay $0x3  }
0x37: {  	[smem:$0x3FB5] =	sst s10  }
0x38: {  	s10 =	sld [smem:$0x3FB6]  }
0x39: {  	_ = 	snop;
	(pc) =	sbr.ind lr, $3  }
0x3a: {  	_ = 	snop  }
0x3b: {  	_ = 	snop  }
0x3c: {  	p2 =	seq.s32 s10, $0x1;
	s10 =	sld [smem:$0x3FB5]  }
0x3d: {  	_ =	shalt  }
0x3e: {  	_ =	shalt  }
0x3f: {  	_ =	shalt  }
0x40: {  	_ =	shalt  }
0x41: {  	_ =	shalt  }
0x42: {  	_ =	shalt  }
0x43: {  	_ =	shalt  }
0x44: {  	_ =	shalt  }
0x45: {  	_ =	shalt  }
0x46: {  	_ =	shalt  }
0x47: {  	_ =	shalt  }
0x48: {  	_ =	shalt  }
0x49: {  	_ =	shalt  }
0x4a: {  	_ =	shalt  }
0x4b: {  	_ =	shalt  }
0x4c: {  	_ =	shalt  }
0x4d: {  	_ =	shalt  }
0x4e: {  	_ =	shalt  }
0x4f: {  	_ =	shalt  }
0x50: {  	_ =	shalt  }
0x51: {  	_ =	shalt  }
0x52: {  	_ =	shalt  }
0x53: {  	_ =	shalt  }
0x54: {  	_ =	shalt  }
0x55: {  	_ =	shalt  }
0x56: {  	_ =	shalt  }
0x57: {  	_ =	shalt  }
0x58: {  	_ =	shalt  }
0x59: {  	_ =	shalt  }
0x5a: {  	_ =	shalt  }
0x5b: {  	_ =	shalt  }
0x5c: {  	_ =	shalt  }
0x5d: {  	_ =	shalt  }
0x5e: {  	_ =	shalt  }
0x5f: {  	_ =	shalt  }
0x60: {  	_ =	shalt  }
0x61: {  	_ =	shalt  }
0x62: {  	_ =	shalt  }
0x63: {  	_ =	shalt  }
0x64: {  	_ =	shalt  }
0x65: {  	_ =	shalt  }
0x66: {  	_ =	shalt  }
0x67: {  	_ =	shalt  }
0x68: {  	_ =	shalt  }
0x69: {  	_ =	shalt  }
0x6a: {  	_ =	shalt  }
0x6b: {  	_ =	shalt  }
0x6c: {  	_ =	shalt  }
0x6d: {  	_ =	shalt  }
0x6e: {  	_ =	shalt  }
0x6f: {  	_ =	shalt  }
0x70: {  	_ =	shalt  }
0x71: {  	_ =	shalt  }
0x72: {  	_ =	shalt  }
0x73: {  	_ =	shalt  }
0x74: {  	_ =	shalt  }
0x75: {  	_ =	shalt  }
0x76: {  	_ =	shalt  }
0x77: {  	_ =	shalt  }
0x78: {  	_ =	shalt  }
0x79: {  	_ =	shalt  }
0x7a: {  	_ =	shalt  }
0x7b: {  	_ =	shalt  }
0x7c: {  	_ =	shalt  }
0x7d: {  	_ =	shalt  }
0x7e: {  	_ =	shalt  }
0x7f: {  	_ =	shalt  }
0x80: {  	_ =	shalt  }
0x81: {  	_ =	shalt  }
0x82: {  	_ =	shalt  }
0x83: {  	_ =	shalt  }
0x84: {  	_ =	shalt  }
0x85: {  	_ =	shalt  }
0x86: {  	_ =	shalt  }
0x87: {  	_ =	shalt  }
.Lfunc_end0:
.L_simem_size_0:
called_computation_lowered:
.L_overlay_start_0:
0x88: {  	s2 =	sld [smem:$0x3FD9]  }
0x89: {  	s3 =	sld [smem:$0x3FFE];
	_ =	sdelay $0x1  }
0x8a: {  	s1 =	srdreg.scid  }
0x8b: {  	s0 =	sand.u32 $0x1, s1  }
0x8c: {  	s31 =	sshll.u32 s0, $0xA;
	s2 =	sadd.s32 s3, s2  }
0x8d: {  	s2 =	sadd.s32 s2, s31  }
0x8e: {  	[smem:$0x3FC1] =	sst s2  }
0x8f: {  	_ = 	snop  }
0x90: {  	s5 =	sld [smem:$0x3FD0];
	_ =	sdelay $0x1  }
0x91: {  	s2 =	sld [smem:$0x3FC5]  }
0x92: {  	s6 =	simm.s32 $0xA;
	s7 =	simm.s32 $0x10;
	s4 =	sld [smem:$0x3FC4]  }
0x93: {  	[smem:s7], [sflag:s6] =	dma.local [hbm:s5], $0x1  }
0x94: {  	_ =	swait.eq [sflag:s6], $0x1  }
0x95: {  	s15 =	sld [smem:$0x10]  }
0x96: {  	s8 =	sld [smem:$0x11];
	[sflag:s6] =	ssyncset.done $0x0  }
0x97: {  	s9 =	sld [smem:$0x13];
	[sflag:s6] =	ssyncadd.s32 $0xFFFFFFFF  }
0x98: {  	s5 =	sadd.s32 $0x1, s5;
	s10 =	sld [smem:$0x17]  }
0x99: {  	[smem:s7], [sflag:s6] =	dma.local [hbm:s5], $0x1  }
0x9a: {  	_ =	swait.eq [sflag:s6], $0x1  }
0x9b: {  	[sflag:s6] =	ssyncset.done $0x0  }
0x9c: {  	s16 =	sld [smem:$0x10];
	[sflag:s6] =	ssyncadd.s32 $0xFFFFFFFF  }
0x9d: {  	s17 =	sld [smem:$0x11];
	(tm) =	ssettm $0x1  }
0x9e: {  	s18 =	sld [smem:$0x3FFB];
	_ =	sdelay $0x3  }
0x9f: {  	_ =	strace s18  }
0xa0: {  	s7 =	sld [smem:$0x3FFC];
	_ =	sdelay $0x3  }
0xa1: {  	_ =	strace s7  }
0xa2: {  	s7 =	sld [smem:$0x3FFD];
	_ =	sdelay $0x3  }
0xa3: {  	_ =	strace s7  }
0xa4: {  	_ =	strace $0x8FFFFFFF  }
0xa5: {  	s19 =	sld [smem:$0x3FDB];
	_ =	sdelay $0x1  }
0xa6: {  	s11 =	simm.s32 $_scs_section_size  }
0xa7: {  	s12 =	simm.s32 $_size__tile_overlayer_lowered;
	s13 =	simm.s32 $_tile_overlayer_lowered  }
0xa8: {  	s22 =	simm.s32 $0x1BFF;
	s21 =	sshll.u32 s13, $0x1;
	s7 =	sadd.s32 s11, s19  }
0xa9: {  	s14 =	simm.s32 $0x0;
	s20 =	sshll.u32 s12, $0x1;
	s12 =	sadd.s32 s21, s7  }
0xaa: {  	[timem:s14], [sflag:s22] =	dma.local [hbm:s12], s20  }
0xab: {  	_ =	swait.ge [sflag:s22], s20  }
0xac: {  	s11 =	ssub.s32 $0x0, s20;
	[sflag:s22] =	ssyncset.done $0x0  }
0xad: {  	[sflag:s22] =	ssyncadd.s32 s11;
	_ =	sdelay $0x1  }
0xae: {  	s23 =	simm.s32 $0x1B8B  }
0xaf: {  	_ =	swait.ge [sflag:s23], $0x1  }
0xb0: {  	[sflag:s23] =	ssyncset.done $0x0  }
0xb1: {  	s25 =	simm.s32 $0x1B8E;
	s24 =	sld [smem:$0x3FFE];
	[sflag:s23] =	ssyncadd.s32 $0xFFFFFFFF  }
0xb2: {  	s26 =	simm.s32 $execute0_lowered;
	[smem:$0x3FD2] =	sst s25  }
0xb3: {  	s12 =	sshll.u32 s26, $0x1;
	_ =	strace $0x80000046;
	[dreg:$0x1] =	wrdreg $0xFFFFFFFF  }
0xb4: {  	s28 =	simm.s32 $_size_execute0_lowered;
	s7 =	sadd.s32 s7, s12;
	[dreg:$0x0] =	wrdreg $0x0  }
0xb5: {  	s12 =	sshll.u32 s28, $0x1;
	[dreg:$0x2] =	wrdreg s7  }
0xb6: {  	[dreg:$0x3] =	wrdreg s12  }
0xb7: {  	[dreg:$0x4] =	wrdreg $0xC0  }
0xb8: {  	_ =	task [dreg:s14], $0x5FFFF  }
0xb9: {  	[dreg:$0x1] =	wrdreg $0xFFFFFFFF  }
0xba: {  	[dreg:$0x0] =	wrdreg $0x60  }
0xbb: {  	[dreg:$0x2] =	wrdreg s24  }
0xbc: {  	[dreg:$0x3] =	wrdreg s2  }
0xbd: {  	[dreg:$0x4] =	wrdreg s4  }
0xbe: {  	[dreg:$0x5] =	wrdreg s16  }
0xbf: {  	[dreg:$0x6] =	wrdreg s17  }
0xc0: {  	[dreg:$0x7] =	wrdreg s8  }
0xc1: {  	[dreg:$0x8] =	wrdreg s9  }
0xc2: {  	[dreg:$0x9] =	wrdreg s10  }
0xc3: {  	[dreg:$0xa] =	wrdreg s15  }
0xc4: {  	[dreg:$0xb] =	wrdreg $0x9  }
0xc5: {  	_ =	task.clear_ibuf [dreg:s14], $0xCFFFF;
	_ =	strace $0x90000046  }
0xc6: {  	s29 =	simm.s32 $0x9;
	_ =	strace $0x80000048  }
0xc7: {  	_ =	swait.ge [sflag:s29], $0x1  }
0xc8: {  	[sflag:s29] =	ssyncadd.s32 $0xFFFFFFFF  }
0xc9: {  	_ =	strace $0x90000048  }
0xca: {  	_ =	sfence  }
0xcb: {  	s30 =	sld [smem:$0x0];
	_ =	sdelay $0x2  }
0xcc: {  	s31 =	sshll.u32 s1, $0xD;
	s1 =	sshrl.u32 s1, $0x2  }
0xcd: {  	s3 =	sand.u32 $0x4000, s31;
	s1 =	sadd.s32 s1, s30  }
0xce: {  	s0 =	sor.u32 s3, s0;
	s1 =	sshll.u32 s1, $0x11  }
0xcf: {  	s0 =	sor.u32 s1, s0  }
0xd0: {  	s0 =	sadd.s32 $0x8F2B, s0  }
0xd1: {  	[sflag:s0] =	ssyncadd.remote.s32 $0x1  }
0xd2: {  	_ =	sfence.sel $0xFFFF  }
0xd3: {  	[dreg:$0x0] =	wrdreg $0xFFFFFFFF;
	(pc) =	sbr.abs _section_cstart, $3  }
0xd4: {  	[dreg:$0x1] =	wrdreg $0xFFFFFFFF  }
0xd5: {  	_ =	task.clear_ibuf [dreg:s14], $0x2FFFF;
	_ =	strace $0x9FFFFFFF  }
0xd6: {  	(tm) =	ssettm $0x7FFFFFFF  }
0xd7: {  	_ =	shalt  }
tec
execute0_lowered:
.L_overlay_start_1:
0x0: {  	(tag) =	ssettag $0x1  }
0x1: {  	s2 =	rddreg [dreg:$0x0]  }
0x2: {  	s0 =	rddreg [dreg:$0x1]  }
0x3: {  	s1 =	rddreg [dreg:$0x2];
	s9 =	simm.s32 $0x0;
	s3 =	srdreg.scid  }
0x4: {  	s5 =	stileid.u32;
	s19 =	simm.s32 $0x2;
	s20 =	simm.s32 $0x2000  }
0x5: {  	s21 =	simm.s32 $0x2900;
	s22 =	simm.s32 $0x4900;
	s23 =	simm.s32 $0x80  }
0x6: {  	s31 =	simm.s32 $0x1;
	s24 =	simm.s32 $0x2800;
	[smem:$0x7FF] =	sst s9  }
0x7: {  	s4 =	sadd.s32 $0x1C00, s2;
	s13 =	sadd.s32 $0xAE1C00, s2;
	s14 =	sadd.s32 $0xA41C00, s2  }
0x8: {  	s3 =	sand.u32 $0x1, s3;
	s15 =	sadd.s32 $0x801C00, s2;
	_ =	strace $0x80000047  }
.Ltmp0:
0x9: {  	[dreg:$0xb] =	wrdreg s3;
	s3 =	ssub.s32 $0x2, s3;
	(pc) =	sbr.rel .LBB2_1-.Ltmp0, $4  }
0xa: {  	s2 =	sadd.s32 $0x11C00, s2;
	[dreg:$0xa] =	wrdreg s4;
	s25 =	sshrl.u32 s3, $0x1  }
0xb: {  	s28 =	sshll.u32 s5, $0x1;
	[dreg:$0xc] =	wrdreg s2;
	s26 =	ssub.s32 s3, s25  }
0xc: {  	v0 =	vlaneseq.u32;
	s29 =	simm.s32 $0x6900;
	[dreg:$0xd] =	wrdreg s28;
	s2 =	smax.u32 s26, $0x1  }
0xd: {  	v1 =	vimm.s32 $0x0;
	s30 =	simm.s32 $0x8900;
	v2 =	vand.u32 $0x3, v0;
	s3 =	simm.s32 $0x0;
	[dreg:$0xe] =	wrdreg s2  }
.LBB2_89:
0xe: {  	s3 =	rddreg [dreg:$0xf]  }
0xf: {  	s2 =	rddreg [dreg:$0xe];
	s3 =	sadd.s32 $0x1, s3  }
0x10: {  	p0 =	sne.s32 s3, s2  }
.Ltmp1:
0x11: {  	_ = 	snop;
	(pc) =	sbr.rel @!p0 .LBB2_90-.Ltmp1, $1  }
0x12: {  	_ =	sdelay $0x3  }
.LBB2_1:
0x13: {  	[dreg:$0xf] =	wrdreg s3;
	p1 =	por $0x1, $0x1;
	s2 =	simm.s32 $0x0  }
.LBB2_2:
0x14: {  	s3 =	rddreg [dreg:$0xd]  }
0x15: {  	s28 =	rddreg [dreg:$0xb];
	s2 =	sor.u32 s2, s3  }
0x16: {  	s2 =	sor.u32 s28, s2  }
0x17: {  	s4 =	rddreg [dreg:$0xa];
	s3 =	sshll.u32 s2, $0xA  }
0x18: {  	s4 =	sadd.s32 s4, s3;
	s3 =	simm.s32 $0x0  }
0x19: {  	[tilespmem:s3], [sflag:$0x2] =	stream.linear.gather [hbm4b:s4+s3], $0x2000, $0x38;
	[tilespmem:$0x125B0] =	vst v63  }
0x1a: {  	_ =	swait.ge [sflag:s19], $0x2000  }
0x1b: {  	p0 =	por p1, p1;
	[sflag:s19] =	ssyncset.done $0x0  }
0x1c: {  	s5 =	simm.s32 $0x0;
	s4 =	simm.s32 $0x40;
	[sflag:s19] =	ssyncadd.s32 $0xFFFFE000  }
.LBB2_3:
0x1d: {  	p1 =	sne.s32 s4, $0x1FC0;
	[tilespmem:s5+$0x2000] =	vst v1;
	s5 =	smov.u32 s4;
	s4 =	sadd.s32 $0x40, s4  }
.Ltmp2:
0x1e: {  	(pc) =	sbr.rel @p1 .LBB2_3-.Ltmp2, $2  }
0x1f: {  	_ =	sdelay $0x2  }
0x20: {  	s5 =	sshra.s32 s5, $0x2  }
0x21: {  	[tilespmem:s5+$0x2000] =	vst v1  }
.LBB2_5:
0x22: {  	s4 =	sshra.s32 s3, $0x2  }
0x23: {  	v3 =	vld [tilespmem:s4+$0x0];
	_ =	sdelay $0x4  }
0x24: {  	v3 =	vshrl.u32 v3, $0x15  }
0x25: {  	(xrf1) =	vunique.msk.u32 $0xffff, v3;
	_ =	sdelay $0xd  }
0x26: {  	_, v4, vm0 =	vpop (xrf1)  }
0x27: {  	p1 =	sne.s32 s3, $0x7FC0  }
.Ltmp3:
0x28: {  	_ = 	snop;
	(pc) =	sbr.rel @p1 .LBB2_5-.Ltmp3, $2  }
0x29: {  	_ =	sdelay $0x2  }
0x2a: {  	s3 =	sadd.s32 $0x40, s3;
	[tilespmem:v3+s20+$0x0] =	vst.idx.add.s32.msk vm0, v4  }
0x2b: {  	s3 =	simm.s32 $0x7F0  }
0x2c: {  	v4 =	vld [tilespmem:s3+$0x2000];
	_ =	sdelay $0x2  }
0x2d: {  	s5 =	simm.s32 $0x7E0  }
0x2e: {  	v6 =	vld [tilespmem:s5+$0x2000]  }
0x2f: {  	(xrf0) =	vadd.scan.msk.s32 $0xffff, v4;
	_ =	sdelay $0x2  }
0x30: {  	s6 =	simm.s32 $0x7D0  }
0x31: {  	v12 =	vld [tilespmem:s6+$0x2000];
	(xrf0) =	vadd.scan.msk.s32 $0xffff, v6;
	_ =	sdelay $0x1  }
0x32: {  	v7, _, _ =	vpop (xrf0)  }
0x33: {  	v3 =	vxor.u32 $0x80000000, v7  }
0x34: {  	(xrf0) =	vmax.scan.msk.u32 $0xffff, v3  }
0x35: {  	s7 =	simm.s32 $0x7C0;
	(xrf0) =	vadd.scan.msk.s32 $0xffff, v12  }
0x36: {  	v14 =	vld [tilespmem:s7+$0x2000];
	v9, _, _ =	vpop (xrf0)  }
0x37: {  	v3 =	vxor.u32 $0x80000000, v9;
	_ =	sdelay $0x1  }
0x38: {  	(xrf0) =	vmax.scan.msk.u32 $0xffff, v3  }
0x39: {  	v3, _, _ =	vpop (xrf0)  }
0x3a: {  	s8 =	simm.s32 $0x7B0;
	(xrf0) =	vadd.scan.msk.s32 $0xffff, v14;
	(v2sf) =	vpush v3, $0xF;
	v11, _, _ =	vpop (xrf0)  }
0x3b: {  	v10 =	vld [tilespmem:s8+$0x2000];
	v3 =	vxor.u32 $0x80000000, v11;
	_ =	sdelay $0x2  }
0x3c: {  	(xrf0) =	vmax.scan.msk.u32 $0xffff, v3;
	v3, _, _ =	vpop (xrf0)  }
0x3d: {  	s10 =	simm.s32 $0x7A0;
	(v2sf) =	vpush v3, $0xF  }
0x3e: {  	v5 =	vld [tilespmem:s10+$0x2000];
	(xrf0) =	vadd.scan.msk.s32 $0xffff, v10;
	v13, _, _ =	vpop (xrf0)  }
0x3f: {  	v3 =	vxor.u32 $0x80000000, v13;
	_ =	sdelay $0x2  }
0x40: {  	(xrf0) =	vmax.scan.msk.u32 $0xffff, v3;
	v3, _, _ =	vpop (xrf0)  }
0x41: {  	s11 =	simm.s32 $0x790;
	(xrf0) =	vadd.scan.msk.s32 $0xffff, v5;
	(v2sf) =	vpush v3, $0xF  }
0x42: {  	v15, _, _ =	vpop (xrf0);
	v3 =	vld [tilespmem:s11+$0x2000]  }
0x43: {  	v8 =	vxor.u32 $0x80000000, v15;
	_ =	sdelay $0x1  }
0x44: {  	(xrf0) =	vmax.scan.msk.u32 $0xffff, v8;
	s12 =	spop (v2sf)  }
0x45: {  	v8, _, _ =	vpop (xrf0);
	s3 =	sadd.s32 $0x0, s12  }
0x46: {  	(v2sf) =	vpush v8, $0xF;
	(xrf0) =	vadd.scan.msk.s32 $0xffff, v3;
	v8, _, _ =	vpop (xrf0);
	s3 =	sadd.s32 $0x80000000, s3  }
0x47: {  	s4 =	simm.s32 $0x780;
	v16 =	vxor.u32 $0x80000000, v8;
	v7 =	vsub.s32 s3, v7  }
0x48: {  	v7 =	vadd.s32 v4, v7;
	v4 =	vld [tilespmem:s4+$0x2000]  }
0x49: {  	vm0 =	vgt.s32 v7, $0x12B;
	v7 =	vxor.u32 $0x80000000, v7;
	s16 =	spop (v2sf)  }
0x4a: {  	(xrf0) =	vmax.scan.msk.u32 $0xffff, v16;
	v16, _, _ =	vpop (xrf0);
	v7 =	vnsel vm0, $0xC0000000, v7;
	s3 =	sadd.s32 s16, s3  }
0x4b: {  	(v2sf) =	vpush v16, $0xF;
	v17 =	vsel vm0, $0x1, v1;
	(xrf0) =	vmin.scan.msk.u32 $0xffff, v7;
	s3 =	sadd.s32 $0x80000000, s3  }
0x4c: {  	(xrf0) =	vadd.scan.msk.s32 $0xffff, v17;
	v7 =	vsub.s32 s3, v9;
	v9, _, _ =	vpop (xrf0)  }
0x4d: {  	(xrf0) =	vadd.scan.msk.s32 $0xffff, v4;
	v7 =	vadd.s32 v6, v7;
	v16 =	vxor.u32 $0x80000000, v9  }
0x4e: {  	s17 =	simm.s32 $0x770;
	vm13 =	vgt.s32 v7, $0x12B  }
0x4f: {  	v6 =	vld [tilespmem:s17+$0x2000];
	s18 =	spop (v2sf);
	v7 =	vxor.u32 $0x80000000, v7;
	v17 =	vsel vm13, $0x1, v1  }
0x50: {  	(xrf0) =	vmax.scan.msk.u32 $0xffff, v16;
	v7 =	vnsel vm13, $0xC0000000, v7;
	s3 =	sadd.s32 s18, s3;
	v16, _, _ =	vpop (xrf0)  }
0x51: {  	(xrf0) =	vmin.scan.msk.u32 $0xffff, v7;
	s3 =	sadd.s32 $0x80000000, s3;
	v18, _, _ =	vpop (xrf0)  }
0x52: {  	(xrf0) =	vadd.scan.msk.s32 $0xffff, v17;
	v7 =	vsub.s32 s3, v11;
	v17, _, _ =	vpop (xrf0)  }
0x53: {  	v7 =	vadd.s32 v12, v7;
	v11, _, _ =	vpop (xrf0)  }
0x54: {  	(xrf0) =	vadd.scan.msk.s32 $0xffff, v6;
	vm14 =	vgt.s32 v7, $0x12B;
	v19 =	vxor.u32 $0x80000000, v7;
	v12 =	vxor.u32 $0x80000000, v11  }
0x55: {  	(v2sf) =	vpush v16, $0xF;
	(xrf0) =	vmax.scan.msk.u32 $0xffff, v12;
	v12 =	vnsel vm14, $0xC0000000, v19  }
0x56: {  	(v2sf) =	vpush v18, $0xF;
	v16, _, _ =	vpop (xrf0);
	(xrf0) =	vmin.scan.msk.u32 $0xffff, v12;
	v12 =	vsel vm14, $0x1, v1  }
0x57: {  	(v2sf) =	vpush v17, $0xF  }
0x58: {  	s5 =	spop (v2sf);
	(v2sf) =	vpush v16, $0xF;
	v17, _, _ =	vpop (xrf0)  }
0x59: {  	(xrf0) =	vadd.scan.msk.s32 $0xffff, v12;
	(v2sf) =	vpush v17, $0xF;
	v12, _, _ =	vpop (xrf0)  }
0x5a: {  	s3 =	sadd.s32 s5, s3;
	s26 =	spop (v2sf);
	(v2sf) =	vpush v12, $0xF  }
0x5b: {  	s3 =	sadd.s32 $0x80000000, s3  }
0x5c: {  	v16 =	vsub.s32 s3, v13;
	v13, _, _ =	vpop (xrf0)  }
0x5d: {  	s25 =	simm.s32 $0x760;
	v12, _, _ =	vpop (xrf0)  }
0x5e: {  	v7 =	vld [tilespmem:s25+$0x2000];
	(v2sf) =	vpush v12, $0xF;
	v17, _, _ =	vpop (xrf0)  }
0x5f: {  	(v2sf) =	vpush v17, $0xF;
	_ =	sdelay $0x2  }
0x60: {  	v14 =	vadd.s32 v14, v16  }
0x61: {  	s28 =	simm.s32 $0x750;
	(xrf0) =	vadd.scan.msk.s32 $0xffff, v7;
	vm15 =	vgt.s32 v14, $0x12B;
	v14 =	vxor.u32 $0x80000000, v14  }
0x62: {  	v14 =	vnsel vm15, $0xC0000000, v14;
	v16 =	vxor.u32 $0x80000000, v13;
	v12 =	vld [tilespmem:s28+$0x2000]  }
0x63: {  	s3 =	sadd.s32 s26, s3;
	(xrf0) =	vmax.scan.msk.u32 $0xffff, v16  }
0x64: {  	s16 =	sadd.s32 $0x80000000, s3;
	v16 =	vsel vm15, $0x1, v1;
	(xrf0) =	vmin.scan.msk.u32 $0xffff, v14  }
0x65: {  	s6 =	simm.s32 $0x0;
	s10 =	simm.s32 $0x40000000;
	s3 =	simm.s32 $0x1D00;
	v15 =	vsub.s32 s16, v15;
	v14, _, _ =	vpop (xrf0);
	(xrf0) =	vadd.scan.msk.s32 $0xffff, v16  }
.LBB2_7:
0x66: {  	s4 =	smov.u32 s10;
	v15 =	vadd.s32 v10, v15;
	v10 =	vmovc v5;
	v5 =	vmovc v3;
	v3 =	vmov v4;
	v4 =	vmov v6  }
0x67: {  	s5 =	sshra.s32 s3, $0x2;
	v6 =	vmov v7;
	v7 =	vmov v12;
	p1 =	seq.s32 s3, $0x0;
	(xrf0) =	vadd.scan.msk.s32 $0xffff, v12;
	v16, _, _ =	vpop (xrf0);
	s11 =	spop (v2sf);
	(v2sf) =	vpush v14, $0xF  }
.Ltmp4:
0x68: {  	vm0 =	vgt.s32 v15, $0x12B;
	v19 =	vxor.u32 $0x80000000, v15;
	v12 =	vld [tilespmem:s5+$0x2000];
	v17 =	vxor.u32 $0x80000000, v16;
	s5 =	spop (v2sf);
	(pc) =	sbr.rel @!p1 .LBB2_7-.Ltmp4, $4  }
0x69: {  	s3 =	sadd.s32 $0xFFFFFFC0, s3;
	v18 =	vnsel vm0, $0xC0000000, v19;
	(xrf0) =	vmax.scan.msk.u32 $0xffff, v17;
	v14, _, _ =	vpop (xrf0);
	v17 =	vsel vm0, $0x1, v1;
	s10 =	sxor.u32 $0x80000000, s5  }
0x6a: {  	s5 =	sadd.s32 s11, s16;
	(v2sf) =	vpush v14, $0xF;
	(xrf0) =	vmin.scan.msk.u32 $0xffff, v18;
	v15, _, _ =	vpop (xrf0);
	p2 =	slt.s32 s4, s10;
	s11 =	spop (v2sf)  }
0x6b: {  	s16 =	sadd.s32 $0x80000000, s5;
	(xrf0) =	vadd.scan.msk.s32 $0xffff, v17;
	v14, _, _ =	vpop (xrf0);
	(v2sf) =	vpush v15, $0xF;
	s6 =	sadd.s32 s6, s11;
	s10 =	smov.u32 @p2 s4  }
0x6c: {  	v15 =	vsub.s32 s16, v8;
	v8 =	vmovc v9;
	v9 =	vmovc v11;
	v11 =	vmov v13;
	v13 =	vmov v16  }
0x6d: {  	(xrf0) =	vadd.scan.msk.s32 $0xffff, v12;
	_ =	sdelay $0x1  }
0x6e: {  	v16, _, _ =	vpop (xrf0)  }
0x6f: {  	v10 =	vadd.s32 v10, v15;
	v36, _, _ =	vpop (xrf0)  }
0x70: {  	v17 =	vxor.u32 $0x80000000, v16;
	vm0 =	vgt.s32 v10, $0x12B;
	v10 =	vxor.u32 $0x80000000, v10;
	v18, _, _ =	vpop (xrf0)  }
0x71: {  	(xrf0) =	vmax.scan.msk.u32 $0xffff, v17;
	v10 =	vnsel vm0, $0xC0000000, v10;
	v37, _, _ =	vpop (xrf0)  }
0x72: {  	v19 =	vsel vm0, $0x1, v1;
	(xrf0) =	vmin.scan.msk.u32 $0xffff, v10;
	v38, _, _ =	vpop (xrf0)  }
0x73: {  	(xrf0) =	vadd.scan.msk.s32 $0xffff, v19;
	v39 =	vxor.u32 $0x80000000, v38  }
0x74: {  	(v2sf) =	vpush v14, $0xF;
	(xrf0) =	vmax.scan.msk.u32 $0xffff, v39  }
0x75: {  	(v2sf) =	vpush v36, $0xF  }
0x76: {  	(v2sf) =	vpush v18, $0xF  }
0x77: {  	(v2sf) =	vpush v37, $0xF;
	v40, _, _ =	vpop (xrf0)  }
0x78: {  	(v2sf) =	vpush v40, $0xF;
	v41, _, _ =	vpop (xrf0)  }
0x79: {  	v42, _, _ =	vpop (xrf0);
	(v2sf) =	vpush v41, $0xF  }
0x7a: {  	(v2sf) =	vpush v42, $0xF;
	v43, _, _ =	vpop (xrf0)  }
0x7b: {  	s3 =	spop (v2sf);
	(v2sf) =	vpush v43, $0xF  }
0x7c: {  	s4 =	spop (v2sf)  }
0x7d: {  	s18 =	spop (v2sf)  }
0x7e: {  	s5 =	spop (v2sf)  }
0x7f: {  	s12 =	spop (v2sf)  }
0x80: {  	s3 =	sadd.s32 s3, s16;
	s11 =	spop (v2sf)  }
0x81: {  	s3 =	sadd.s32 $0x80000000, s3;
	s17 =	spop (v2sf)  }
0x82: {  	v8 =	vsub.s32 s3, v8;
	s28 =	spop (v2sf)  }
0x83: {  	s5 =	sadd.s32 s5, s3;
	v5 =	vadd.s32 v5, v8;
	s16 =	spop (v2sf)  }
0x84: {  	s5 =	sadd.s32 $0x80000000, s5;
	vm10 =	vgt.s32 v5, $0x12B;
	v5 =	vxor.u32 $0x80000000, v5;
	s25 =	spop (v2sf)  }
0x85: {  	v5 =	vnsel vm10, $0xC0000000, v5;
	v44 =	vsub.s32 s5, v9;
	s17 =	sadd.s32 s17, s5;
	s3 =	spop (v2sf)  }
0x86: {  	v45 =	vsel vm10, $0x1, v1;
	v3 =	vadd.s32 v3, v44;
	(xrf0) =	vmin.scan.msk.u32 $0xffff, v5;
	s7 =	sadd.s32 $0x80000000, s17;
	s17 =	spop (v2sf)  }
0x87: {  	vm11 =	vgt.s32 v3, $0x12B;
	v3 =	vxor.u32 $0x80000000, v3;
	v46 =	vsub.s32 s7, v11;
	s25 =	sadd.s32 s25, s7;
	s8 =	spop (v2sf)  }
0x88: {  	v3 =	vnsel vm11, $0xC0000000, v3;
	v49 =	vsel vm11, $0x1, v1;
	(xrf0) =	vadd.scan.msk.s32 $0xffff, v45;
	v4 =	vadd.s32 v4, v46;
	s26 =	sadd.s32 $0x80000000, s25;
	s5 =	spop (v2sf)  }
0x89: {  	(xrf0) =	vmin.scan.msk.u32 $0xffff, v3;
	vm12 =	vgt.s32 v4, $0x12B;
	v3 =	vxor.u32 $0x80000000, v4;
	v47 =	vsub.s32 s26, v13;
	s8 =	sadd.s32 s8, s26;
	s25 =	spop (v2sf)  }
0x8a: {  	(xrf0) =	vadd.scan.msk.s32 $0xffff, v49;
	v3 =	vnsel vm12, $0xC0000000, v3;
	v53 =	vsel vm12, $0x1, v1;
	v51 =	vadd.s32 v6, v47;
	s7 =	sadd.s32 $0x80000000, s8;
	s26 =	spop (v2sf)  }
0x8b: {  	(xrf0) =	vmin.scan.msk.u32 $0xffff, v3;
	vm13 =	vgt.s32 v51, $0x12B;
	v3 =	vxor.u32 $0x80000000, v51;
	v48 =	vsub.s32 s7, v16;
	s7 =	sadd.s32 s26, s7  }
0x8c: {  	v52, _, _ =	vpop (xrf0);
	(xrf0) =	vadd.scan.msk.s32 $0xffff, v53;
	v3 =	vnsel vm13, $0xC0000000, v3;
	v56 =	vsel vm13, $0x1, v1;
	v54 =	vadd.s32 v7, v48;
	s7 =	sadd.s32 $0x80000000, s7  }
0x8d: {  	(xrf0) =	vmin.scan.msk.u32 $0xffff, v3;
	vm14 =	vgt.s32 v54, $0x12B;
	v3 =	vxor.u32 $0x80000000, v54;
	v50 =	vsub.s32 s7, v38  }
0x8e: {  	v55, _, _ =	vpop (xrf0);
	(xrf0) =	vadd.scan.msk.s32 $0xffff, v56;
	v3 =	vnsel vm14, $0xC0000000, v3;
	v4 =	vadd.s32 v12, v50  }
0x8f: {  	v57, _, _ =	vpop (xrf0);
	(v2sf) =	vpush v52, $0xF;
	(xrf0) =	vmin.scan.msk.u32 $0xffff, v3;
	vm15 =	vgt.s32 v4, $0x12B;
	v3 =	vxor.u32 $0x80000000, v4  }
0x90: {  	v58 =	vsel vm14, $0x1, v1;
	(v2sf) =	vpush v55, $0xF;
	v3 =	vnsel vm15, $0xC0000000, v3  }
0x91: {  	v59, _, _ =	vpop (xrf0);
	(v2sf) =	vpush v57, $0xF;
	(xrf0) =	vadd.scan.msk.s32 $0xffff, v58  }
0x92: {  	v60, _, _ =	vpop (xrf0);
	(v2sf) =	vpush v59, $0xF;
	(xrf0) =	vmin.scan.msk.u32 $0xffff, v3  }
0x93: {  	(v2sf) =	vpush v60, $0xF;
	v61 =	vsel vm15, $0x1, v1;
	v3, _, _ =	vpop (xrf0)  }
0x94: {  	(v2sf) =	vpush v3, $0xF;
	v3, _, _ =	vpop (xrf0);
	(xrf0) =	vadd.scan.msk.s32 $0xffff, v61  }
0x95: {  	s4 =	sxor.u32 $0x80000000, s4;
	v62, _, _ =	vpop (xrf0);
	(v2sf) =	vpush v3, $0xF  }
0x96: {  	p1 =	slt.s32 s10, s4;
	(v2sf) =	vpush v62, $0xF;
	v3, _, _ =	vpop (xrf0)  }
0x97: {  	s4 =	smov.u32 @p1 s10;
	s7 =	sxor.u32 $0x80000000, s12;
	v63, _, _ =	vpop (xrf0);
	(v2sf) =	vpush v3, $0xF  }
0x98: {  	p1 =	slt.s32 s4, s7;
	(v2sf) =	vpush v63, $0xF;
	v3, _, _ =	vpop (xrf0)  }
0x99: {  	s7 =	smov.u32 @p1 s4;
	s4 =	sxor.u32 $0x80000000, s28;
	(v2sf) =	vpush v3, $0xF  }
0x9a: {  	p1 =	slt.s32 s7, s4;
	v3, _, _ =	vpop (xrf0)  }
0x9b: {  	s6 =	sadd.s32 s6, s18;
	s3 =	sxor.u32 $0x80000000, s3;
	s4 =	smov.u32 @p1 s7;
	(v2sf) =	vpush v3, $0xF  }
0x9c: {  	s6 =	sadd.s32 s6, s11;
	p1 =	slt.s32 s4, s3  }
0x9d: {  	s18 =	sadd.s32 s6, s16;
	s3 =	smov.u32 @p1 s4;
	s4 =	sxor.u32 $0x80000000, s5  }
0x9e: {  	s5 =	sadd.s32 s18, s17;
	p1 =	slt.s32 s3, s4;
	s26 =	spop (v2sf)  }
0x9f: {  	s4 =	smov.u32 @p1 s3;
	s28 =	spop (v2sf);
	s6 =	sxor.u32 $0x80000000, s26  }
0xa0: {  	s5 =	sadd.s32 s5, s25;
	s8 =	spop (v2sf);
	p1 =	slt.s32 s4, s6  }
0xa1: {  	s6 =	smov.u32 @p1 s4;
	s10 =	spop (v2sf);
	s7 =	sxor.u32 $0x80000000, s8  }
0xa2: {  	s3 =	sadd.s32 s5, s28;
	p1 =	slt.s32 s6, s7;
	s11 =	spop (v2sf)  }
0xa3: {  	s7 =	smov.u32 @p1 s6;
	s6 =	sxor.u32 $0x80000000, s11;
	s12 =	spop (v2sf)  }
0xa4: {  	s3 =	sadd.s32 s3, s10;
	p1 =	slt.s32 s7, s6;
	s16 =	spop (v2sf)  }
0xa5: {  	s6 =	smov.u32 @p1 s7;
	s5 =	sxor.u32 $0x80000000, s16;
	s17 =	spop (v2sf)  }
0xa6: {  	s3 =	sadd.s32 s3, s12;
	p1 =	slt.s32 s6, s5;
	s18 =	spop (v2sf)  }
0xa7: {  	s5 =	smov.u32 @p1 s6;
	s4 =	sxor.u32 $0x80000000, s18;
	s25 =	spop (v2sf)  }
0xa8: {  	s3 =	sadd.s32 s3, s17;
	p1 =	slt.s32 s5, s4;
	s26 =	spop (v2sf)  }
0xa9: {  	s3 =	sadd.s32 s3, s25;
	s4 =	smov.u32 @p1 s5;
	s18 =	sxor.u32 $0x80000000, s26  }
0xaa: {  	s5 =	simm.s32 $0x40;
	p1 =	slt.s32 s4, s18;
	s28 =	spop (v2sf)  }
0xab: {  	s3 =	sadd.s32 s3, s28;
	s18 =	smov.u32 @p1 s4;
	s4 =	simm.s32 $0x0  }
.LBB2_9:
0xac: {  	p1 =	seq.s32 s5, $0x480;
	[tilespmem:s4+$0x8900] =	vst v1;
	s6 =	smov.u32 s5;
	s5 =	sadd.s32 $0x40, s5  }
.Ltmp5:
0xad: {  	[tilespmem:s4+$0x6900] =	vst v1;
	(pc) =	sbr.rel @!p1 .LBB2_9-.Ltmp5, $3  }
0xae: {  	[tilespmem:s4+$0x2900] =	vst v1  }
0xaf: {  	[tilespmem:s4+$0x4900] =	vst v1;
	_ =	sdelay $0x1  }
0xb0: {  	s4 =	sshra.s32 s6, $0x2  }
0xb1: {  	[tilespmem:s4+$0x8900] =	vst v1  }
0xb2: {  	[tilespmem:s4+$0x6900] =	vst v1  }
0xb3: {  	[tilespmem:s4+$0x2900] =	vst v1;
	s3 =	sadd.s32 $0xFFFFFFFF, s3  }
0xb4: {  	[tilespmem:s4+$0x4900] =	vst v1;
	v3 =	vmov s3;
	s3 =	simm.s32 $0x0  }
0xb5: {  	v4 =	vld [tilespmem:s3+$0x0];
	_ =	sdelay $0x4  }
0xb6: {  	v5 =	vshrl.u32 v4, $0x15  }
0xb7: {  	vm0 =	vge.s32 v5, v3  }
0xb8: {  	v5 =	vsel vm0, $0x1, v1  }
0xb9: {  	(xrf0) =	vadd.scan.msk.s32 $0xffff, v5;
	_ =	sdelay $0x2  }
0xba: {  	v5 =	vmov s3  }
0xbb: {  	v5 =	vadd.s32 $0xFFFFFFFF, v5  }
0xbc: {  	v5 =	vbroadcast v5, $0x0  }
0xbd: {  	v6, _, _ =	vpop (xrf0)  }
0xbe: {  	v5 =	vadd.s32 v6, v5;
	(v2sf) =	vpush v6, $0xF;
	_ =	sdelay $0x4  }
0xbf: {  	[tilespmem:v5+s21+$0x0] =	vst.idx.msk vm0, v4;
	v4 =	vor.u32 s3, v0  }
0xc0: {  	s4 =	simm.s32 $0x10;
	[tilespmem:v5+s22+$0x0] =	vst.idx.msk vm0, v4  }
0xc1: {  	s8 =	simm.s32 $0xECB0;
	s5 =	simm.s32 $0x20;
	s6 =	simm.s32 $0x10;
	v4 =	vld [tilespmem:s4+$0x0]  }
.LBB2_11:
0xc2: {  	p1 =	sne.s32 s5, $0x1FF0;
	_ =	sdelay $0x3  }
0xc3: {  	v5 =	vshrl.u32 v4, $0x15  }
0xc4: {  	vm0 =	vge.s32 v5, v3  }
0xc5: {  	v5 =	vsel vm0, $0x1, v1  }
0xc6: {  	(xrf0) =	vadd.scan.msk.s32 $0xffff, v5;
	s7 =	spop (v2sf)  }
0xc7: {  	s3 =	sadd.s32 s3, s7  }
0xc8: {  	v5 =	vmov s3  }
0xc9: {  	v5 =	vadd.s32 $0xFFFFFFFF, v5  }
0xca: {  	v5 =	vbroadcast v5, $0x0;
	_ =	sdelay $0x1  }
0xcb: {  	v6, _, _ =	vpop (xrf0)  }
0xcc: {  	v5 =	vadd.s32 v6, v5;
	(v2sf) =	vpush v6, $0xF;
	_ =	sdelay $0x2  }
.Ltmp6:
0xcd: {  	(pc) =	sbr.rel @p1 .LBB2_11-.Ltmp6, $4  }
0xce: {  	_ = 	snop  }
0xcf: {  	[tilespmem:v5+s21+$0x0] =	vst.idx.msk vm0, v4;
	v4 =	vor.u32 s4, v0;
	s4 =	smov.u32 s5  }
0xd0: {  	s6 =	sadd.s32 $0x10, s6;
	[tilespmem:v5+s22+$0x0] =	vst.idx.msk vm0, v4  }
0xd1: {  	s5 =	sadd.s32 $0x10, s5;
	v4 =	vld [tilespmem:s6+$0x0]  }
0xd2: {  	_ =	sdelay $0x3  }
0xd3: {  	v5 =	vshrl.u32 v4, $0x15  }
0xd4: {  	vm0 =	vge.s32 v5, v3  }
0xd5: {  	v3 =	vsel vm0, $0x1, v1  }
0xd6: {  	(xrf0) =	vadd.scan.msk.s32 $0xffff, v3  }
0xd7: {  	s5 =	spop (v2sf)  }
0xd8: {  	s3 =	sadd.s32 s3, s5  }
0xd9: {  	v3 =	vmov s3  }
0xda: {  	v3 =	vadd.s32 $0xFFFFFFFF, v3  }
0xdb: {  	v3 =	vbroadcast v3, $0x0  }
0xdc: {  	v62, _, _ =	vpop (xrf0)  }
0xdd: {  	v3 =	vadd.s32 v62, v3;
	_ =	sdelay $0x4  }
0xde: {  	v63 =	vor.u32 s4, v0;
	[tilespmem:v3+s21+$0x0] =	vst.idx.msk vm0, v4  }
0xdf: {  	[tilespmem:v3+s22+$0x0] =	vst.idx.msk vm0, v63  }
0xe0: {  	(v2sf) =	vpush v62, $0xF;
	[tilespmem:$0x2800] =	vst v1  }
0xe1: {  	[tilespmem:$0x2810] =	vst v1  }
0xe2: {  	[tilespmem:$0x2820] =	vst v1  }
0xe3: {  	[tilespmem:$0x2830] =	vst v1  }
0xe4: {  	[tilespmem:$0x2840] =	vst v1  }
0xe5: {  	[tilespmem:$0x2850] =	vst v1  }
0xe6: {  	[tilespmem:$0x2860] =	vst v1  }
0xe7: {  	[tilespmem:$0x2870] =	vst v1  }
0xe8: {  	s26 =	sadd.s32 $0xF, s18;
	[tilespmem:$0x2880] =	vst v1  }
0xe9: {  	s10 =	sshrl.u32 s26, $0x4;
	[tilespmem:$0x2890] =	vst v1  }
0xea: {  	p1 =	sne.s32 s10, $0x0;
	[tilespmem:$0x28A0] =	vst v1  }
.Ltmp7:
0xeb: {  	[tilespmem:$0x28B0] =	vst v1;
	(pc) =	sbr.rel @!p1 .LBB2_13-.Ltmp7, $4  }
0xec: {  	[tilespmem:$0x28C0] =	vst v1  }
0xed: {  	[tilespmem:$0x28D0] =	vst v1  }
0xee: {  	[tilespmem:$0x28E0] =	vst v1  }
0xef: {  	[tilespmem:$0x28F0] =	vst v1;
	s28 =	spop (v2sf)  }
0xf0: {  	p3 =	seq.s32 s10, $0x1  }
.Ltmp8:
0xf1: {  	_ = 	snop;
	(pc) =	sbr.rel @p3 .LBB2_19-.Ltmp8, $3  }
0xf2: {  	_ =	sdelay $0x1  }
0xf3: {  	s4 =	simm.s32 $0x2900  }
0xf4: {  	v3 =	vmov s18;
	s3 =	simm.s32 $0x0;
	p2 =	por $0x0, $0x0;
	v4 =	vld [tilespmem:s4+$0x0];
	s4 =	sadd.s32 $0xFFFFFFFF, s10  }
0xf5: {  	_ =	sdelay $0x2  }
0xf6: {  	v5 =	vor.u32 s3, v0  }
0xf7: {  	vm0 =	vlt.s32 v5, v3;
	v4 =	vandn.u32 $0xFF, v4  }
0xf8: {  	(xrf1) =	vunique.msk.u32 vm0, v4;
	_ =	sdelay $0xd  }
0xf9: {  	_, v5, vm1 =	vpop (xrf1)  }
0xfa: {  	vm0 =	vmand vm0, vm1;
	_ =	sdelay $0x1  }
0xfb: {  	p3 =	seq.s32 s4, $0x1  }
.Ltmp9:
0xfc: {  	_ = 	snop;
	(pc) =	sbr.rel @p3 .LBB2_21-.Ltmp9, $3  }
0xfd: {  	_ =	sdelay $0x1  }
0xfe: {  	s5 =	simm.s32 $0x2910;
	[tilespmem:v4+s24+$0x0] =	vst.idx.add.s32.msk vm0, v5  }
0xff: {  	s6 =	sadd.s32 $0xFFFFFFFF, s4;
	p2 =	por $0x1, $0x1;
	s4 =	simm.s32 $0x0;
	v4 =	vld [tilespmem:s5+$0x0]  }
.LBB2_22:
0x100: {  	p3 =	seq.s32 s6, $0x1;
	_ =	sdelay $0x1  }
0x101: {  	s4 =	sadd.s32 $0x10, s4  }
0x102: {  	v5 =	vor.u32 s4, v0  }
0x103: {  	vm0 =	vlt.s32 v5, v3;
	v4 =	vandn.u32 $0xFF, v4  }
0x104: {  	(xrf1) =	vunique.msk.u32 vm0, v4;
	_ =	sdelay $0xd  }
0x105: {  	_, v5, vm1 =	vpop (xrf1)  }
0x106: {  	vm0 =	vmand vm0, vm1;
	_ =	sdelay $0x2  }
.Ltmp10:
0x107: {  	(pc) =	sbr.rel @!p3 .LBB2_22-.Ltmp10, $3  }
0x108: {  	_ =	sdelay $0x1  }
0x109: {  	s5 =	sadd.s32 $0x10, s5;
	[tilespmem:v4+s24+$0x0] =	vst.idx.add.s32.msk vm0, v5  }
0x10a: {  	s6 =	sadd.s32 $0xFFFFFFFF, s6;
	v4 =	vld [tilespmem:s5+$0x0]  }
.LBB2_23:
0x10b: {  	_ = 	snop  }
0x10c: {  	s4 =	sadd.s32 @p2 $0x10, s4  }
0x10d: {  	s3 =	smov.u32 @p2 s4  }
0x10e: {  	v5 =	vor.u32 s3, v0  }
0x10f: {  	vm0 =	vlt.s32 v5, v3;
	v3 =	vandn.u32 $0xFF, v4  }
0x110: {  	(xrf1) =	vunique.msk.u32 vm0, v3;
	_ =	sdelay $0xd  }
0x111: {  	_, v63, vm1 =	vpop (xrf1)  }
0x112: {  	vm0 =	vmand vm0, vm1;
	_ =	sdelay $0x5  }
0x113: {  	[tilespmem:v3+s24+$0x0] =	vst.idx.add.s32.msk vm0, v63  }
.LBB2_13:
0x114: {  	s4 =	simm.s32 $0x0  }
0x115: {  	v3 =	vld [tilespmem:s4+$0x2800];
	_ =	sdelay $0x4  }
0x116: {  	(xrf0) =	vadd.scan.msk.s32 $0xffff, v3;
	_ =	sdelay $0x5  }
0x117: {  	v4, _, _ =	vpop (xrf0)  }
0x118: {  	v5 =	vxor.u32 $0x80000000, v4  }
0x119: {  	(xrf0) =	vmax.scan.msk.u32 $0xffff, v5;
	_ =	sdelay $0x3  }
0x11a: {  	s3 =	simm.s32 $0x0  }
0x11b: {  	v3 =	vsub.s32 s3, v3  }
0x11c: {  	v3 =	vadd.s32 v4, v3;
	v63, _, _ =	vpop (xrf0)  }
0x11d: {  	s6 =	sshll.u32 s2, $0xD;
	s5 =	simm.s32 $0x80;
	[tilespmem:s4+$0x2800] =	vst v3;
	s4 =	simm.s32 $0x10;
	(v2sf) =	vpush v63, $0xF  }
.LBB2_14:
0x11e: {  	p2 =	seq.s32 s5, $0x3C0;
	v3 =	vld [tilespmem:s4+$0x2800];
	_ =	sdelay $0x4  }
0x11f: {  	(xrf0) =	vadd.scan.msk.s32 $0xffff, v3;
	_ =	sdelay $0x5  }
0x120: {  	v4, _, _ =	vpop (xrf0)  }
0x121: {  	v5 =	vxor.u32 $0x80000000, v4  }
0x122: {  	(xrf0) =	vmax.scan.msk.u32 $0xffff, v5  }
0x123: {  	s7 =	spop (v2sf)  }
0x124: {  	s3 =	sadd.s32 s7, s3  }
.Ltmp11:
0x125: {  	s3 =	sadd.s32 $0x80000000, s3;
	(pc) =	sbr.rel @!p2 .LBB2_14-.Ltmp11, $4  }
0x126: {  	v5 =	vsub.s32 s3, v3  }
0x127: {  	v4 =	vadd.s32 v4, v5  }
0x128: {  	[tilespmem:s4+$0x2800] =	vst v4;
	v3, _, _ =	vpop (xrf0)  }
0x129: {  	s4 =	sshra.s32 s5, $0x2;
	s5 =	sadd.s32 $0x40, s5;
	(v2sf) =	vpush v3, $0xF  }
0x12a: {  	v3 =	vld [tilespmem:s4+$0x2800];
	_ =	sdelay $0x4  }
0x12b: {  	(xrf0) =	vadd.scan.msk.s32 $0xffff, v3;
	_ =	sdelay $0x5  }
0x12c: {  	v4, _, _ =	vpop (xrf0)  }
0x12d: {  	v5 =	vxor.u32 $0x80000000, v4  }
0x12e: {  	(xrf0) =	vmax.scan.msk.u32 $0xffff, v5;
	_ =	sdelay $0x5  }
0x12f: {  	v5, _, _ =	vpop (xrf0)  }
0x130: {  	(v2sf) =	vpush v5, $0xF;
	_ =	sdelay $0x9  }
0x131: {  	p2 =	seq.s32 s10, $0x0;
	s5 =	spop (v2sf)  }
.Ltmp12:
0x132: {  	s3 =	sadd.s32 s5, s3;
	(pc) =	sbr.rel @p2 .LBB2_24-.Ltmp12, $4  }
0x133: {  	s3 =	sadd.s32 $0x80000000, s3  }
0x134: {  	v3 =	vsub.s32 s3, v3  }
0x135: {  	v3 =	vadd.s32 v4, v3  }
0x136: {  	[tilespmem:s4+$0x2800] =	vst v3;
	s28 =	spop (v2sf)  }
0x137: {  	p4 =	seq.s32 s10, $0x1  }
.Ltmp13:
0x138: {  	_ = 	snop;
	(pc) =	sbr.rel @p4 .LBB2_17-.Ltmp13, $4  }
0x139: {  	_ = 	snop  }
0x13a: {  	s4 =	simm.s32 $0x2900  }
0x13b: {  	s3 =	simm.s32 $0x4900;
	v4 =	vld [tilespmem:s4+$0x0]  }
0x13c: {  	v3 =	vmov s18;
	s11 =	simm.s32 $0x0;
	p3 =	por $0x0, $0x0;
	v5 =	vld [tilespmem:s3+$0x0];
	s4 =	sadd.s32 $0xFFFFFFFF, s10  }
0x13d: {  	_ =	sdelay $0x1  }
0x13e: {  	v6 =	vor.u32 s11, v0  }
0x13f: {  	vm0 =	vlt.s32 v6, v3;
	v6 =	vandn.u32 $0xFF, v4  }
0x140: {  	(xrf1) =	vunique.msk.u32 vm0, v6;
	_ =	sdelay $0x9  }
0x141: {  	v7 =	vld.idx.msk [tilespmem:v6+s24+$0x0], $0xffff;
	_ =	sdelay $0x3  }
0x142: {  	_, v8, vm1 =	vpop (xrf1)  }
0x143: {  	v7 =	vadd.s32 v8, v7  }
0x144: {  	v7 =	vadd.s32 $0xFFFFFFFF, v7  }
0x145: {  	vm1 =	vmand vm0, vm1;
	_ =	sdelay $0x3  }
0x146: {  	p4 =	seq.s32 s4, $0x1;
	[tilespmem:v7+s29+$0x0] =	vst.idx.msk vm0, v4  }
.Ltmp14:
0x147: {  	[tilespmem:v7+s30+$0x0] =	vst.idx.msk vm0, v5;
	(pc) =	sbr.rel @p4 .LBB2_31-.Ltmp14, $4  }
0x148: {  	s3 =	simm.s32 $0x2910;
	[tilespmem:v6+s24+$0x0] =	vst.idx.add.s32.msk vm1, v8  }
0x149: {  	v4 =	vld [tilespmem:s3+$0x0]  }
0x14a: {  	s5 =	simm.s32 $0x4910  }
0x14b: {  	s12 =	sadd.s32 $0xFFFFFFFF, s4;
	p3 =	por $0x1, $0x1;
	s4 =	simm.s32 $0x0;
	v5 =	vld [tilespmem:s5+$0x0]  }
.LBB2_32:
0x14c: {  	p4 =	seq.s32 s12, $0x1;
	s4 =	sadd.s32 $0x10, s4  }
0x14d: {  	v6 =	vor.u32 s4, v0  }
0x14e: {  	vm0 =	vlt.s32 v6, v3;
	v6 =	vandn.u32 $0xFF, v4  }
0x14f: {  	(xrf1) =	vunique.msk.u32 vm0, v6;
	_ =	sdelay $0x8  }
0x150: {  	v7 =	vld.idx.msk [tilespmem:v6+s24+$0x0], $0xffff;
	_ =	sdelay $0x4  }
0x151: {  	_, v8, vm1 =	vpop (xrf1)  }
0x152: {  	v7 =	vadd.s32 v8, v7;
	vm1 =	vmand vm0, vm1  }
0x153: {  	v7 =	vadd.s32 $0xFFFFFFFF, v7;
	_ =	sdelay $0x4  }
0x154: {  	[tilespmem:v7+s29+$0x0] =	vst.idx.msk vm0, v4  }
.Ltmp15:
0x155: {  	[tilespmem:v7+s30+$0x0] =	vst.idx.msk vm0, v5;
	(pc) =	sbr.rel @!p4 .LBB2_32-.Ltmp15, $4  }
0x156: {  	s3 =	sadd.s32 $0x10, s3;
	[tilespmem:v6+s24+$0x0] =	vst.idx.add.s32.msk vm1, v8  }
0x157: {  	s5 =	sadd.s32 $0x10, s5;
	v4 =	vld [tilespmem:s3+$0x0]  }
0x158: {  	v5 =	vld [tilespmem:s5+$0x0]  }
0x159: {  	s12 =	sadd.s32 $0xFFFFFFFF, s12  }
.LBB2_33:
0x15a: {  	s3 =	sadd.s32 @p3 $0x10, s4  }
0x15b: {  	s11 =	smov.u32 @p3 s3  }
0x15c: {  	v6 =	vor.u32 s11, v0  }
0x15d: {  	vm0 =	vlt.s32 v6, v3;
	v3 =	vandn.u32 $0xFF, v4  }
0x15e: {  	(xrf1) =	vunique.msk.u32 vm0, v3;
	_ =	sdelay $0x9  }
0x15f: {  	v63 =	vld.idx.msk [tilespmem:v3+s24+$0x0], $0xffff;
	_ =	sdelay $0x3  }
0x160: {  	_, v7, vm1 =	vpop (xrf1)  }
0x161: {  	v6 =	vadd.s32 v7, v63  }
0x162: {  	v6 =	vadd.s32 $0xFFFFFFFF, v6  }
0x163: {  	vm1 =	vmand vm0, vm1;
	_ =	sdelay $0x3  }
0x164: {  	[tilespmem:v6+s29+$0x0] =	vst.idx.msk vm0, v4  }
0x165: {  	[tilespmem:v6+s30+$0x0] =	vst.idx.msk vm0, v5  }
0x166: {  	[tilespmem:v3+s24+$0x0] =	vst.idx.add.s32.msk vm1, v7  }
.LBB2_24:
0x167: {  	[tilespmem:$0x2800] =	vst v1  }
0x168: {  	[tilespmem:$0x2810] =	vst v1  }
0x169: {  	[tilespmem:$0x2820] =	vst v1  }
0x16a: {  	[tilespmem:$0x2830] =	vst v1  }
0x16b: {  	[tilespmem:$0x2840] =	vst v1  }
0x16c: {  	[tilespmem:$0x2850] =	vst v1  }
0x16d: {  	[tilespmem:$0x2860] =	vst v1  }
0x16e: {  	[tilespmem:$0x2870] =	vst v1  }
0x16f: {  	[tilespmem:$0x2880] =	vst v1  }
0x170: {  	[tilespmem:$0x2890] =	vst v1  }
0x171: {  	[tilespmem:$0x28A0] =	vst v1  }
.Ltmp16:
0x172: {  	[tilespmem:$0x28B0] =	vst v1;
	(pc) =	sbr.rel @!p1 .LBB2_25-.Ltmp16, $4  }
0x173: {  	[tilespmem:$0x28C0] =	vst v1  }
0x174: {  	[tilespmem:$0x28D0] =	vst v1  }
0x175: {  	[tilespmem:$0x28E0] =	vst v1  }
0x176: {  	[tilespmem:$0x28F0] =	vst v1  }
0x177: {  	p4 =	seq.s32 s10, $0x1  }
.Ltmp17:
0x178: {  	_ = 	snop;
	(pc) =	sbr.rel @p4 .LBB2_35-.Ltmp17, $3  }
0x179: {  	_ =	sdelay $0x1  }
0x17a: {  	s4 =	simm.s32 $0x6900  }
0x17b: {  	v3 =	vmov s18;
	s3 =	simm.s32 $0x0;
	p3 =	por $0x0, $0x0;
	v4 =	vld [tilespmem:s4+$0x0];
	s4 =	sadd.s32 $0xFFFFFFFF, s10  }
0x17c: {  	_ =	sdelay $0x3  }
0x17d: {  	v4 =	vxor.u32 $0xFFFFFFFF, v4  }
0x17e: {  	v5 =	vor.u32 s3, v0;
	v4 =	vshrl.u32 v4, $0x8  }
0x17f: {  	vm0 =	vlt.s32 v5, v3;
	v4 =	vand.u32 $0xFF, v4  }
0x180: {  	(xrf1) =	vunique.msk.u32 vm0, v4;
	_ =	sdelay $0xd  }
0x181: {  	_, v5, vm1 =	vpop (xrf1)  }
0x182: {  	vm0 =	vmand vm0, vm1;
	_ =	sdelay $0x1  }
0x183: {  	p4 =	seq.s32 s4, $0x1  }
.Ltmp18:
0x184: {  	_ = 	snop;
	(pc) =	sbr.rel @p4 .LBB2_37-.Ltmp18, $3  }
0x185: {  	_ =	sdelay $0x1  }
0x186: {  	s5 =	simm.s32 $0x6910;
	[tilespmem:v4+s24+$0x0] =	vst.idx.add.s32.msk vm0, v5  }
0x187: {  	s11 =	sadd.s32 $0xFFFFFFFF, s4;
	p3 =	por $0x1, $0x1;
	s4 =	simm.s32 $0x0;
	v4 =	vld [tilespmem:s5+$0x0]  }
.LBB2_38:
0x188: {  	p4 =	seq.s32 s11, $0x1;
	_ =	sdelay $0x3  }
0x189: {  	s4 =	sadd.s32 $0x10, s4;
	v4 =	vxor.u32 $0xFFFFFFFF, v4  }
0x18a: {  	v5 =	vor.u32 s4, v0;
	v4 =	vshrl.u32 v4, $0x8  }
0x18b: {  	vm0 =	vlt.s32 v5, v3;
	v4 =	vand.u32 $0xFF, v4  }
0x18c: {  	(xrf1) =	vunique.msk.u32 vm0, v4;
	_ =	sdelay $0xd  }
0x18d: {  	_, v5, vm1 =	vpop (xrf1)  }
0x18e: {  	vm0 =	vmand vm0, vm1;
	_ =	sdelay $0x2  }
.Ltmp19:
0x18f: {  	(pc) =	sbr.rel @!p4 .LBB2_38-.Ltmp19, $3  }
0x190: {  	_ =	sdelay $0x1  }
0x191: {  	s5 =	sadd.s32 $0x10, s5;
	[tilespmem:v4+s24+$0x0] =	vst.idx.add.s32.msk vm0, v5  }
0x192: {  	s11 =	sadd.s32 $0xFFFFFFFF, s11;
	v4 =	vld [tilespmem:s5+$0x0]  }
.LBB2_39:
0x193: {  	_ =	sdelay $0x2  }
0x194: {  	s4 =	sadd.s32 @p3 $0x10, s4  }
0x195: {  	s3 =	smov.u32 @p3 s4;
	v4 =	vxor.u32 $0xFFFFFFFF, v4  }
0x196: {  	v5 =	vor.u32 s3, v0;
	v4 =	vshrl.u32 v4, $0x8  }
0x197: {  	vm0 =	vlt.s32 v5, v3;
	v3 =	vand.u32 $0xFF, v4  }
0x198: {  	(xrf1) =	vunique.msk.u32 vm0, v3;
	_ =	sdelay $0xd  }
0x199: {  	_, v63, vm1 =	vpop (xrf1)  }
0x19a: {  	vm0 =	vmand vm0, vm1;
	_ =	sdelay $0x5  }
0x19b: {  	[tilespmem:v3+s24+$0x0] =	vst.idx.add.s32.msk vm0, v63  }
.LBB2_25:
0x19c: {  	s4 =	simm.s32 $0x0  }
0x19d: {  	v3 =	vld [tilespmem:s4+$0x2800];
	_ =	sdelay $0x4  }
0x19e: {  	(xrf0) =	vadd.scan.msk.s32 $0xffff, v3;
	_ =	sdelay $0x5  }
0x19f: {  	v4, _, _ =	vpop (xrf0)  }
0x1a0: {  	v5 =	vxor.u32 $0x80000000, v4  }
0x1a1: {  	(xrf0) =	vmax.scan.msk.u32 $0xffff, v5;
	_ =	sdelay $0x3  }
0x1a2: {  	s3 =	simm.s32 $0x0  }
0x1a3: {  	v3 =	vsub.s32 s3, v3  }
0x1a4: {  	v3 =	vadd.s32 v4, v3;
	v63, _, _ =	vpop (xrf0)  }
0x1a5: {  	s5 =	simm.s32 $0x80;
	[tilespmem:s4+$0x2800] =	vst v3;
	s4 =	simm.s32 $0x10;
	(v2sf) =	vpush v63, $0xF  }
.LBB2_26:
0x1a6: {  	p3 =	seq.s32 s5, $0x3C0;
	v3 =	vld [tilespmem:s4+$0x2800];
	_ =	sdelay $0x4  }
0x1a7: {  	(xrf0) =	vadd.scan.msk.s32 $0xffff, v3;
	_ =	sdelay $0x5  }
0x1a8: {  	v4, _, _ =	vpop (xrf0)  }
0x1a9: {  	v5 =	vxor.u32 $0x80000000, v4  }
0x1aa: {  	(xrf0) =	vmax.scan.msk.u32 $0xffff, v5  }
0x1ab: {  	s7 =	spop (v2sf)  }
0x1ac: {  	s3 =	sadd.s32 s7, s3  }
.Ltmp20:
0x1ad: {  	s3 =	sadd.s32 $0x80000000, s3;
	(pc) =	sbr.rel @!p3 .LBB2_26-.Ltmp20, $4  }
0x1ae: {  	v5 =	vsub.s32 s3, v3  }
0x1af: {  	v4 =	vadd.s32 v4, v5  }
0x1b0: {  	[tilespmem:s4+$0x2800] =	vst v4;
	v3, _, _ =	vpop (xrf0)  }
0x1b1: {  	s4 =	sshra.s32 s5, $0x2;
	s5 =	sadd.s32 $0x40, s5;
	(v2sf) =	vpush v3, $0xF  }
0x1b2: {  	v3 =	vld [tilespmem:s4+$0x2800];
	_ =	sdelay $0x4  }
0x1b3: {  	(xrf0) =	vadd.scan.msk.s32 $0xffff, v3;
	_ =	sdelay $0x5  }
0x1b4: {  	v4, _, _ =	vpop (xrf0)  }
0x1b5: {  	v5 =	vxor.u32 $0x80000000, v4  }
0x1b6: {  	(xrf0) =	vmax.scan.msk.u32 $0xffff, v5;
	_ =	sdelay $0x5  }
0x1b7: {  	v5, _, _ =	vpop (xrf0)  }
0x1b8: {  	(v2sf) =	vpush v5, $0xF;
	_ =	sdelay $0x9  }
0x1b9: {  	s5 =	spop (v2sf)  }
.Ltmp21:
0x1ba: {  	s3 =	sadd.s32 s5, s3;
	(pc) =	sbr.rel @p2 .LBB2_40-.Ltmp21, $4  }
0x1bb: {  	s3 =	sadd.s32 $0x80000000, s3  }
0x1bc: {  	v3 =	vsub.s32 s3, v3  }
0x1bd: {  	v3 =	vadd.s32 v4, v3  }
0x1be: {  	[tilespmem:s4+$0x2800] =	vst v3;
	s28 =	spop (v2sf)  }
0x1bf: {  	p4 =	seq.s32 s10, $0x1  }
.Ltmp22:
0x1c0: {  	_ = 	snop;
	(pc) =	sbr.rel @p4 .LBB2_29-.Ltmp22, $4  }
0x1c1: {  	_ = 	snop  }
0x1c2: {  	s4 =	simm.s32 $0x6900  }
0x1c3: {  	s3 =	simm.s32 $0x8900;
	v4 =	vld [tilespmem:s4+$0x0]  }
0x1c4: {  	v3 =	vmov s18;
	s11 =	simm.s32 $0x0;
	p3 =	por $0x0, $0x0;
	v5 =	vld [tilespmem:s3+$0x0];
	s4 =	sadd.s32 $0xFFFFFFFF, s10  }
0x1c5: {  	_ =	sdelay $0x2  }
0x1c6: {  	v6 =	vxor.u32 $0xFFFFFFFF, v4  }
0x1c7: {  	v7 =	vor.u32 s11, v0;
	v6 =	vshrl.u32 v6, $0x8  }
0x1c8: {  	vm0 =	vlt.s32 v7, v3;
	v6 =	vand.u32 $0xFF, v6  }
0x1c9: {  	(xrf1) =	vunique.msk.u32 vm0, v6;
	_ =	sdelay $0x9  }
0x1ca: {  	v7 =	vld.idx.msk [tilespmem:v6+s24+$0x0], $0xffff;
	_ =	sdelay $0x3  }
0x1cb: {  	_, v8, vm1 =	vpop (xrf1)  }
0x1cc: {  	v7 =	vadd.s32 v8, v7  }
0x1cd: {  	v7 =	vadd.s32 $0xFFFFFFFF, v7  }
0x1ce: {  	vm1 =	vmand vm0, vm1;
	_ =	sdelay $0x3  }
0x1cf: {  	p4 =	seq.s32 s4, $0x1;
	[tilespmem:v7+s21+$0x0] =	vst.idx.msk vm0, v4  }
.Ltmp23:
0x1d0: {  	[tilespmem:v7+s22+$0x0] =	vst.idx.msk vm0, v5;
	(pc) =	sbr.rel @p4 .LBB2_47-.Ltmp23, $4  }
0x1d1: {  	s3 =	simm.s32 $0x6910;
	[tilespmem:v6+s24+$0x0] =	vst.idx.add.s32.msk vm1, v8  }
0x1d2: {  	v4 =	vld [tilespmem:s3+$0x0]  }
0x1d3: {  	s5 =	simm.s32 $0x8910  }
0x1d4: {  	s12 =	sadd.s32 $0xFFFFFFFF, s4;
	p3 =	por $0x1, $0x1;
	s4 =	simm.s32 $0x0;
	v5 =	vld [tilespmem:s5+$0x0]  }
.LBB2_48:
0x1d5: {  	p4 =	seq.s32 s12, $0x1;
	_ =	sdelay $0x1  }
0x1d6: {  	s4 =	sadd.s32 $0x10, s4;
	v6 =	vxor.u32 $0xFFFFFFFF, v4  }
0x1d7: {  	v7 =	vor.u32 s4, v0;
	v6 =	vshrl.u32 v6, $0x8  }
0x1d8: {  	vm0 =	vlt.s32 v7, v3;
	v6 =	vand.u32 $0xFF, v6  }
0x1d9: {  	(xrf1) =	vunique.msk.u32 vm0, v6;
	_ =	sdelay $0x8  }
0x1da: {  	v7 =	vld.idx.msk [tilespmem:v6+s24+$0x0], $0xffff;
	_ =	sdelay $0x4  }
0x1db: {  	_, v8, vm1 =	vpop (xrf1)  }
0x1dc: {  	v7 =	vadd.s32 v8, v7;
	vm1 =	vmand vm0, vm1  }
0x1dd: {  	v7 =	vadd.s32 $0xFFFFFFFF, v7;
	_ =	sdelay $0x4  }
0x1de: {  	[tilespmem:v7+s21+$0x0] =	vst.idx.msk vm0, v4  }
.Ltmp24:
0x1df: {  	[tilespmem:v7+s22+$0x0] =	vst.idx.msk vm0, v5;
	(pc) =	sbr.rel @!p4 .LBB2_48-.Ltmp24, $4  }
0x1e0: {  	s3 =	sadd.s32 $0x10, s3;
	[tilespmem:v6+s24+$0x0] =	vst.idx.add.s32.msk vm1, v8  }
0x1e1: {  	s5 =	sadd.s32 $0x10, s5;
	v4 =	vld [tilespmem:s3+$0x0]  }
0x1e2: {  	v5 =	vld [tilespmem:s5+$0x0]  }
0x1e3: {  	s12 =	sadd.s32 $0xFFFFFFFF, s12  }
.LBB2_49:
0x1e4: {  	_ = 	snop  }
0x1e5: {  	s3 =	sadd.s32 @p3 $0x10, s4  }
0x1e6: {  	s11 =	smov.u32 @p3 s3;
	v6 =	vxor.u32 $0xFFFFFFFF, v4  }
0x1e7: {  	v7 =	vor.u32 s11, v0;
	v6 =	vshrl.u32 v6, $0x8  }
0x1e8: {  	vm0 =	vlt.s32 v7, v3;
	v3 =	vand.u32 $0xFF, v6  }
0x1e9: {  	(xrf1) =	vunique.msk.u32 vm0, v3;
	_ =	sdelay $0x9  }
0x1ea: {  	v6 =	vld.idx.msk [tilespmem:v3+s24+$0x0], $0xffff;
	_ =	sdelay $0x3  }
0x1eb: {  	_, v63, vm1 =	vpop (xrf1)  }
0x1ec: {  	v6 =	vadd.s32 v63, v6  }
0x1ed: {  	v6 =	vadd.s32 $0xFFFFFFFF, v6  }
0x1ee: {  	vm1 =	vmand vm0, vm1;
	_ =	sdelay $0x3  }
0x1ef: {  	[tilespmem:v6+s21+$0x0] =	vst.idx.msk vm0, v4  }
0x1f0: {  	[tilespmem:v6+s22+$0x0] =	vst.idx.msk vm0, v5  }
0x1f1: {  	[tilespmem:v3+s24+$0x0] =	vst.idx.add.s32.msk vm1, v63  }
.LBB2_40:
0x1f2: {  	[tilespmem:$0x2800] =	vst v1  }
0x1f3: {  	[tilespmem:$0x2810] =	vst v1  }
0x1f4: {  	[tilespmem:$0x2820] =	vst v1  }
0x1f5: {  	[tilespmem:$0x2830] =	vst v1  }
0x1f6: {  	[tilespmem:$0x2840] =	vst v1  }
0x1f7: {  	[tilespmem:$0x2850] =	vst v1  }
0x1f8: {  	[tilespmem:$0x2860] =	vst v1  }
0x1f9: {  	[tilespmem:$0x2870] =	vst v1  }
0x1fa: {  	[tilespmem:$0x2880] =	vst v1  }
0x1fb: {  	[tilespmem:$0x2890] =	vst v1  }
0x1fc: {  	[tilespmem:$0x28A0] =	vst v1  }
.Ltmp25:
0x1fd: {  	[tilespmem:$0x28B0] =	vst v1;
	(pc) =	sbr.rel @!p1 .LBB2_41-.Ltmp25, $4  }
0x1fe: {  	[tilespmem:$0x28C0] =	vst v1  }
0x1ff: {  	[tilespmem:$0x28D0] =	vst v1  }
0x200: {  	[tilespmem:$0x28E0] =	vst v1  }
0x201: {  	[tilespmem:$0x28F0] =	vst v1  }
0x202: {  	p4 =	seq.s32 s10, $0x1  }
.Ltmp26:
0x203: {  	_ = 	snop;
	(pc) =	sbr.rel @p4 .LBB2_51-.Ltmp26, $3  }
0x204: {  	_ =	sdelay $0x1  }
0x205: {  	s4 =	simm.s32 $0x2900  }
0x206: {  	v3 =	vmov s18;
	s3 =	simm.s32 $0x0;
	p3 =	por $0x0, $0x0;
	v4 =	vld [tilespmem:s4+$0x0];
	s4 =	sadd.s32 $0xFFFFFFFF, s10  }
0x207: {  	_ =	sdelay $0x3  }
0x208: {  	v4 =	vxor.u32 $0xFFFFFFFF, v4  }
0x209: {  	v5 =	vor.u32 s3, v0;
	v4 =	vshrl.u32 v4, $0x10  }
0x20a: {  	vm0 =	vlt.s32 v5, v3;
	v4 =	vand.u32 $0xFF, v4  }
0x20b: {  	(xrf1) =	vunique.msk.u32 vm0, v4;
	_ =	sdelay $0xd  }
0x20c: {  	_, v5, vm1 =	vpop (xrf1)  }
0x20d: {  	vm0 =	vmand vm0, vm1;
	_ =	sdelay $0x1  }
0x20e: {  	p4 =	seq.s32 s4, $0x1  }
.Ltmp27:
0x20f: {  	_ = 	snop;
	(pc) =	sbr.rel @p4 .LBB2_53-.Ltmp27, $3  }
0x210: {  	_ =	sdelay $0x1  }
0x211: {  	s5 =	simm.s32 $0x2910;
	[tilespmem:v4+s24+$0x0] =	vst.idx.add.s32.msk vm0, v5  }
0x212: {  	s11 =	sadd.s32 $0xFFFFFFFF, s4;
	p3 =	por $0x1, $0x1;
	s4 =	simm.s32 $0x0;
	v4 =	vld [tilespmem:s5+$0x0]  }
.LBB2_54:
0x213: {  	p4 =	seq.s32 s11, $0x1;
	_ =	sdelay $0x3  }
0x214: {  	s4 =	sadd.s32 $0x10, s4;
	v4 =	vxor.u32 $0xFFFFFFFF, v4  }
0x215: {  	v5 =	vor.u32 s4, v0;
	v4 =	vshrl.u32 v4, $0x10  }
0x216: {  	vm0 =	vlt.s32 v5, v3;
	v4 =	vand.u32 $0xFF, v4  }
0x217: {  	(xrf1) =	vunique.msk.u32 vm0, v4;
	_ =	sdelay $0xd  }
0x218: {  	_, v5, vm1 =	vpop (xrf1)  }
0x219: {  	vm0 =	vmand vm0, vm1;
	_ =	sdelay $0x2  }
.Ltmp28:
0x21a: {  	(pc) =	sbr.rel @!p4 .LBB2_54-.Ltmp28, $3  }
0x21b: {  	_ =	sdelay $0x1  }
0x21c: {  	s5 =	sadd.s32 $0x10, s5;
	[tilespmem:v4+s24+$0x0] =	vst.idx.add.s32.msk vm0, v5  }
0x21d: {  	s11 =	sadd.s32 $0xFFFFFFFF, s11;
	v4 =	vld [tilespmem:s5+$0x0]  }
.LBB2_55:
0x21e: {  	_ =	sdelay $0x2  }
0x21f: {  	s4 =	sadd.s32 @p3 $0x10, s4  }
0x220: {  	s3 =	smov.u32 @p3 s4;
	v4 =	vxor.u32 $0xFFFFFFFF, v4  }
0x221: {  	v5 =	vor.u32 s3, v0;
	v4 =	vshrl.u32 v4, $0x10  }
0x222: {  	vm0 =	vlt.s32 v5, v3;
	v3 =	vand.u32 $0xFF, v4  }
0x223: {  	(xrf1) =	vunique.msk.u32 vm0, v3;
	_ =	sdelay $0xd  }
0x224: {  	_, v63, vm1 =	vpop (xrf1)  }
0x225: {  	vm0 =	vmand vm0, vm1;
	_ =	sdelay $0x5  }
0x226: {  	[tilespmem:v3+s24+$0x0] =	vst.idx.add.s32.msk vm0, v63  }
.LBB2_41:
0x227: {  	s4 =	simm.s32 $0x0  }
0x228: {  	v3 =	vld [tilespmem:s4+$0x2800];
	_ =	sdelay $0x4  }
0x229: {  	(xrf0) =	vadd.scan.msk.s32 $0xffff, v3;
	_ =	sdelay $0x5  }
0x22a: {  	v4, _, _ =	vpop (xrf0)  }
0x22b: {  	v5 =	vxor.u32 $0x80000000, v4  }
0x22c: {  	(xrf0) =	vmax.scan.msk.u32 $0xffff, v5;
	_ =	sdelay $0x3  }
0x22d: {  	s3 =	simm.s32 $0x0  }
0x22e: {  	v3 =	vsub.s32 s3, v3  }
0x22f: {  	v3 =	vadd.s32 v4, v3;
	v63, _, _ =	vpop (xrf0)  }
0x230: {  	s5 =	simm.s32 $0x80;
	[tilespmem:s4+$0x2800] =	vst v3;
	s4 =	simm.s32 $0x10;
	(v2sf) =	vpush v63, $0xF  }
.LBB2_42:
0x231: {  	p3 =	seq.s32 s5, $0x3C0;
	v3 =	vld [tilespmem:s4+$0x2800];
	_ =	sdelay $0x4  }
0x232: {  	(xrf0) =	vadd.scan.msk.s32 $0xffff, v3;
	_ =	sdelay $0x5  }
0x233: {  	v4, _, _ =	vpop (xrf0)  }
0x234: {  	v5 =	vxor.u32 $0x80000000, v4  }
0x235: {  	(xrf0) =	vmax.scan.msk.u32 $0xffff, v5  }
0x236: {  	s7 =	spop (v2sf)  }
0x237: {  	s3 =	sadd.s32 s7, s3  }
.Ltmp29:
0x238: {  	s3 =	sadd.s32 $0x80000000, s3;
	(pc) =	sbr.rel @!p3 .LBB2_42-.Ltmp29, $4  }
0x239: {  	v5 =	vsub.s32 s3, v3  }
0x23a: {  	v4 =	vadd.s32 v4, v5  }
0x23b: {  	[tilespmem:s4+$0x2800] =	vst v4;
	v3, _, _ =	vpop (xrf0)  }
0x23c: {  	s4 =	sshra.s32 s5, $0x2;
	s5 =	sadd.s32 $0x40, s5;
	(v2sf) =	vpush v3, $0xF  }
0x23d: {  	v3 =	vld [tilespmem:s4+$0x2800];
	_ =	sdelay $0x4  }
0x23e: {  	(xrf0) =	vadd.scan.msk.s32 $0xffff, v3;
	_ =	sdelay $0x5  }
0x23f: {  	v4, _, _ =	vpop (xrf0)  }
0x240: {  	v5 =	vxor.u32 $0x80000000, v4  }
0x241: {  	(xrf0) =	vmax.scan.msk.u32 $0xffff, v5;
	_ =	sdelay $0x5  }
0x242: {  	v5, _, _ =	vpop (xrf0)  }
0x243: {  	(v2sf) =	vpush v5, $0xF;
	_ =	sdelay $0x9  }
0x244: {  	s5 =	spop (v2sf)  }
.Ltmp30:
0x245: {  	s3 =	sadd.s32 s5, s3;
	(pc) =	sbr.rel @p2 .LBB2_56-.Ltmp30, $4  }
0x246: {  	s3 =	sadd.s32 $0x80000000, s3  }
0x247: {  	v3 =	vsub.s32 s3, v3  }
0x248: {  	v3 =	vadd.s32 v4, v3  }
0x249: {  	[tilespmem:s4+$0x2800] =	vst v3;
	s28 =	spop (v2sf)  }
0x24a: {  	p4 =	seq.s32 s10, $0x1  }
.Ltmp31:
0x24b: {  	_ = 	snop;
	(pc) =	sbr.rel @p4 .LBB2_45-.Ltmp31, $4  }
0x24c: {  	_ = 	snop  }
0x24d: {  	s4 =	simm.s32 $0x2900  }
0x24e: {  	s3 =	simm.s32 $0x4900;
	v4 =	vld [tilespmem:s4+$0x0]  }
0x24f: {  	v3 =	vmov s18;
	s11 =	simm.s32 $0x0;
	p3 =	por $0x0, $0x0;
	v5 =	vld [tilespmem:s3+$0x0];
	s4 =	sadd.s32 $0xFFFFFFFF, s10  }
0x250: {  	_ =	sdelay $0x2  }
0x251: {  	v6 =	vxor.u32 $0xFFFFFFFF, v4  }
0x252: {  	v7 =	vor.u32 s11, v0;
	v6 =	vshrl.u32 v6, $0x10  }
0x253: {  	vm0 =	vlt.s32 v7, v3;
	v6 =	vand.u32 $0xFF, v6  }
0x254: {  	(xrf1) =	vunique.msk.u32 vm0, v6;
	_ =	sdelay $0x9  }
0x255: {  	v7 =	vld.idx.msk [tilespmem:v6+s24+$0x0], $0xffff;
	_ =	sdelay $0x3  }
0x256: {  	_, v8, vm1 =	vpop (xrf1)  }
0x257: {  	v7 =	vadd.s32 v8, v7  }
0x258: {  	v7 =	vadd.s32 $0xFFFFFFFF, v7  }
0x259: {  	vm1 =	vmand vm0, vm1;
	_ =	sdelay $0x3  }
0x25a: {  	p4 =	seq.s32 s4, $0x1;
	[tilespmem:v7+s29+$0x0] =	vst.idx.msk vm0, v4  }
.Ltmp32:
0x25b: {  	[tilespmem:v7+s30+$0x0] =	vst.idx.msk vm0, v5;
	(pc) =	sbr.rel @p4 .LBB2_63-.Ltmp32, $4  }
0x25c: {  	s3 =	simm.s32 $0x2910;
	[tilespmem:v6+s24+$0x0] =	vst.idx.add.s32.msk vm1, v8  }
0x25d: {  	v4 =	vld [tilespmem:s3+$0x0]  }
0x25e: {  	s5 =	simm.s32 $0x4910  }
0x25f: {  	s12 =	sadd.s32 $0xFFFFFFFF, s4;
	p3 =	por $0x1, $0x1;
	s4 =	simm.s32 $0x0;
	v5 =	vld [tilespmem:s5+$0x0]  }
.LBB2_64:
0x260: {  	p4 =	seq.s32 s12, $0x1;
	_ =	sdelay $0x1  }
0x261: {  	s4 =	sadd.s32 $0x10, s4;
	v6 =	vxor.u32 $0xFFFFFFFF, v4  }
0x262: {  	v7 =	vor.u32 s4, v0;
	v6 =	vshrl.u32 v6, $0x10  }
0x263: {  	vm0 =	vlt.s32 v7, v3;
	v6 =	vand.u32 $0xFF, v6  }
0x264: {  	(xrf1) =	vunique.msk.u32 vm0, v6;
	_ =	sdelay $0x8  }
0x265: {  	v7 =	vld.idx.msk [tilespmem:v6+s24+$0x0], $0xffff;
	_ =	sdelay $0x4  }
0x266: {  	_, v8, vm1 =	vpop (xrf1)  }
0x267: {  	v7 =	vadd.s32 v8, v7;
	vm1 =	vmand vm0, vm1  }
0x268: {  	v7 =	vadd.s32 $0xFFFFFFFF, v7;
	_ =	sdelay $0x4  }
0x269: {  	[tilespmem:v7+s29+$0x0] =	vst.idx.msk vm0, v4  }
.Ltmp33:
0x26a: {  	[tilespmem:v7+s30+$0x0] =	vst.idx.msk vm0, v5;
	(pc) =	sbr.rel @!p4 .LBB2_64-.Ltmp33, $4  }
0x26b: {  	s3 =	sadd.s32 $0x10, s3;
	[tilespmem:v6+s24+$0x0] =	vst.idx.add.s32.msk vm1, v8  }
0x26c: {  	s5 =	sadd.s32 $0x10, s5;
	v4 =	vld [tilespmem:s3+$0x0]  }
0x26d: {  	v5 =	vld [tilespmem:s5+$0x0]  }
0x26e: {  	s12 =	sadd.s32 $0xFFFFFFFF, s12  }
.LBB2_65:
0x26f: {  	_ = 	snop  }
0x270: {  	s3 =	sadd.s32 @p3 $0x10, s4  }
0x271: {  	s11 =	smov.u32 @p3 s3;
	v6 =	vxor.u32 $0xFFFFFFFF, v4  }
0x272: {  	v7 =	vor.u32 s11, v0;
	v6 =	vshrl.u32 v6, $0x10  }
0x273: {  	vm0 =	vlt.s32 v7, v3;
	v3 =	vand.u32 $0xFF, v6  }
0x274: {  	(xrf1) =	vunique.msk.u32 vm0, v3;
	_ =	sdelay $0x9  }
0x275: {  	v6 =	vld.idx.msk [tilespmem:v3+s24+$0x0], $0xffff;
	_ =	sdelay $0x3  }
0x276: {  	_, v63, vm1 =	vpop (xrf1)  }
0x277: {  	v6 =	vadd.s32 v63, v6  }
0x278: {  	v6 =	vadd.s32 $0xFFFFFFFF, v6  }
0x279: {  	vm1 =	vmand vm0, vm1;
	_ =	sdelay $0x3  }
0x27a: {  	[tilespmem:v6+s29+$0x0] =	vst.idx.msk vm0, v4  }
0x27b: {  	[tilespmem:v6+s30+$0x0] =	vst.idx.msk vm0, v5  }
0x27c: {  	[tilespmem:v3+s24+$0x0] =	vst.idx.add.s32.msk vm1, v63  }
.LBB2_56:
0x27d: {  	[tilespmem:$0x2800] =	vst v1  }
0x27e: {  	[tilespmem:$0x2810] =	vst v1  }
0x27f: {  	[tilespmem:$0x2820] =	vst v1  }
0x280: {  	[tilespmem:$0x2830] =	vst v1  }
0x281: {  	[tilespmem:$0x2840] =	vst v1  }
0x282: {  	[tilespmem:$0x2850] =	vst v1  }
0x283: {  	[tilespmem:$0x2860] =	vst v1  }
0x284: {  	[tilespmem:$0x2870] =	vst v1  }
0x285: {  	[tilespmem:$0x2880] =	vst v1  }
0x286: {  	[tilespmem:$0x2890] =	vst v1  }
0x287: {  	[tilespmem:$0x28A0] =	vst v1  }
.Ltmp34:
0x288: {  	[tilespmem:$0x28B0] =	vst v1;
	(pc) =	sbr.rel @!p1 .LBB2_57-.Ltmp34, $4  }
0x289: {  	[tilespmem:$0x28C0] =	vst v1  }
0x28a: {  	[tilespmem:$0x28D0] =	vst v1  }
0x28b: {  	[tilespmem:$0x28E0] =	vst v1  }
0x28c: {  	[tilespmem:$0x28F0] =	vst v1  }
0x28d: {  	p3 =	seq.s32 s10, $0x1  }
.Ltmp35:
0x28e: {  	_ = 	snop;
	(pc) =	sbr.rel @p3 .LBB2_67-.Ltmp35, $3  }
0x28f: {  	_ =	sdelay $0x1  }
0x290: {  	s4 =	simm.s32 $0x6900  }
0x291: {  	v3 =	vmov s18;
	s3 =	simm.s32 $0x0;
	p1 =	por $0x0, $0x0;
	v4 =	vld [tilespmem:s4+$0x0];
	s4 =	sadd.s32 $0xFFFFFFFF, s10  }
0x292: {  	_ =	sdelay $0x3  }
0x293: {  	v5 =	vor.u32 s3, v0;
	v4 =	vxor.u32 $0xFFFFFFFF, v4  }
0x294: {  	vm0 =	vlt.s32 v5, v3;
	v4 =	vshrl.u32 v4, $0x18  }
0x295: {  	(xrf1) =	vunique.msk.u32 vm0, v4;
	_ =	sdelay $0xd  }
0x296: {  	_, v5, vm1 =	vpop (xrf1)  }
0x297: {  	vm0 =	vmand vm0, vm1;
	_ =	sdelay $0x1  }
0x298: {  	p3 =	seq.s32 s4, $0x1  }
.Ltmp36:
0x299: {  	_ = 	snop;
	(pc) =	sbr.rel @p3 .LBB2_69-.Ltmp36, $3  }
0x29a: {  	_ =	sdelay $0x1  }
0x29b: {  	s5 =	simm.s32 $0x6910;
	[tilespmem:v4+s24+$0x0] =	vst.idx.add.s32.msk vm0, v5  }
0x29c: {  	s11 =	sadd.s32 $0xFFFFFFFF, s4;
	p1 =	por $0x1, $0x1;
	s4 =	simm.s32 $0x0;
	v4 =	vld [tilespmem:s5+$0x0]  }
.LBB2_70:
0x29d: {  	p3 =	seq.s32 s11, $0x1;
	_ =	sdelay $0x2  }
0x29e: {  	s4 =	sadd.s32 $0x10, s4  }
0x29f: {  	v5 =	vor.u32 s4, v0;
	v4 =	vxor.u32 $0xFFFFFFFF, v4  }
0x2a0: {  	vm0 =	vlt.s32 v5, v3;
	v4 =	vshrl.u32 v4, $0x18  }
0x2a1: {  	(xrf1) =	vunique.msk.u32 vm0, v4;
	_ =	sdelay $0xd  }
0x2a2: {  	_, v5, vm1 =	vpop (xrf1)  }
0x2a3: {  	vm0 =	vmand vm0, vm1;
	_ =	sdelay $0x2  }
.Ltmp37:
0x2a4: {  	(pc) =	sbr.rel @!p3 .LBB2_70-.Ltmp37, $3  }
0x2a5: {  	_ =	sdelay $0x1  }
0x2a6: {  	s5 =	sadd.s32 $0x10, s5;
	[tilespmem:v4+s24+$0x0] =	vst.idx.add.s32.msk vm0, v5  }
0x2a7: {  	s11 =	sadd.s32 $0xFFFFFFFF, s11;
	v4 =	vld [tilespmem:s5+$0x0]  }
.LBB2_71:
0x2a8: {  	_ =	sdelay $0x1  }
0x2a9: {  	s4 =	sadd.s32 @p1 $0x10, s4  }
0x2aa: {  	s3 =	smov.u32 @p1 s4  }
0x2ab: {  	v5 =	vor.u32 s3, v0;
	v4 =	vxor.u32 $0xFFFFFFFF, v4  }
0x2ac: {  	vm0 =	vlt.s32 v5, v3;
	v3 =	vshrl.u32 v4, $0x18  }
0x2ad: {  	(xrf1) =	vunique.msk.u32 vm0, v3;
	_ =	sdelay $0xd  }
0x2ae: {  	_, v63, vm1 =	vpop (xrf1)  }
0x2af: {  	vm0 =	vmand vm0, vm1;
	_ =	sdelay $0x5  }
0x2b0: {  	[tilespmem:v3+s24+$0x0] =	vst.idx.add.s32.msk vm0, v63  }
.LBB2_57:
0x2b1: {  	s4 =	simm.s32 $0x0  }
0x2b2: {  	v3 =	vld [tilespmem:s4+$0x2800];
	_ =	sdelay $0x4  }
0x2b3: {  	(xrf0) =	vadd.scan.msk.s32 $0xffff, v3;
	_ =	sdelay $0x5  }
0x2b4: {  	v4, _, _ =	vpop (xrf0)  }
0x2b5: {  	v5 =	vxor.u32 $0x80000000, v4  }
0x2b6: {  	(xrf0) =	vmax.scan.msk.u32 $0xffff, v5;
	_ =	sdelay $0x3  }
0x2b7: {  	s3 =	simm.s32 $0x0  }
0x2b8: {  	v3 =	vsub.s32 s3, v3  }
0x2b9: {  	v3 =	vadd.s32 v4, v3;
	v63, _, _ =	vpop (xrf0)  }
0x2ba: {  	s5 =	simm.s32 $0x80;
	[tilespmem:s4+$0x2800] =	vst v3;
	s4 =	simm.s32 $0x10;
	(v2sf) =	vpush v63, $0xF  }
.LBB2_58:
0x2bb: {  	p1 =	seq.s32 s5, $0x3C0;
	v3 =	vld [tilespmem:s4+$0x2800];
	_ =	sdelay $0x4  }
0x2bc: {  	(xrf0) =	vadd.scan.msk.s32 $0xffff, v3;
	_ =	sdelay $0x5  }
0x2bd: {  	v4, _, _ =	vpop (xrf0)  }
0x2be: {  	v5 =	vxor.u32 $0x80000000, v4  }
0x2bf: {  	(xrf0) =	vmax.scan.msk.u32 $0xffff, v5  }
0x2c0: {  	s7 =	spop (v2sf)  }
0x2c1: {  	s3 =	sadd.s32 s7, s3  }
.Ltmp38:
0x2c2: {  	s3 =	sadd.s32 $0x80000000, s3;
	(pc) =	sbr.rel @!p1 .LBB2_58-.Ltmp38, $4  }
0x2c3: {  	v5 =	vsub.s32 s3, v3  }
0x2c4: {  	v4 =	vadd.s32 v4, v5  }
0x2c5: {  	[tilespmem:s4+$0x2800] =	vst v4;
	v3, _, _ =	vpop (xrf0)  }
0x2c6: {  	s4 =	sshra.s32 s5, $0x2;
	s5 =	sadd.s32 $0x40, s5;
	(v2sf) =	vpush v3, $0xF  }
0x2c7: {  	v3 =	vld [tilespmem:s4+$0x2800];
	_ =	sdelay $0x4  }
0x2c8: {  	(xrf0) =	vadd.scan.msk.s32 $0xffff, v3;
	_ =	sdelay $0x5  }
0x2c9: {  	v4, _, _ =	vpop (xrf0)  }
0x2ca: {  	v5 =	vxor.u32 $0x80000000, v4  }
0x2cb: {  	(xrf0) =	vmax.scan.msk.u32 $0xffff, v5;
	_ =	sdelay $0x5  }
0x2cc: {  	v5, _, _ =	vpop (xrf0)  }
0x2cd: {  	(v2sf) =	vpush v5, $0xF;
	_ =	sdelay $0x9  }
0x2ce: {  	s5 =	spop (v2sf)  }
.Ltmp39:
0x2cf: {  	s3 =	sadd.s32 s5, s3;
	(pc) =	sbr.rel @p2 .LBB2_76-.Ltmp39, $4  }
0x2d0: {  	s3 =	sadd.s32 $0x80000000, s3  }
0x2d1: {  	v3 =	vsub.s32 s3, v3  }
0x2d2: {  	v3 =	vadd.s32 v4, v3  }
0x2d3: {  	s7 =	simm.s32 $0x40;
	[tilespmem:s4+$0x2800] =	vst v3;
	s28 =	spop (v2sf)  }
0x2d4: {  	p2 =	seq.s32 s10, $0x1  }
.Ltmp40:
0x2d5: {  	_ = 	snop;
	(pc) =	sbr.rel @p2 .LBB2_61-.Ltmp40, $4  }
0x2d6: {  	_ = 	snop  }
0x2d7: {  	s4 =	simm.s32 $0x6900  }
0x2d8: {  	s3 =	simm.s32 $0x8900;
	v4 =	vld [tilespmem:s4+$0x0]  }
0x2d9: {  	v3 =	vmov s18;
	s11 =	simm.s32 $0x0;
	p1 =	por $0x0, $0x0;
	v5 =	vld [tilespmem:s3+$0x0];
	s4 =	sadd.s32 $0xFFFFFFFF, s10  }
0x2da: {  	_ =	sdelay $0x2  }
0x2db: {  	v6 =	vor.u32 s11, v0;
	v7 =	vxor.u32 $0xFFFFFFFF, v4  }
0x2dc: {  	vm0 =	vlt.s32 v6, v3;
	v6 =	vshrl.u32 v7, $0x18  }
0x2dd: {  	(xrf1) =	vunique.msk.u32 vm0, v6;
	_ =	sdelay $0x9  }
0x2de: {  	v7 =	vld.idx.msk [tilespmem:v6+s24+$0x0], $0xffff;
	_ =	sdelay $0x3  }
0x2df: {  	_, v8, vm1 =	vpop (xrf1)  }
0x2e0: {  	v7 =	vadd.s32 v8, v7  }
0x2e1: {  	v7 =	vadd.s32 $0xFFFFFFFF, v7  }
0x2e2: {  	vm1 =	vmand vm0, vm1;
	_ =	sdelay $0x3  }
0x2e3: {  	p2 =	seq.s32 s4, $0x1;
	[tilespmem:v7+s21+$0x0] =	vst.idx.msk vm0, v4  }
.Ltmp41:
0x2e4: {  	[tilespmem:v7+s22+$0x0] =	vst.idx.msk vm0, v5;
	(pc) =	sbr.rel @p2 .LBB2_73-.Ltmp41, $4  }
0x2e5: {  	s3 =	simm.s32 $0x6910;
	[tilespmem:v6+s24+$0x0] =	vst.idx.add.s32.msk vm1, v8  }
0x2e6: {  	v4 =	vld [tilespmem:s3+$0x0]  }
0x2e7: {  	s5 =	simm.s32 $0x8910  }
0x2e8: {  	s10 =	sadd.s32 $0xFFFFFFFF, s4;
	p1 =	por $0x1, $0x1;
	s4 =	simm.s32 $0x0;
	v5 =	vld [tilespmem:s5+$0x0]  }
.LBB2_74:
0x2e9: {  	p2 =	seq.s32 s10, $0x1  }
0x2ea: {  	s4 =	sadd.s32 $0x10, s4  }
0x2eb: {  	v6 =	vor.u32 s4, v0;
	v7 =	vxor.u32 $0xFFFFFFFF, v4  }
0x2ec: {  	vm0 =	vlt.s32 v6, v3;
	v6 =	vshrl.u32 v7, $0x18  }
0x2ed: {  	(xrf1) =	vunique.msk.u32 vm0, v6;
	_ =	sdelay $0x8  }
0x2ee: {  	v7 =	vld.idx.msk [tilespmem:v6+s24+$0x0], $0xffff;
	_ =	sdelay $0x4  }
0x2ef: {  	_, v8, vm1 =	vpop (xrf1)  }
0x2f0: {  	v7 =	vadd.s32 v8, v7;
	vm1 =	vmand vm0, vm1  }
0x2f1: {  	v7 =	vadd.s32 $0xFFFFFFFF, v7;
	_ =	sdelay $0x4  }
0x2f2: {  	[tilespmem:v7+s21+$0x0] =	vst.idx.msk vm0, v4  }
.Ltmp42:
0x2f3: {  	[tilespmem:v7+s22+$0x0] =	vst.idx.msk vm0, v5;
	(pc) =	sbr.rel @!p2 .LBB2_74-.Ltmp42, $4  }
0x2f4: {  	s3 =	sadd.s32 $0x10, s3;
	[tilespmem:v6+s24+$0x0] =	vst.idx.add.s32.msk vm1, v8  }
0x2f5: {  	s5 =	sadd.s32 $0x10, s5;
	v4 =	vld [tilespmem:s3+$0x0]  }
0x2f6: {  	v5 =	vld [tilespmem:s5+$0x0]  }
0x2f7: {  	s10 =	sadd.s32 $0xFFFFFFFF, s10  }
.LBB2_75:
0x2f8: {  	s3 =	sadd.s32 @p1 $0x10, s4  }
0x2f9: {  	s11 =	smov.u32 @p1 s3  }
0x2fa: {  	v6 =	vor.u32 s11, v0;
	v7 =	vxor.u32 $0xFFFFFFFF, v4  }
0x2fb: {  	vm0 =	vlt.s32 v6, v3;
	v3 =	vshrl.u32 v7, $0x18  }
0x2fc: {  	(xrf1) =	vunique.msk.u32 vm0, v3;
	_ =	sdelay $0x9  }
0x2fd: {  	v62 =	vld.idx.msk [tilespmem:v3+s24+$0x0], $0xffff;
	_ =	sdelay $0x3  }
0x2fe: {  	_, v63, vm1 =	vpop (xrf1)  }
0x2ff: {  	v6 =	vadd.s32 v63, v62  }
0x300: {  	v6 =	vadd.s32 $0xFFFFFFFF, v6  }
0x301: {  	vm1 =	vmand vm0, vm1;
	_ =	sdelay $0x3  }
0x302: {  	[tilespmem:v6+s21+$0x0] =	vst.idx.msk vm0, v4  }
0x303: {  	[tilespmem:v6+s22+$0x0] =	vst.idx.msk vm0, v5  }
0x304: {  	[tilespmem:v3+s24+$0x0] =	vst.idx.add.s32.msk vm1, v63  }
.LBB2_76:
0x305: {  	s3 =	simm.s32 $0x0  }
0x306: {  	v5 =	vld [tilespmem:s3+$0x4900]  }
0x307: {  	v3 =	vmov s6;
	s4 =	simm.s32 $0x0;
	s5 =	simm.s32 $0x40;
	v4 =	vld [tilespmem:s3+$0x2900]  }
.LBB2_77:
0x308: {  	p1 =	sne.s32 s5, $0x480  }
.Ltmp43:
0x309: {  	_ = 	snop;
	(pc) =	sbr.rel @p1 .LBB2_77-.Ltmp43, $4  }
0x30a: {  	_ = 	snop  }
0x30b: {  	s6 =	sshra.s32 s5, $0x2;
	s5 =	sadd.s32 $0x40, s5;
	[tilespmem:s3+$0xAA30] =	vst v5;
	v6 =	vadd.s32 v3, v5  }
0x30c: {  	v5 =	vld [tilespmem:s6+$0x4900];
	[tilespmem:s3+$0xAB60] =	vst v6  }
0x30d: {  	[tilespmem:s3+$0xA900] =	vst v4;
	v4 =	vld [tilespmem:s6+$0x2900];
	s3 =	smov.u32 s6  }
0x30e: {  	v6 =	vmov s4;
	v7 =	vor.u32 s4, v0  }
0x30f: {  	v7 =	vshrl.u32 v7, $0x2;
	v6 =	vshrl.u32 v6, $0x2  }
0x310: {  	v7 =	vand.u32 $0x7, v7;
	v6 =	vand.u32 $0x1F8, v6  }
0x311: {  	v6 =	vor.u32 v6, v7;
	_ =	sdelay $0x1  }
0x312: {  	[tilespmem:s3+$0xAA30] =	vst v5;
	v5 =	vadd.s32 v3, v5  }
0x313: {  	[tilespmem:s3+$0xAB60] =	vst v5  }
0x314: {  	[tilespmem:s3+$0xA900] =	vst v4  }
0x315: {  	s26 =	simm.s32 $0x10;
	v4 =	vld.idx.msk [tilespmem:v6+s22+$0x0], $0xffff  }
0x316: {  	v5 =	vmov s26;
	v6 =	vor.u32 s26, v0  }
0x317: {  	v5 =	vshrl.u32 v5, $0x2;
	v6 =	vshrl.u32 v6, $0x2  }
0x318: {  	v5 =	vand.u32 $0x1F8, v5;
	v6 =	vand.u32 $0x7, v6  }
0x319: {  	v5 =	vor.u32 v5, v6  }
0x31a: {  	v4 =	vadd.s32 v3, v4  }
0x31b: {  	v4 =	vshll.u32 v4, $0x2  }
0x31c: {  	s3 =	simm.s32 $0xAC90;
	v4 =	vor.u32 v2, v4  }
0x31d: {  	[tilespmem:s3+$0x0] =	vst v4  }
0x31e: {  	s28 =	simm.s32 $0x20;
	v4 =	vld.idx.msk [tilespmem:v5+s22+$0x0], $0xffff  }
0x31f: {  	s4 =	simm.s32 $0x30;
	v6 =	vor.u32 s28, v0;
	v5 =	vmov s28  }
.LBB2_79:
0x320: {  	p1 =	sne.s32 s4, $0x4B0;
	v6 =	vshrl.u32 v6, $0x2;
	v5 =	vshrl.u32 v5, $0x2  }
0x321: {  	v6 =	vand.u32 $0x7, v6;
	v5 =	vand.u32 $0x1F8, v5  }
0x322: {  	v5 =	vor.u32 v5, v6  }
0x323: {  	v4 =	vadd.s32 v3, v4  }
0x324: {  	v4 =	vshll.u32 v4, $0x2  }
.Ltmp44:
0x325: {  	s3 =	sadd.s32 $0x10, s3;
	v4 =	vor.u32 v2, v4;
	(pc) =	sbr.rel @p1 .LBB2_79-.Ltmp44, $3  }
0x326: {  	[tilespmem:s3+$0x0] =	vst v4  }
0x327: {  	v4 =	vld.idx.msk [tilespmem:v5+s22+$0x0], $0xffff;
	_ =	sdelay $0x1  }
0x328: {  	v6 =	vor.u32 s4, v0;
	v5 =	vmov s4;
	s4 =	sadd.s32 $0x10, s4  }
0x329: {  	v6 =	vshrl.u32 v6, $0x2;
	v5 =	vshrl.u32 v5, $0x2  }
0x32a: {  	s4 =	simm.s32 $0x0;
	v6 =	vand.u32 $0x7, v6;
	v5 =	vand.u32 $0x1F8, v5  }
0x32b: {  	v6 =	vor.u32 v5, v6;
	v5 =	vor.u32 s4, v0  }
0x32c: {  	v4 =	vadd.s32 v3, v4;
	v7 =	vmulhi.u32 $0xCCCCCCCD, v5  }
0x32d: {  	v4 =	vshll.u32 v4, $0x2  }
0x32e: {  	s3 =	sadd.s32 $0x10, s3;
	v4 =	vor.u32 v2, v4;
	v8 =	vshrl.u32 v7, $0x3  }
0x32f: {  	[tilespmem:s3+$0x0] =	vst v4;
	v4 =	vmul.u32 $0xFFFFFFF6, v8  }
0x330: {  	v9 =	vmov s4;
	v7 =	vsub.s32 $0x0, v5;
	v6 =	vld.idx.msk [tilespmem:v6+s22+$0x0], $0xffff  }
0x331: {  	vm0 =	veq.s32 v9, v0;
	vm1 =	vne.s32 v4, v7  }
0x332: {  	vm1 =	vmand vm0, vm1  }
0x333: {  	v4 =	vsel vm1, $0xFFFFFFFF, v1  }
0x334: {  	s26 =	simm.s32 $0x10;
	v4 =	vadd.s32 v4, v8  }
0x335: {  	v8 =	vadd.s32 v3, v6;
	v6 =	vor.u32 s26, v0  }
0x336: {  	v8 =	vshll.u32 v8, $0x2;
	v9 =	vmulhi.u32 $0xCCCCCCCD, v6  }
0x337: {  	s3 =	sadd.s32 $0x10, s3;
	v8 =	vor.u32 v2, v8  }
0x338: {  	[tilespmem:s3+$0x0] =	vst v8;
	v9 =	vshrl.u32 v9, $0x3  }
0x339: {  	v10 =	vld.idx.msk [tilespmem:v4+s22+$0x0], $0xffff;
	v11 =	vmul.u32 $0xFFFFFFF6, v9  }
0x33a: {  	v12 =	vmov s26;
	v8 =	vsub.s32 $0x0, v6  }
0x33b: {  	vm1 =	veq.s32 v12, v0;
	vm2 =	vne.s32 v11, v8  }
0x33c: {  	vm2 =	vmand vm1, vm2  }
0x33d: {  	v11 =	vsel vm2, $0xFFFFFFFF, v1  }
0x33e: {  	s28 =	simm.s32 $0x20;
	v11 =	vadd.s32 v11, v9;
	v9 =	vadd.s32 v3, v10;
	v10 =	vmul.u32 $0xFFFFFFF6, v4  }
0x33f: {  	v4 =	vor.u32 s28, v0;
	v9 =	vmul.u32 $0xA, v9  }
0x340: {  	v12 =	vmulhi.u32 $0xCCCCCCCD, v4;
	v10 =	vadd.s32 v5, v10  }
0x341: {  	s3 =	simm.s32 $0xB150;
	v9 =	vadd.s32 v9, v10  }
0x342: {  	v10 =	vshrl.u32 v12, $0x3;
	[tilespmem:s3+$0x0] =	vst v9  }
0x343: {  	v13 =	vmul.u32 $0xFFFFFFF6, v10;
	v12 =	vld.idx.msk [tilespmem:v11+s22+$0x0], $0xffff  }
0x344: {  	v14 =	vmov s28;
	v9 =	vsub.s32 $0x0, v4  }
0x345: {  	vm2 =	veq.s32 v14, v0;
	vm3 =	vne.s32 v13, v9  }
0x346: {  	vm3 =	vmand vm2, vm3  }
0x347: {  	v13 =	vsel vm3, $0xFFFFFFFF, v1  }
0x348: {  	v14 =	vmul.u32 $0xFFFFFFF6, v11;
	v11 =	vadd.s32 v13, v10;
	v10 =	vadd.s32 v3, v12  }
0x349: {  	s6 =	simm.s32 $0x30;
	v13 =	vmul.u32 $0xA, v10  }
0x34a: {  	s5 =	simm.s32 $0x40;
	s4 =	simm.s32 $0x30;
	v14 =	vadd.s32 v6, v14;
	v12 =	vmov v4;
	v10 =	vor.u32 s6, v0  }
.LBB2_81:
0x34b: {  	p1 =	sne.s32 s5, $0xBD0;
	v15 =	vmulhi.u32 $0xCCCCCCCD, v10;
	v13 =	vadd.s32 v13, v14;
	s3 =	sadd.s32 $0x10, s3  }
0x34c: {  	[tilespmem:s3+$0x0] =	vst v13  }
0x34d: {  	v13 =	vshrl.u32 v15, $0x3;
	v14 =	vld.idx.msk [tilespmem:v11+s22+$0x0], $0xffff  }
0x34e: {  	v15 =	vmul.u32 $0xFFFFFFF6, v13  }
0x34f: {  	v16 =	vmov s4;
	v17 =	vsub.s32 $0x0, v10;
	s4 =	smov.u32 s5  }
0x350: {  	vm3 =	veq.s32 v16, v0;
	vm4 =	vne.s32 v15, v17  }
.Ltmp45:
0x351: {  	vm3 =	vmand vm3, vm4;
	(pc) =	sbr.rel @p1 .LBB2_81-.Ltmp45, $4  }
0x352: {  	v15 =	vsel vm3, $0xFFFFFFFF, v1  }
0x353: {  	v16 =	vmul.u32 $0xFFFFFFF6, v11;
	v14 =	vadd.s32 v3, v14;
	v11 =	vadd.s32 v15, v13  }
0x354: {  	v13 =	vmul.u32 $0xA, v14  }
0x355: {  	s5 =	sadd.s32 $0x10, s5;
	v14 =	vadd.s32 v12, v16;
	v12 =	vmov v10;
	v10 =	vor.u32 s4, v0  }
0x356: {  	_ = 	snop  }
0x357: {  	v15 =	vmulhi.u32 $0xCCCCCCCD, v10  }
0x358: {  	v13 =	vadd.s32 v13, v14;
	s3 =	sadd.s32 $0x10, s3  }
0x359: {  	[tilespmem:s3+$0x0] =	vst v13;
	v57 =	vshrl.u32 v15, $0x3  }
0x35a: {  	v58 =	vld.idx.msk [tilespmem:v11+s22+$0x0], $0xffff;
	v15 =	vmul.u32 $0xFFFFFFF6, v57  }
0x35b: {  	v16 =	vmov s4;
	v17 =	vsub.s32 $0x0, v10  }
0x35c: {  	vm3 =	veq.s32 v16, v0;
	vm4 =	vne.s32 v15, v17  }
0x35d: {  	vm3 =	vmand vm3, vm4  }
0x35e: {  	v59 =	vsel vm3, $0xFFFFFFFF, v1  }
0x35f: {  	v11 =	vmul.u32 $0xFFFFFFF6, v11;
	v14 =	vadd.s32 v3, v58;
	v13 =	vadd.s32 v59, v57  }
0x360: {  	v14 =	vmul.u32 $0xA, v14  }
0x361: {  	v60 =	vmulhi.u32 $0x38E38E39, v5;
	v11 =	vadd.s32 v12, v11  }
0x362: {  	s3 =	sadd.s32 $0x10, s3;
	v11 =	vadd.s32 v14, v11  }
0x363: {  	[tilespmem:s3+$0x0] =	vst v11;
	v11 =	vshrl.u32 v60, $0x3  }
0x364: {  	v62 =	vmul.u32 $0xFFFFFFDC, v11;
	v61 =	vld.idx.msk [tilespmem:v13+s22+$0x0], $0xffff;
	_ =	sdelay $0x1  }
0x365: {  	vm13 =	vne.s32 v62, v7  }
0x366: {  	vm0 =	vmand vm0, vm13  }
0x367: {  	v7 =	vsel vm0, $0xFFFFFFFF, v1  }
0x368: {  	v13 =	vmul.u32 $0xFFFFFFF6, v13;
	v7 =	vadd.s32 v7, v11;
	v12 =	vadd.s32 v3, v61  }
0x369: {  	v11 =	vmul.u32 $0xA, v12  }
0x36a: {  	v63 =	vmulhi.u32 $0x38E38E39, v6;
	v10 =	vadd.s32 v10, v13  }
0x36b: {  	s3 =	sadd.s32 $0x10, s3;
	v10 =	vadd.s32 v11, v10  }
0x36c: {  	[tilespmem:s3+$0x0] =	vst v10;
	v10 =	vshrl.u32 v63, $0x3  }
0x36d: {  	v11 =	vld.idx.msk [tilespmem:v7+s22+$0x0], $0xffff;
	v12 =	vmul.u32 $0xFFFFFFDC, v10;
	_ =	sdelay $0x1  }
0x36e: {  	vm14 =	vne.s32 v12, v8  }
0x36f: {  	vm0 =	vmand vm1, vm14  }
0x370: {  	v8 =	vsel vm0, $0xFFFFFFFF, v1  }
0x371: {  	v7 =	vmul.u32 $0xFFFFFFDC, v7;
	v8 =	vadd.s32 v8, v10;
	v10 =	vadd.s32 v3, v11  }
0x372: {  	v10 =	vmul.u32 $0x24, v10  }
0x373: {  	v5 =	vadd.s32 v5, v7;
	v7 =	vmulhi.u32 $0x38E38E39, v4  }
0x374: {  	s3 =	simm.s32 $0xBD30;
	v5 =	vadd.s32 v10, v5  }
0x375: {  	[tilespmem:s3+$0x0] =	vst v5;
	v5 =	vshrl.u32 v7, $0x3  }
0x376: {  	v10 =	vld.idx.msk [tilespmem:v8+s22+$0x0], $0xffff;
	v7 =	vmul.u32 $0xFFFFFFDC, v5;
	_ =	sdelay $0x1  }
0x377: {  	vm15 =	vne.s32 v7, v9  }
0x378: {  	vm0 =	vmand vm2, vm15  }
0x379: {  	v7 =	vsel vm0, $0xFFFFFFFF, v1  }
0x37a: {  	v9 =	vmul.u32 $0xFFFFFFDC, v8;
	v7 =	vadd.s32 v7, v5;
	v5 =	vadd.s32 v3, v10  }
0x37b: {  	v8 =	vmul.u32 $0x24, v5  }
0x37c: {  	s4 =	simm.s32 $0x40;
	v6 =	vadd.s32 v6, v9;
	v5 =	vor.u32 s6, v0  }
.LBB2_83:
0x37d: {  	p1 =	sne.s32 s4, $0x2AB0;
	v9 =	vmulhi.u32 $0x38E38E39, v5;
	v6 =	vadd.s32 v8, v6;
	s3 =	sadd.s32 $0x10, s3  }
0x37e: {  	[tilespmem:s3+$0x0] =	vst v6  }
0x37f: {  	v6 =	vshrl.u32 v9, $0x3;
	v8 =	vld.idx.msk [tilespmem:v7+s22+$0x0], $0xffff  }
0x380: {  	v9 =	vmul.u32 $0xFFFFFFDC, v6  }
0x381: {  	v10 =	vmov s6;
	v11 =	vsub.s32 $0x0, v5;
	s6 =	smov.u32 s4  }
0x382: {  	vm0 =	veq.s32 v10, v0;
	vm1 =	vne.s32 v9, v11  }
.Ltmp46:
0x383: {  	vm0 =	vmand vm0, vm1;
	(pc) =	sbr.rel @p1 .LBB2_83-.Ltmp46, $4  }
0x384: {  	v9 =	vsel vm0, $0xFFFFFFFF, v1  }
0x385: {  	v10 =	vmul.u32 $0xFFFFFFDC, v7;
	v8 =	vadd.s32 v3, v8;
	v7 =	vadd.s32 v9, v6  }
0x386: {  	v8 =	vmul.u32 $0x24, v8  }
0x387: {  	s4 =	sadd.s32 $0x10, s4;
	v6 =	vadd.s32 v4, v10;
	v4 =	vmov v5;
	v5 =	vor.u32 s6, v0  }
0x388: {  	_ = 	snop  }
0x389: {  	v9 =	vmulhi.u32 $0x38E38E39, v5  }
0x38a: {  	v6 =	vadd.s32 v8, v6;
	s3 =	sadd.s32 $0x10, s3  }
0x38b: {  	[tilespmem:s3+$0x0] =	vst v6;
	v59 =	vshrl.u32 v9, $0x3  }
0x38c: {  	v60 =	vld.idx.msk [tilespmem:v7+s22+$0x0], $0xffff;
	v9 =	vmul.u32 $0xFFFFFFDC, v59  }
0x38d: {  	v10 =	vmov s6;
	v11 =	vsub.s32 $0x0, v5  }
0x38e: {  	vm0 =	veq.s32 v10, v0;
	vm1 =	vne.s32 v9, v11  }
0x38f: {  	vm0 =	vmand vm0, vm1  }
0x390: {  	v61 =	vsel vm0, $0xFFFFFFFF, v1  }
0x391: {  	v62 =	vmul.u32 $0xFFFFFFDC, v7;
	v8 =	vadd.s32 v3, v60;
	v6 =	vadd.s32 v61, v59  }
0x392: {  	v8 =	vmul.u32 $0x24, v8  }
0x393: {  	v4 =	vadd.s32 v4, v62  }
0x394: {  	s3 =	sadd.s32 $0x10, s3;
	v4 =	vadd.s32 v8, v4  }
0x395: {  	[tilespmem:s3+$0x0] =	vst v4  }
0x396: {  	v4 =	vld.idx.msk [tilespmem:v6+s22+$0x0], $0xffff;
	_ =	sdelay $0x4  }
0x397: {  	v63 =	vmul.u32 $0xFFFFFFDC, v6;
	v3 =	vadd.s32 v3, v4  }
0x398: {  	v3 =	vmul.u32 $0x24, v3  }
0x399: {  	v4 =	vadd.s32 v5, v63  }
0x39a: {  	s3 =	sadd.s32 $0x10, s3;
	v3 =	vadd.s32 v3, v4  }
0x39b: {  	s18 =	simm.s32 $0xAC90;
	s6 =	simm.s32 $0xE7F0;
	[tilespmem:s3+$0x0] =	vst v3  }
0x39c: {  	[tilespmem:s6], [sflag:$0x1] =	stream.indirect.gather [hbm4b:s13+s23], $0x1, s18, s23, $0xb8;
	[tilespmem:$0x125B0] =	vst v63  }
0x39d: {  	s25 =	simm.s32 $0xAD10;
	s4 =	simm.s32 $0xE870  }
0x39e: {  	[tilespmem:s4], [sflag:$0x1] =	stream.indirect.gather [hbm4b:s13+s23], $0x1, s25, s23, $0xb8;
	[tilespmem:$0x125B0] =	vst v63  }
0x39f: {  	s26 =	simm.s32 $0xAD90;
	s28 =	simm.s32 $0xE8F0  }
0x3a0: {  	[tilespmem:s28], [sflag:$0x1] =	stream.indirect.gather [hbm4b:s13+s23], $0x1, s26, s23, $0xb8;
	[tilespmem:$0x125B0] =	vst v63  }
0x3a1: {  	s5 =	simm.s32 $0xAE10;
	s10 =	simm.s32 $0xE970  }
0x3a2: {  	[tilespmem:s10], [sflag:$0x1] =	stream.indirect.gather [hbm4b:s13+s23], $0x1, s5, s23, $0xb8;
	[tilespmem:$0x125B0] =	vst v63  }
0x3a3: {  	s11 =	simm.s32 $0xAE90;
	s12 =	simm.s32 $0xE9F0  }
0x3a4: {  	[tilespmem:s12], [sflag:$0x1] =	stream.indirect.gather [hbm4b:s13+s23], $0x1, s11, s23, $0xb8;
	[tilespmem:$0x125B0] =	vst v63  }
0x3a5: {  	s16 =	simm.s32 $0xAF10;
	s17 =	simm.s32 $0xEA70  }
0x3a6: {  	[tilespmem:s17], [sflag:$0x1] =	stream.indirect.gather [hbm4b:s13+s23], $0x1, s16, s23, $0xb8;
	[tilespmem:$0x125B0] =	vst v63  }
0x3a7: {  	s18 =	simm.s32 $0xAF90;
	s25 =	simm.s32 $0xEAF0  }
0x3a8: {  	[tilespmem:s25], [sflag:$0x1] =	stream.indirect.gather [hbm4b:s13+s23], $0x1, s18, s23, $0xb8;
	[tilespmem:$0x125B0] =	vst v63  }
0x3a9: {  	s26 =	simm.s32 $0xB010;
	s28 =	simm.s32 $0xEB70  }
0x3aa: {  	[tilespmem:s28], [sflag:$0x1] =	stream.indirect.gather [hbm4b:s13+s23], $0x1, s26, s23, $0xb8;
	[tilespmem:$0x125B0] =	vst v63  }
0x3ab: {  	s4 =	simm.s32 $0xB090;
	s5 =	simm.s32 $0xEBF0  }
0x3ac: {  	[tilespmem:s5], [sflag:$0x1] =	stream.indirect.gather [hbm4b:s13+s23], $0x1, s4, s23, $0xb8;
	[tilespmem:$0x125B0] =	vst v63  }
0x3ad: {  	s10 =	simm.s32 $0xB110;
	s11 =	simm.s32 $0xEC70  }
0x3ae: {  	[tilespmem:s11], [sflag:$0x1] =	stream.indirect.gather [hbm4b:s13+s7], $0x1, s10, s7, $0xb8;
	[tilespmem:$0x125B0] =	vst v63  }
0x3af: {  	_ =	swait.ge [sflag:s31], $0x80  }
0x3b0: {  	[sflag:s31] =	ssyncset.done $0x0  }
0x3b1: {  	[sflag:s31] =	ssyncadd.s32 $0xFFFFFF80  }
0x3b2: {  	_ =	swait.ge [sflag:s31], $0x80  }
0x3b3: {  	[sflag:s31] =	ssyncset.done $0x0  }
0x3b4: {  	[sflag:s31] =	ssyncadd.s32 $0xFFFFFF80  }
0x3b5: {  	_ =	swait.ge [sflag:s31], $0x80  }
0x3b6: {  	[sflag:s31] =	ssyncset.done $0x0  }
0x3b7: {  	[sflag:s31] =	ssyncadd.s32 $0xFFFFFF80  }
0x3b8: {  	_ =	swait.ge [sflag:s31], $0x80  }
0x3b9: {  	[sflag:s31] =	ssyncset.done $0x0  }
0x3ba: {  	[sflag:s31] =	ssyncadd.s32 $0xFFFFFF80  }
0x3bb: {  	_ =	swait.ge [sflag:s31], $0x80  }
0x3bc: {  	[sflag:s31] =	ssyncset.done $0x0  }
0x3bd: {  	[sflag:s31] =	ssyncadd.s32 $0xFFFFFF80  }
0x3be: {  	_ =	swait.ge [sflag:s31], $0x80  }
0x3bf: {  	[sflag:s31] =	ssyncset.done $0x0  }
0x3c0: {  	[sflag:s31] =	ssyncadd.s32 $0xFFFFFF80  }
0x3c1: {  	_ =	swait.ge [sflag:s31], $0x80  }
0x3c2: {  	[sflag:s31] =	ssyncset.done $0x0  }
0x3c3: {  	[sflag:s31] =	ssyncadd.s32 $0xFFFFFF80  }
0x3c4: {  	_ =	swait.ge [sflag:s31], $0x80  }
0x3c5: {  	[sflag:s31] =	ssyncset.done $0x0  }
0x3c6: {  	[sflag:s31] =	ssyncadd.s32 $0xFFFFFF80  }
0x3c7: {  	_ =	swait.ge [sflag:s31], $0x80  }
0x3c8: {  	[sflag:s31] =	ssyncset.done $0x0  }
0x3c9: {  	[sflag:s31] =	ssyncadd.s32 $0xFFFFFF80  }
0x3ca: {  	_ =	swait.ge [sflag:s31], $0x40  }
0x3cb: {  	[sflag:s31] =	ssyncset.done $0x0  }
0x3cc: {  	s12 =	simm.s32 $0xB150;
	[sflag:s31] =	ssyncadd.s32 $0xFFFFFFC0  }
0x3cd: {  	[tilespmem:s8], [sflag:$0x1] =	stream.indirect.gather [hbm4b:s14+s23], $0x1, s12, s23, $0xb8;
	[tilespmem:$0x125B0] =	vst v63  }
0x3ce: {  	s16 =	simm.s32 $0xB1D0;
	s17 =	simm.s32 $0xED30  }
0x3cf: {  	[tilespmem:s17], [sflag:$0x1] =	stream.indirect.gather [hbm4b:s14+s23], $0x1, s16, s23, $0xb8;
	[tilespmem:$0x125B0] =	vst v63  }
0x3d0: {  	s18 =	simm.s32 $0xB250;
	s25 =	simm.s32 $0xEDB0  }
0x3d1: {  	[tilespmem:s25], [sflag:$0x1] =	stream.indirect.gather [hbm4b:s14+s23], $0x1, s18, s23, $0xb8;
	[tilespmem:$0x125B0] =	vst v63  }
0x3d2: {  	s26 =	simm.s32 $0xB2D0;
	s28 =	simm.s32 $0xEE30  }
0x3d3: {  	[tilespmem:s28], [sflag:$0x1] =	stream.indirect.gather [hbm4b:s14+s23], $0x1, s26, s23, $0xb8;
	[tilespmem:$0x125B0] =	vst v63  }
0x3d4: {  	s5 =	simm.s32 $0xB350;
	s10 =	simm.s32 $0xEEB0  }
0x3d5: {  	[tilespmem:s10], [sflag:$0x1] =	stream.indirect.gather [hbm4b:s14+s23], $0x1, s5, s23, $0xb8;
	[tilespmem:$0x125B0] =	vst v63  }
0x3d6: {  	s11 =	simm.s32 $0xB3D0;
	s12 =	simm.s32 $0xEF30  }
0x3d7: {  	[tilespmem:s12], [sflag:$0x1] =	stream.indirect.gather [hbm4b:s14+s23], $0x1, s11, s23, $0xb8;
	[tilespmem:$0x125B0] =	vst v63  }
0x3d8: {  	s16 =	simm.s32 $0xB450;
	s17 =	simm.s32 $0xEFB0  }
0x3d9: {  	[tilespmem:s17], [sflag:$0x1] =	stream.indirect.gather [hbm4b:s14+s23], $0x1, s16, s23, $0xb8;
	[tilespmem:$0x125B0] =	vst v63  }
0x3da: {  	s18 =	simm.s32 $0xB4D0;
	s25 =	simm.s32 $0xF030  }
0x3db: {  	[tilespmem:s25], [sflag:$0x1] =	stream.indirect.gather [hbm4b:s14+s23], $0x1, s18, s23, $0xb8;
	[tilespmem:$0x125B0] =	vst v63  }
0x3dc: {  	s26 =	simm.s32 $0xB550;
	s28 =	simm.s32 $0xF0B0  }
0x3dd: {  	[tilespmem:s28], [sflag:$0x1] =	stream.indirect.gather [hbm4b:s14+s23], $0x1, s26, s23, $0xb8;
	[tilespmem:$0x125B0] =	vst v63  }
0x3de: {  	s5 =	simm.s32 $0xB5D0;
	s10 =	simm.s32 $0xF130  }
0x3df: {  	[tilespmem:s10], [sflag:$0x1] =	stream.indirect.gather [hbm4b:s14+s23], $0x1, s5, s23, $0xb8;
	[tilespmem:$0x125B0] =	vst v63  }
0x3e0: {  	s11 =	simm.s32 $0xB650;
	s12 =	simm.s32 $0xF1B0  }
0x3e1: {  	[tilespmem:s12], [sflag:$0x1] =	stream.indirect.gather [hbm4b:s14+s23], $0x1, s11, s23, $0xb8;
	[tilespmem:$0x125B0] =	vst v63  }
0x3e2: {  	s16 =	simm.s32 $0xB6D0;
	s17 =	simm.s32 $0xF230  }
0x3e3: {  	[tilespmem:s17], [sflag:$0x1] =	stream.indirect.gather [hbm4b:s14+s23], $0x1, s16, s23, $0xb8;
	[tilespmem:$0x125B0] =	vst v63  }
0x3e4: {  	s18 =	simm.s32 $0xB750;
	s25 =	simm.s32 $0xF2B0  }
0x3e5: {  	[tilespmem:s25], [sflag:$0x1] =	stream.indirect.gather [hbm4b:s14+s23], $0x1, s18, s23, $0xb8;
	[tilespmem:$0x125B0] =	vst v63  }
0x3e6: {  	s26 =	simm.s32 $0xB7D0;
	s28 =	simm.s32 $0xF330  }
0x3e7: {  	[tilespmem:s28], [sflag:$0x1] =	stream.indirect.gather [hbm4b:s14+s23], $0x1, s26, s23, $0xb8;
	[tilespmem:$0x125B0] =	vst v63  }
0x3e8: {  	s5 =	simm.s32 $0xB850;
	s10 =	simm.s32 $0xF3B0  }
0x3e9: {  	[tilespmem:s10], [sflag:$0x1] =	stream.indirect.gather [hbm4b:s14+s23], $0x1, s5, s23, $0xb8;
	[tilespmem:$0x125B0] =	vst v63  }
0x3ea: {  	s11 =	simm.s32 $0xB8D0;
	s12 =	simm.s32 $0xF430  }
0x3eb: {  	[tilespmem:s12], [sflag:$0x1] =	stream.indirect.gather [hbm4b:s14+s23], $0x1, s11, s23, $0xb8;
	[tilespmem:$0x125B0] =	vst v63  }
0x3ec: {  	s16 =	simm.s32 $0xB950;
	s17 =	simm.s32 $0xF4B0  }
0x3ed: {  	[tilespmem:s17], [sflag:$0x1] =	stream.indirect.gather [hbm4b:s14+s23], $0x1, s16, s23, $0xb8;
	[tilespmem:$0x125B0] =	vst v63  }
0x3ee: {  	s18 =	simm.s32 $0xB9D0;
	s25 =	simm.s32 $0xF530  }
0x3ef: {  	[tilespmem:s25], [sflag:$0x1] =	stream.indirect.gather [hbm4b:s14+s23], $0x1, s18, s23, $0xb8;
	[tilespmem:$0x125B0] =	vst v63  }
0x3f0: {  	s26 =	simm.s32 $0xBA50;
	s28 =	simm.s32 $0xF5B0  }
0x3f1: {  	[tilespmem:s28], [sflag:$0x1] =	stream.indirect.gather [hbm4b:s14+s23], $0x1, s26, s23, $0xb8;
	[tilespmem:$0x125B0] =	vst v63  }
0x3f2: {  	s5 =	simm.s32 $0xBAD0;
	s10 =	simm.s32 $0xF630  }
0x3f3: {  	[tilespmem:s10], [sflag:$0x1] =	stream.indirect.gather [hbm4b:s14+s23], $0x1, s5, s23, $0xb8;
	[tilespmem:$0x125B0] =	vst v63  }
0x3f4: {  	s11 =	simm.s32 $0xBB50;
	s12 =	simm.s32 $0xF6B0  }
0x3f5: {  	[tilespmem:s12], [sflag:$0x1] =	stream.indirect.gather [hbm4b:s14+s23], $0x1, s11, s23, $0xb8;
	[tilespmem:$0x125B0] =	vst v63  }
0x3f6: {  	s16 =	simm.s32 $0xBBD0;
	s17 =	simm.s32 $0xF730  }
0x3f7: {  	[tilespmem:s17], [sflag:$0x1] =	stream.indirect.gather [hbm4b:s14+s23], $0x1, s16, s23, $0xb8;
	[tilespmem:$0x125B0] =	vst v63  }
0x3f8: {  	s18 =	simm.s32 $0xBC50;
	s25 =	simm.s32 $0xF7B0  }
0x3f9: {  	[tilespmem:s25], [sflag:$0x1] =	stream.indirect.gather [hbm4b:s14+s23], $0x1, s18, s23, $0xb8;
	[tilespmem:$0x125B0] =	vst v63  }
0x3fa: {  	s26 =	simm.s32 $0x60;
	s28 =	simm.s32 $0xBCD0;
	s5 =	simm.s32 $0xF830  }
0x3fb: {  	[tilespmem:s5], [sflag:$0x1] =	stream.indirect.gather [hbm4b:s14+s26], $0x1, s28, s26, $0xb8;
	[tilespmem:$0x125B0] =	vst v63  }
0x3fc: {  	_ =	swait.ge [sflag:s31], $0x80  }
0x3fd: {  	[sflag:s31] =	ssyncset.done $0x0  }
0x3fe: {  	[sflag:s31] =	ssyncadd.s32 $0xFFFFFF80  }
0x3ff: {  	_ =	swait.ge [sflag:s31], $0x80  }
0x400: {  	[sflag:s31] =	ssyncset.done $0x0  }
0x401: {  	[sflag:s31] =	ssyncadd.s32 $0xFFFFFF80  }
0x402: {  	_ =	swait.ge [sflag:s31], $0x80  }
0x403: {  	[sflag:s31] =	ssyncset.done $0x0  }
0x404: {  	[sflag:s31] =	ssyncadd.s32 $0xFFFFFF80  }
0x405: {  	_ =	swait.ge [sflag:s31], $0x80  }
0x406: {  	[sflag:s31] =	ssyncset.done $0x0  }
0x407: {  	[sflag:s31] =	ssyncadd.s32 $0xFFFFFF80  }
0x408: {  	_ =	swait.ge [sflag:s31], $0x80  }
0x409: {  	[sflag:s31] =	ssyncset.done $0x0  }
0x40a: {  	[sflag:s31] =	ssyncadd.s32 $0xFFFFFF80  }
0x40b: {  	_ =	swait.ge [sflag:s31], $0x80  }
0x40c: {  	[sflag:s31] =	ssyncset.done $0x0  }
0x40d: {  	[sflag:s31] =	ssyncadd.s32 $0xFFFFFF80  }
0x40e: {  	_ =	swait.ge [sflag:s31], $0x80  }
0x40f: {  	[sflag:s31] =	ssyncset.done $0x0  }
0x410: {  	[sflag:s31] =	ssyncadd.s32 $0xFFFFFF80  }
0x411: {  	_ =	swait.ge [sflag:s31], $0x80  }
0x412: {  	[sflag:s31] =	ssyncset.done $0x0  }
0x413: {  	[sflag:s31] =	ssyncadd.s32 $0xFFFFFF80  }
0x414: {  	_ =	swait.ge [sflag:s31], $0x80  }
0x415: {  	[sflag:s31] =	ssyncset.done $0x0  }
0x416: {  	[sflag:s31] =	ssyncadd.s32 $0xFFFFFF80  }
0x417: {  	_ =	swait.ge [sflag:s31], $0x80  }
0x418: {  	[sflag:s31] =	ssyncset.done $0x0  }
0x419: {  	[sflag:s31] =	ssyncadd.s32 $0xFFFFFF80  }
0x41a: {  	_ =	swait.ge [sflag:s31], $0x80  }
0x41b: {  	[sflag:s31] =	ssyncset.done $0x0  }
0x41c: {  	[sflag:s31] =	ssyncadd.s32 $0xFFFFFF80  }
0x41d: {  	_ =	swait.ge [sflag:s31], $0x80  }
0x41e: {  	[sflag:s31] =	ssyncset.done $0x0  }
0x41f: {  	[sflag:s31] =	ssyncadd.s32 $0xFFFFFF80  }
0x420: {  	_ =	swait.ge [sflag:s31], $0x80  }
0x421: {  	[sflag:s31] =	ssyncset.done $0x0  }
0x422: {  	[sflag:s31] =	ssyncadd.s32 $0xFFFFFF80  }
0x423: {  	_ =	swait.ge [sflag:s31], $0x80  }
0x424: {  	[sflag:s31] =	ssyncset.done $0x0  }
0x425: {  	[sflag:s31] =	ssyncadd.s32 $0xFFFFFF80  }
0x426: {  	_ =	swait.ge [sflag:s31], $0x80  }
0x427: {  	[sflag:s31] =	ssyncset.done $0x0  }
0x428: {  	[sflag:s31] =	ssyncadd.s32 $0xFFFFFF80  }
0x429: {  	_ =	swait.ge [sflag:s31], $0x80  }
0x42a: {  	[sflag:s31] =	ssyncset.done $0x0  }
0x42b: {  	[sflag:s31] =	ssyncadd.s32 $0xFFFFFF80  }
0x42c: {  	_ =	swait.ge [sflag:s31], $0x80  }
0x42d: {  	[sflag:s31] =	ssyncset.done $0x0  }
0x42e: {  	[sflag:s31] =	ssyncadd.s32 $0xFFFFFF80  }
0x42f: {  	_ =	swait.ge [sflag:s31], $0x80  }
0x430: {  	[sflag:s31] =	ssyncset.done $0x0  }
0x431: {  	[sflag:s31] =	ssyncadd.s32 $0xFFFFFF80  }
0x432: {  	_ =	swait.ge [sflag:s31], $0x80  }
0x433: {  	[sflag:s31] =	ssyncset.done $0x0  }
0x434: {  	[sflag:s31] =	ssyncadd.s32 $0xFFFFFF80  }
0x435: {  	_ =	swait.ge [sflag:s31], $0x80  }
0x436: {  	[sflag:s31] =	ssyncset.done $0x0  }
0x437: {  	[sflag:s31] =	ssyncadd.s32 $0xFFFFFF80  }
0x438: {  	_ =	swait.ge [sflag:s31], $0x80  }
0x439: {  	[sflag:s31] =	ssyncset.done $0x0  }
0x43a: {  	[sflag:s31] =	ssyncadd.s32 $0xFFFFFF80  }
0x43b: {  	_ =	swait.ge [sflag:s31], $0x80  }
0x43c: {  	[sflag:s31] =	ssyncset.done $0x0  }
0x43d: {  	[sflag:s31] =	ssyncadd.s32 $0xFFFFFF80  }
0x43e: {  	_ =	swait.ge [sflag:s31], $0x80  }
0x43f: {  	[sflag:s31] =	ssyncset.done $0x0  }
0x440: {  	[sflag:s31] =	ssyncadd.s32 $0xFFFFFF80  }
0x441: {  	_ =	swait.ge [sflag:s31], $0x60  }
0x442: {  	s3 =	simm.s32 $0x200;
	[sflag:s31] =	ssyncset.done $0x0  }
0x443: {  	s4 =	simm.s32 $0xF890;
	s5 =	simm.s32 $0xBD30;
	[sflag:s31] =	ssyncadd.s32 $0xFFFFFFA0  }
.LBB2_85:
0x444: {  	[tilespmem:s4], [sflag:$0x1] =	stream.indirect.gather [hbm4b:s15+s23], $0x1, s5, s23, $0xb8;
	[tilespmem:$0x125B0] =	vst v63  }
0x445: {  	s4 =	smov.u32 s3;
	p1 =	sne.s32 s3, $0xA800  }
.Ltmp47:
0x446: {  	s3 =	sadd.s32 $0x200, s3;
	(pc) =	sbr.rel @p1 .LBB2_85-.Ltmp47, $3  }
0x447: {  	_ =	sdelay $0x1  }
0x448: {  	s5 =	sshra.s32 s4, $0x2  }
0x449: {  	s4 =	sadd.s32 $0xF890, s5;
	s5 =	sadd.s32 $0xBD30, s5  }
0x44a: {  	[tilespmem:s4], [sflag:$0x1] =	stream.indirect.gather [hbm4b:s15+s23], $0x1, s5, s23, $0xb8;
	[tilespmem:$0x125B0] =	vst v63  }
0x44b: {  	s3 =	simm.s32 $0xE7B0;
	s28 =	simm.s32 $0x12310  }
0x44c: {  	[tilespmem:s28], [sflag:$0x1] =	stream.indirect.gather [hbm4b:s15+s7], $0x1, s3, s7, $0xb8;
	[tilespmem:$0x125B0] =	vst v63  }
0x44d: {  	_ =	swait.ge [sflag:s31], $0x80  }
0x44e: {  	s3 =	simm.s32 $0x54;
	[sflag:s31] =	ssyncset.done $0x0  }
.LBB2_87:
0x44f: {  	p1 =	sne.s32 s3, $0x1;
	s3 =	sadd.s32 $0xFFFFFFFF, s3;
	[sflag:s31] =	ssyncadd.s32 $0xFFFFFF80  }
.Ltmp48:
0x450: {  	(pc) =	sbr.rel @p1 .LBB2_87-.Ltmp48, $3  }
0x451: {  	_ =	sdelay $0x1  }
0x452: {  	_ =	swait.ge [sflag:s31], $0x80  }
0x453: {  	[sflag:s31] =	ssyncset.done $0x0  }
0x454: {  	[sflag:s31] =	ssyncadd.s32 $0xFFFFFF80  }
0x455: {  	_ =	swait.ge [sflag:s31], $0x40  }
0x456: {  	[sflag:s31] =	ssyncset.done $0x0  }
0x457: {  	s3 =	simm.s32 $0xAB60;
	s7 =	simm.s32 $0x12350;
	[sflag:s31] =	ssyncadd.s32 $0xFFFFFFC0  }
0x458: {  	[tilespmem:s7], [sflag:$0x1] =	stream.indirect.gather [hbm4b:s0+s23], $0x1, s3, s23, $0xb8;
	[tilespmem:$0x125B0] =	vst v63  }
0x459: {  	s4 =	simm.s32 $0xABE0;
	s5 =	simm.s32 $0x123D0  }
0x45a: {  	[tilespmem:s5], [sflag:$0x1] =	stream.indirect.gather [hbm4b:s0+s23], $0x1, s4, s23, $0xb8;
	[tilespmem:$0x125B0] =	vst v63  }
0x45b: {  	s12 =	simm.s32 $0x30;
	s10 =	simm.s32 $0xAC60;
	s11 =	simm.s32 $0x12450  }
0x45c: {  	[tilespmem:s11], [sflag:$0x1] =	stream.indirect.gather [hbm4b:s0+s12], $0x1, s10, s12, $0xb8;
	[tilespmem:$0x125B0] =	vst v63  }
0x45d: {  	_ =	swait.ge [sflag:s31], $0x80  }
0x45e: {  	[sflag:s31] =	ssyncset.done $0x0  }
0x45f: {  	[sflag:s31] =	ssyncadd.s32 $0xFFFFFF80  }
0x460: {  	_ =	swait.ge [sflag:s31], $0x80  }
0x461: {  	[sflag:s31] =	ssyncset.done $0x0  }
0x462: {  	[sflag:s31] =	ssyncadd.s32 $0xFFFFFF80  }
0x463: {  	_ =	swait.ge [sflag:s31], $0x30  }
0x464: {  	[sflag:s31] =	ssyncset.done $0x0  }
0x465: {  	s11 =	simm.s32 $0x12480;
	[sflag:s31] =	ssyncadd.s32 $0xFFFFFFD0  }
0x466: {  	[tilespmem:s11], [sflag:$0x1] =	stream.indirect.gather [hbm4b:s1+s23], $0x1, s3, s23, $0xb8;
	[tilespmem:$0x125B0] =	vst v63  }
0x467: {  	s16 =	simm.s32 $0x12500  }
0x468: {  	[tilespmem:s16], [sflag:$0x1] =	stream.indirect.gather [hbm4b:s1+s23], $0x1, s4, s23, $0xb8;
	[tilespmem:$0x125B0] =	vst v63  }
0x469: {  	s17 =	simm.s32 $0x12580  }
0x46a: {  	[tilespmem:s17], [sflag:$0x1] =	stream.indirect.gather [hbm4b:s1+s12], $0x1, s10, s12, $0xb8;
	[tilespmem:$0x125B0] =	vst v63  }
0x46b: {  	_ =	swait.ge [sflag:s31], $0x80  }
0x46c: {  	[sflag:s31] =	ssyncset.done $0x0  }
0x46d: {  	[sflag:s31] =	ssyncadd.s32 $0xFFFFFF80  }
0x46e: {  	_ =	swait.ge [sflag:s31], $0x80  }
0x46f: {  	[sflag:s31] =	ssyncset.done $0x0  }
0x470: {  	[sflag:s31] =	ssyncadd.s32 $0xFFFFFF80  }
0x471: {  	_ =	swait.ge [sflag:s31], $0x30  }
0x472: {  	[sflag:s31] =	ssyncset.done $0x0  }
0x473: {  	s3 =	smul.u32 $0x26, s2;
	[sflag:s31] =	ssyncadd.s32 $0xFFFFFFD0  }
0x474: {  	s18 =	rddreg [dreg:$0x3]  }
0x475: {  	s25 =	simm.s32 $0xA900;
	s4 =	sadd.s32 s18, s3  }
0x476: {  	[hbm4b:s4+s9] =	stream.linear.scatter [tilespmem:s25], [sflag:$0x2], $0x130, $0x38;
	[tilespmem:$0x125B0] =	vst v63  }
0x477: {  	_ =	swait.ge [sflag:s19], $0x130  }
0x478: {  	[sflag:s19] =	ssyncset.done $0x0  }
0x479: {  	[sflag:s19] =	ssyncadd.s32 $0xFFFFFED0  }
0x47a: {  	s26 =	rddreg [dreg:$0x4]  }
0x47b: {  	s28 =	simm.s32 $0xAA30;
	s4 =	sadd.s32 s26, s3  }
0x47c: {  	[hbm4b:s4+s9] =	stream.linear.scatter [tilespmem:s28], [sflag:$0x2], $0x130, $0x38;
	[tilespmem:$0x125B0] =	vst v63  }
0x47d: {  	_ =	swait.ge [sflag:s19], $0x130  }
0x47e: {  	[sflag:s19] =	ssyncset.done $0x0  }
0x47f: {  	s5 =	smul.u32 $0x98, s2;
	[sflag:s19] =	ssyncadd.s32 $0xFFFFFED0  }
0x480: {  	s10 =	rddreg [dreg:$0x5]  }
0x481: {  	s4 =	sadd.s32 s10, s5  }
0x482: {  	[hbm4b:s4+s9] =	stream.linear.scatter [tilespmem:s6], [sflag:$0x2], $0x4C0, $0x38;
	[tilespmem:$0x125B0] =	vst v63  }
0x483: {  	_ =	swait.ge [sflag:s19], $0x4C0  }
0x484: {  	[sflag:s19] =	ssyncset.done $0x0  }
0x485: {  	s12 =	smul.u32 $0x17C, s2;
	[sflag:s19] =	ssyncadd.s32 $0xFFFFFB40  }
0x486: {  	s16 =	rddreg [dreg:$0x6]  }
0x487: {  	s4 =	sadd.s32 s16, s12  }
0x488: {  	[hbm4b:s4+s9] =	stream.linear.scatter [tilespmem:s8], [sflag:$0x2], $0xBE0, $0x38;
	[tilespmem:$0x125B0] =	vst v63  }
0x489: {  	s17 =	smul.u32 $0x558, s2;
	_ =	swait.ge [sflag:s19], $0xBE0  }
0x48a: {  	[sflag:s19] =	ssyncset.done $0x0;
	s18 =	rddreg [dreg:$0xc]  }
0x48b: {  	s25 =	simm.s32 $0xF890;
	[sflag:s19] =	ssyncadd.s32 $0xFFFFF420;
	s2 =	sadd.s32 s18, s17  }
0x48c: {  	[hbm4b:s2+s9] =	stream.linear.scatter [tilespmem:s25], [sflag:$0x2], $0x2AC0, $0x38;
	[tilespmem:$0x125B0] =	vst v63  }
0x48d: {  	_ =	swait.ge [sflag:s19], $0x2AC0  }
0x48e: {  	[sflag:s19] =	ssyncset.done $0x0  }
0x48f: {  	[sflag:s19] =	ssyncadd.s32 $0xFFFFD540  }
0x490: {  	s26 =	rddreg [dreg:$0x7]  }
0x491: {  	s2 =	sadd.s32 s26, s3  }
0x492: {  	[hbm4b:s2+s9] =	stream.linear.scatter [tilespmem:s7], [sflag:$0x2], $0x130, $0x38;
	[tilespmem:$0x125B0] =	vst v63  }
0x493: {  	_ =	swait.ge [sflag:s19], $0x130  }
0x494: {  	[sflag:s19] =	ssyncset.done $0x0  }
0x495: {  	[sflag:s19] =	ssyncadd.s32 $0xFFFFFED0  }
0x496: {  	s28 =	rddreg [dreg:$0x8]  }
0x497: {  	s2 =	sadd.s32 s28, s3  }
0x498: {  	[hbm4b:s2+s9] =	stream.linear.scatter [tilespmem:s11], [sflag:$0x2], $0x130, $0x38;
	[tilespmem:$0x125B0] =	vst v63  }
.Ltmp49:
0x499: {  	_ = 	snop;
	(pc) =	sbr.rel @p0 .LBB2_2-.Ltmp49, $4  }
.Ltmp50:
0x49a: {  	_ = 	snop;
	(pc) =	sbr.rel @!p0 .LBB2_89-.Ltmp50, $4  }
0x49b: {  	_ =	swait.ge [sflag:s19], $0x130  }
0x49c: {  	[sflag:s19] =	ssyncset.done $0x0  }
0x49d: {  	p1 =	por $0x0, $0x0;
	s2 =	simm.s32 $0x20;
	[sflag:s19] =	ssyncadd.s32 $0xFFFFFED0  }
0x49e: {  	_ = 	snop  }
.LBB2_19:
.Ltmp51:
0x49f: {  	(pc) =	sbr.rel .LBB2_23-.Ltmp51, $2  }
0x4a0: {  	_ =	sdelay $0x2  }
0x4a1: {  	s4 =	simm.s32 $0x0  }
.LBB2_17:
.Ltmp52:
0x4a2: {  	(pc) =	sbr.rel .LBB2_33-.Ltmp52, $2  }
0x4a3: {  	_ =	sdelay $0x2  }
0x4a4: {  	s4 =	simm.s32 $0x0  }
.LBB2_35:
.Ltmp53:
0x4a5: {  	(pc) =	sbr.rel .LBB2_39-.Ltmp53, $2  }
0x4a6: {  	_ =	sdelay $0x2  }
0x4a7: {  	s4 =	simm.s32 $0x0  }
.LBB2_29:
.Ltmp54:
0x4a8: {  	(pc) =	sbr.rel .LBB2_49-.Ltmp54, $2  }
0x4a9: {  	_ =	sdelay $0x2  }
0x4aa: {  	s4 =	simm.s32 $0x0  }
.LBB2_51:
.Ltmp55:
0x4ab: {  	(pc) =	sbr.rel .LBB2_55-.Ltmp55, $2  }
0x4ac: {  	_ =	sdelay $0x2  }
0x4ad: {  	s4 =	simm.s32 $0x0  }
.LBB2_45:
.Ltmp56:
0x4ae: {  	(pc) =	sbr.rel .LBB2_65-.Ltmp56, $2  }
0x4af: {  	_ =	sdelay $0x2  }
0x4b0: {  	s4 =	simm.s32 $0x0  }
.LBB2_67:
.Ltmp57:
0x4b1: {  	(pc) =	sbr.rel .LBB2_71-.Ltmp57, $2  }
0x4b2: {  	_ =	sdelay $0x2  }
0x4b3: {  	s4 =	simm.s32 $0x0  }
.LBB2_61:
.Ltmp58:
0x4b4: {  	(pc) =	sbr.rel .LBB2_75-.Ltmp58, $2  }
0x4b5: {  	_ =	sdelay $0x2  }
0x4b6: {  	s4 =	simm.s32 $0x0  }
.LBB2_21:
.Ltmp59:
0x4b7: {  	(pc) =	sbr.rel .LBB2_23-.Ltmp59, $2  }
0x4b8: {  	_ =	sdelay $0x2  }
0x4b9: {  	s4 =	simm.s32 $0x0  }
.LBB2_31:
.Ltmp60:
0x4ba: {  	(pc) =	sbr.rel .LBB2_33-.Ltmp60, $2  }
0x4bb: {  	_ =	sdelay $0x2  }
0x4bc: {  	s4 =	simm.s32 $0x0  }
.LBB2_37:
.Ltmp61:
0x4bd: {  	(pc) =	sbr.rel .LBB2_39-.Ltmp61, $2  }
0x4be: {  	_ =	sdelay $0x2  }
0x4bf: {  	s4 =	simm.s32 $0x0  }
.LBB2_47:
.Ltmp62:
0x4c0: {  	(pc) =	sbr.rel .LBB2_49-.Ltmp62, $2  }
0x4c1: {  	_ =	sdelay $0x2  }
0x4c2: {  	s4 =	simm.s32 $0x0  }
.LBB2_53:
.Ltmp63:
0x4c3: {  	(pc) =	sbr.rel .LBB2_55-.Ltmp63, $2  }
0x4c4: {  	_ =	sdelay $0x2  }
0x4c5: {  	s4 =	simm.s32 $0x0  }
.LBB2_63:
.Ltmp64:
0x4c6: {  	(pc) =	sbr.rel .LBB2_65-.Ltmp64, $2  }
0x4c7: {  	_ =	sdelay $0x2  }
0x4c8: {  	s4 =	simm.s32 $0x0  }
.LBB2_69:
.Ltmp65:
0x4c9: {  	(pc) =	sbr.rel .LBB2_71-.Ltmp65, $2  }
0x4ca: {  	_ =	sdelay $0x2  }
0x4cb: {  	s4 =	simm.s32 $0x0  }
.LBB2_73:
.Ltmp66:
0x4cc: {  	(pc) =	sbr.rel .LBB2_75-.Ltmp66, $2  }
0x4cd: {  	_ =	sdelay $0x2  }
0x4ce: {  	s4 =	simm.s32 $0x0  }
.LBB2_90:
0x4cf: {  	_ =	sfence.sel $0x180000  }
0x4d0: {  	[bflag:$0x0] =	sbarrier.arrive $0xFFFF  }
0x4d1: {  	_ =	strace $0x90000047  }
0x4d2: {  	s0 =	stileid.u32;
	[bflag:$0x2] =	sbarrier.arrive $0xFFFF  }
0x4d3: {  	p0 =	sne.s32 s0, $0x0;
	s0 =	rddreg [dreg:$0x9]  }
0x4d4: {  	s0 =	sadd.s32 @!p0 $0x100000, s0  }
0x4d5: {  	[sflag:s0] =	ssyncadd.tile.s32 @!p0 $0x1;
	_ =	shalt  }
.Lfunc_end2:
_tile_overlayer_lowered:
.L_overlay_start_2:
0x4d6: {  	(tag) =	ssettag $0x2  }
0x4d7: {  	s0 =	rddreg [dreg:$0x0];
	s2 =	stileid.u32  }
0x4d8: {  	s1 =	rddreg [dreg:$0x1];
	p0 =	sne.s32 s2, $0x0  }
0x4d9: {  	s3 =	rddreg [dreg:$0x2];
	[bflag:$0x3] =	sbarrier.arrive $0xFFFF;
	s2 =	simm.s32 @!p0 $0x1C02  }
0x4da: {  	[timem:s3], [sflag:s2] =	dma.local @!p0 [hbm:s0], s1  }
0x4db: {  	s0 =	simm.s32 @!p0 $0x2  }
0x4dc: {  	_ =	swait.ge @!p0 [sflag:s0], s1  }
0x4dd: {  	s1 =	ssub.s32 @!p0 $0x0, s1;
	[sflag:s0] =	ssyncset.done @!p0 $0x0  }
0x4de: {  	[sflag:s0] =	ssyncadd.s32 @!p0 s1  }
0x4df: {  	[bflag:$0x3] =	sbarrier.arrive $0xFFFF  }
0x4e0: {  	_ =	shalt  }

</sc_bundles>
